<compile_context>
chip_gen: v7x
topology: tpu7x:2x2x1
jax: 0.10.2.dev20260603
libtpu: 0.0.44.dev20260713+nightly
codegen_flags: <defaults>
</compile_context>

<pallas_src>
import functools
import math

import jax
import jax.numpy as jnp
from jax import lax
from jax.experimental import pallas as pl
from jax.experimental.pallas import tpu as pltpu
from jax.experimental.pallas import tpu_sc as plsc

_BETA = 0.5
_LM1 = math.log(0.01)
_LM2 = math.log(400.0)
_NBINS = 100
_SCALE = _NBINS / (_LM2 - _LM1)
_SCALE16 = 16.0 * _SCALE
_OFFS16 = 16.0 * (1.0 - _LM1 * _SCALE)
_HBINS = _NBINS + 2
_LANES = 16

_N = 4096 * 4096
_NC = 2
_NS = 16
_NW = _NC * _NS
_ROWS_W = 4096 // _NW
_SLAB_R = 8
_SLAB_C = 2048
_SLAB_ELEMS = _SLAB_R * _SLAB_C
_NSLAB = _ROWS_W * 4096 // _SLAB_ELEMS
_NBUF = 2
_UNROLL = 4
_OUTW = 112

_ROWS_PER_STEP = 128
_GRID = 4096 // _ROWS_PER_STEP


def _sc_hist_body(pred_hbm, act_hbm, hp_hbm, ha_hbm,
                  bp0, bp1, ba0, ba1, histp, hista, outp, outa,
                  sp0, sp1, sa0, sa1):
    wid = lax.axis_index("s") * _NC + lax.axis_index("c")
    base_row = wid * _ROWS_W

    zeros16 = jnp.zeros((_LANES,), jnp.float32)
    hsize = _HBINS * _LANES

    def zero_body(i, _):
        histp[pl.ds(i * _LANES, _LANES)] = zeros16
        hista[pl.ds(i * _LANES, _LANES)] = zeros16
        return 0

    lax.fori_loop(0, _HBINS * _UNROLL, zero_body, 0)

    bufs_p = [bp0, bp1]
    bufs_a = [ba0, ba1]
    sems_p = [sp0, sp1]
    sems_a = [sa0, sa1]

    def slab_slice(sid):
        r0 = base_row + (sid // 2) * _SLAB_R
        c0 = (sid % 2) * _SLAB_C
        return (pl.ds(r0, _SLAB_R), pl.ds(c0, _SLAB_C))

    for b in range(_NBUF):
        sl = slab_slice(b)
        pltpu.async_copy(pred_hbm.at[sl], bufs_p[b], sems_p[b])
        pltpu.async_copy(act_hbm.at[sl], bufs_a[b], sems_a[b])

    lane = lax.iota(jnp.int32, _LANES)
    lane_u = [lane + u * hsize for u in range(_UNROLL)]
    ones16 = jnp.ones((_LANES,), jnp.float32)
    scale16 = jnp.float32(_SCALE16)
    offs16 = jnp.float32(_OFFS16)
    topslot = jnp.uint32((_HBINS - 1) * _LANES + _LANES - 1)
    binmask = jnp.int32(-_LANES)

    def process(bufp, bufa):
        nblk_row = _SLAB_C // _LANES

        def body(j):
            for u in range(_UNROLL):
                k = j * _UNROLL + u
                r = k // nblk_row
                c = (k % nblk_row) * _LANES
                xp = bufp[r, pl.ds(c, _LANES)]
                xa = bufa[r, pl.ds(c, _LANES)]
                tp = xp * scale16 + offs16
                ta = xa * scale16 + offs16
                up = lax.bitcast_convert_type(tp.astype(jnp.int32),
                                              jnp.uint32)
                ua = lax.bitcast_convert_type(ta.astype(jnp.int32),
                                              jnp.uint32)
                ip = lax.bitcast_convert_type(jnp.minimum(up, topslot),
                                              jnp.int32) & binmask
                ia = lax.bitcast_convert_type(jnp.minimum(ua, topslot),
                                              jnp.int32) & binmask
                plsc.addupdate_scatter(histp, [ip + lane_u[u]], ones16)
                plsc.addupdate_scatter(hista, [ia + lane_u[u]], ones16)

        plsc.parallel_loop(
            0, _SLAB_ELEMS // (_UNROLL * _LANES), unroll=4)(body)

    dummy = (pl.ds(0, _SLAB_R), pl.ds(0, _SLAB_C))

    def outer(g, _):
        for b in range(_NBUF):
            cid = g * _NBUF + b
            pltpu.make_async_copy(
                pred_hbm.at[dummy], bufs_p[b], sems_p[b]).wait()
            pltpu.make_async_copy(
                act_hbm.at[dummy], bufs_a[b], sems_a[b]).wait()
            process(bufs_p[b], bufs_a[b])
            nxt = cid + _NBUF

            @pl.when(nxt < _NSLAB)
            def _():
                sl = slab_slice(nxt)
                pltpu.async_copy(pred_hbm.at[sl], bufs_p[b], sems_p[b])
                pltpu.async_copy(act_hbm.at[sl], bufs_a[b], sems_a[b])
        return 0

    lax.fori_loop(0, _NSLAB // _NBUF, outer, 0)

    def merge_body(i, _):
        sl = pl.ds(i * _LANES, _LANES)
        accp = histp[sl]
        acca = hista[sl]
        for u in range(1, _UNROLL):
            slu = pl.ds(u * hsize + i * _LANES, _LANES)
            accp = accp + histp[slu]
            acca = acca + hista[slu]
        outp[sl] = accp
        outa[sl] = acca
        return 0

    lax.fori_loop(0, _HBINS, merge_body, 0)

    pltpu.sync_copy(outp, hp_hbm.at[wid])
    pltpu.sync_copy(outa, ha_hbm.at[wid])


def _sc_histograms(pred_flat, act_flat):
    mesh = plsc.VectorSubcoreMesh(core_axis_name="c", subcore_axis_name="s")
    return pl.kernel(
        _sc_hist_body,
        out_type=(
            jax.ShapeDtypeStruct((_NW, _HBINS * _LANES), jnp.float32),
            jax.ShapeDtypeStruct((_NW, _HBINS * _LANES), jnp.float32),
        ),
        mesh=mesh,
        compiler_params=pltpu.CompilerParams(
            needs_layout_passes=False, use_tc_tiling_on_sc=True),
        scratch_types=[
            pltpu.VMEM((_SLAB_R, _SLAB_C), jnp.float32),
            pltpu.VMEM((_SLAB_R, _SLAB_C), jnp.float32),
            pltpu.VMEM((_SLAB_R, _SLAB_C), jnp.float32),
            pltpu.VMEM((_SLAB_R, _SLAB_C), jnp.float32),
            pltpu.VMEM((_UNROLL * _HBINS * _LANES,), jnp.float32),
            pltpu.VMEM((_UNROLL * _HBINS * _LANES,), jnp.float32),
            pltpu.VMEM((_HBINS * _LANES,), jnp.float32),
            pltpu.VMEM((_HBINS * _LANES,), jnp.float32),
            pltpu.SemaphoreType.DMA,
            pltpu.SemaphoreType.DMA,
            pltpu.SemaphoreType.DMA,
            pltpu.SemaphoreType.DMA,
        ],
    )(pred_flat, act_flat)


def _tc_mse_body(p_ref, a_ref, out_ref, acc_ref):
    i = pl.program_id(0)

    @pl.when(i == 0)
    def _():
        acc_ref[0] = 0.0

    d = p_ref[...] - a_ref[...]
    acc_ref[0] += jnp.sum(d * d)

    @pl.when(i == _GRID - 1)
    def _():
        out_ref[...] = jnp.full((1, 1), acc_ref[0], jnp.float32)


def _tc_mse(pred, actual):
    return pl.pallas_call(
        _tc_mse_body,
        grid=(_GRID,),
        in_specs=[
            pl.BlockSpec((_ROWS_PER_STEP, 4096), lambda i: (i, 0)),
            pl.BlockSpec((_ROWS_PER_STEP, 4096), lambda i: (i, 0)),
        ],
        out_specs=pl.BlockSpec((1, 1), lambda i: (0, 0)),
        out_shape=jax.ShapeDtypeStruct((1, 1), jnp.float32),
        scratch_shapes=[pltpu.SMEM((1,), jnp.float32)],
    )(pred, actual)


def _tc_body(hp_ref, ha_ref, mse_ref, out_ref):
    mse = mse_ref[0, 0] / jnp.float32(_N)
    flat_bin = lax.broadcasted_iota(
        jnp.int32, (_HBINS * _LANES, _OUTW), 0) // _LANES
    col = lax.broadcasted_iota(jnp.int32, (_HBINS * _LANES, _OUTW), 1)
    group = (flat_bin == col + 1).astype(jnp.float32)
    hp = jnp.dot(jnp.sum(hp_ref[...], axis=0, keepdims=True), group,
                 preferred_element_type=jnp.float32)
    ha = jnp.dot(jnp.sum(ha_ref[...], axis=0, keepdims=True), group,
                 preferred_element_type=jnp.float32)
    valid = lax.broadcasted_iota(jnp.int32, (1, _OUTW), 1) < _NBINS
    cp = jnp.where(valid, hp + 1e-5, 0.0)
    cq = jnp.where(valid, ha + 1e-5, 0.0)
    p = cp / jnp.sum(cp)
    q = cq / jnp.sum(cq)
    log_p = jnp.log(jnp.where(valid, p, 1.0))
    log_q = jnp.log(jnp.where(valid, q, 1.0))
    kld = jnp.sum(jnp.where(valid, q * (log_q - log_p), 0.0)) / _NBINS
    out_ref[...] = jnp.full((1, 1), mse + _BETA * kld, jnp.float32)


def _tc_combine(hp, ha, msep):
    return pl.pallas_call(
        _tc_body,
        out_shape=jax.ShapeDtypeStruct((1, 1), jnp.float32),
    )(hp, ha, msep)


@jax.jit
def kernel(pred, actual):
    msesum = _tc_mse(pred, actual)
    hp, ha = _sc_histograms(pred, actual)
    out = _tc_combine(hp, ha, msesum)
    return out[0, 0]

# --- scband reference (transcript-rebuilt; emitter-appended) ---
"""Pipeline reference for scband-mse-kl-loss-51101520888567 (READ-ONLY COPY).

The authoritative reference and input builder live on the scoring server;
editing this copy changes nothing except your own understanding.
"""

import jax, jax.numpy as jnp
import numpy as np
import math

BETA = 0.5
LM1 = math.log(0.01)
LM2 = math.log(400.0)

def _get_probability(x):
    # torch.histogram(x, 100, range=(lm1, lm2)); values outside range are excluded (numpy semantics match)
    h, _ = jnp.histogram(jax.lax.stop_gradient(x), bins=100, range=(LM1, LM2))
    h = h.astype(jnp.float32) + 1e-05
    return h / jnp.sum(h)

def setup_inputs(seed: int = 0) -> dict:
    key = jax.random.key(seed)
    k1, k2 = jax.random.split(key)
    pred = jax.random.normal(k1, (4096, 4096), dtype=jnp.float32)
    actual = jax.random.normal(k2, (4096, 4096), dtype=jnp.float32)
    return {"pred": pred, "actual": actual}

def reference(pred, actual):
    # MSE term (mean reduction)
    mse = jnp.mean((pred - actual) ** 2)
    # KLD term: KLDivLoss(reduction='batchmean', log_target=True) on log-probs of 100-bin histograms
    p = _get_probability(pred)
    q = _get_probability(actual)
    log_p = jnp.log(jax.lax.stop_gradient(p))
    log_q = jnp.log(jax.lax.stop_gradient(q))
    # loss_pointwise = exp(target) * (target - input); batchmean divides by batch size (=100 for 1D input)
    kld = jnp.sum(jnp.exp(log_q) * (log_q - log_p)) / 100.0
    return mse + BETA * kld

if __name__ == "__main__":
    import jax
    _d = setup_inputs()
    print(jax.jit(kernel)(*tuple(_d.values())))

</pallas_src>

<mosaic_0001>
#map = affine_map<(d0, d1) -> (0, 0)>
module attributes {stable_mosaic.version = 14 : i64} {
  func.func @_sc_hist_body(%arg0: i32, %arg1: i32, %arg2: memref<4096x4096xf32, #tpu.memory_space<hbm>>, %arg3: memref<4096x4096xf32, #tpu.memory_space<hbm>>, %arg4: memref<32x1632xf32, #tpu.memory_space<hbm>>, %arg5: memref<32x1632xf32, #tpu.memory_space<hbm>>, %arg6: memref<8x2048xf32, #tpu.memory_space<vmem>>, %arg7: memref<8x2048xf32, #tpu.memory_space<vmem>>, %arg8: memref<8x2048xf32, #tpu.memory_space<vmem>>, %arg9: memref<8x2048xf32, #tpu.memory_space<vmem>>, %arg10: memref<6528xf32, #tpu.memory_space<vmem>>, %arg11: memref<6528xf32, #tpu.memory_space<vmem>>, %arg12: memref<1632xf32, #tpu.memory_space<vmem>>, %arg13: memref<1632xf32, #tpu.memory_space<vmem>>, %arg14: memref<!tpu.dma_semaphore, #tpu.memory_space<semaphore_mem>>, %arg15: memref<!tpu.dma_semaphore, #tpu.memory_space<semaphore_mem>>, %arg16: memref<!tpu.dma_semaphore, #tpu.memory_space<semaphore_mem>>, %arg17: memref<!tpu.dma_semaphore, #tpu.memory_space<semaphore_mem>>) attributes {dimension_semantics = [#tpu.dimension_semantics<core_parallel>, #tpu.dimension_semantics<subcore_parallel>], iteration_bounds = array<i64: 2, 16>, scalar_prefetch = 0 : i64, scratch_operands = 12 : i64, tpu.core_type = #tpu.core_type<sc_vector_subcore>, window_params = [{transform_indices = #map}, {transform_indices = #map}, {transform_indices = #map}, {transform_indices = #map}]} {
    %mul3A = arith.constant 2 : i32
    %mul3A_0 = arith.muli %arg1, %mul3A : i32
    %add3A = arith.addi %mul3A_0, %arg0 : i32
    %mul3A_1 = arith.constant 128 : i32
    %mul3A_2 = arith.muli %add3A, %mul3A_1 : i32
    %broadcast_in_dim3A = arith.constant 0.000000e+00 : f32
    %broadcast_in_dim3A_3 = vector.broadcast %broadcast_in_dim3A : f32 to vector<16xf32>
    %scan3A = arith.constant 0 : i32
    %scan3A_4 = arith.constant 0 : i32
    %scan3A_5 = arith.constant 408 : i32
    %scan3A_6 = arith.addi %scan3A_4, %scan3A_5 : i32
    %scan3A_7 = arith.constant 1 : i32
    %scan3A_8 = scf.for %scan3A_61 = %scan3A_4 to %scan3A_6 step %scan3A_7 iter_args(%scan3A_62 = %scan3A) -> (i32)  : i32 {
      %mul3A_63 = arith.constant 16 : i32
      %mul3A_64 = arith.muli %scan3A_61, %mul3A_63 : i32
      %swap3A = arith.index_cast %mul3A_64 : i32 to index
      %swap3A_65 = tpu.vector_load %arg10[%swap3A] {strides = array<i32>} : memref<6528xf32, #tpu.memory_space<vmem>>, vector<16xf32>,
      tpu.vector_store %arg10[%swap3A], %broadcast_in_dim3A_3 {strides = array<i32>} : memref<6528xf32, #tpu.memory_space<vmem>>, vector<16xf32>,
      %mul3A_66 = arith.constant 16 : i32
      %mul3A_67 = arith.muli %scan3A_61, %mul3A_66 : i32
      %swap3A_68 = arith.index_cast %mul3A_67 : i32 to index
      %swap3A_69 = tpu.vector_load %arg11[%swap3A_68] {strides = array<i32>} : memref<6528xf32, #tpu.memory_space<vmem>>, vector<16xf32>,
      tpu.vector_store %arg11[%swap3A_68], %broadcast_in_dim3A_3 {strides = array<i32>} : memref<6528xf32, #tpu.memory_space<vmem>>, vector<16xf32>,
      %scan3A_70 = arith.constant 0 : i32
      scf.yield %scan3A_70 : i32
    }
    %scan3A_9 = arith.constant 408 : i32
    %add3A_10 = arith.constant 0 : i32
    %add3A_11 = arith.addi %mul3A_2, %add3A_10 : i32
    %dma_start3A = arith.constant 0 : i32
    %dma_start3A_12 = tpu.memref_slice %arg2[%add3A_11, %dma_start3A] : memref<4096x4096xf32, #tpu.memory_space<hbm>> -> memref<8x2048xf32, #tpu.memory_space<hbm>>
    %dma_start3A_13 = arith.constant 0 : i32
    %dma_start3A_14 = tpu.memref_slice %arg2[%add3A_11, %dma_start3A_13] : memref<4096x4096xf32, #tpu.memory_space<hbm>> -> memref<8x2048xf32, #tpu.memory_space<hbm>>
    tpu.enqueue_dma source(%dma_start3A_14 : memref<8x2048xf32, #tpu.memory_space<hbm>>) target(%arg6 : memref<8x2048xf32, #tpu.memory_space<vmem>>) target_semaphore(%arg14 : memref<!tpu.dma_semaphore, #tpu.memory_space<semaphore_mem>>)
    %dma_start3A_15 = arith.constant 0 : i32
    %dma_start3A_16 = tpu.memref_slice %arg3[%add3A_11, %dma_start3A_15] : memref<4096x4096xf32, #tpu.memory_space<hbm>> -> memref<8x2048xf32, #tpu.memory_space<hbm>>
    %dma_start3A_17 = arith.constant 0 : i32
    %dma_start3A_18 = tpu.memref_slice %arg3[%add3A_11, %dma_start3A_17] : memref<4096x4096xf32, #tpu.memory_space<hbm>> -> memref<8x2048xf32, #tpu.memory_space<hbm>>
    tpu.enqueue_dma source(%dma_start3A_18 : memref<8x2048xf32, #tpu.memory_space<hbm>>) target(%arg8 : memref<8x2048xf32, #tpu.memory_space<vmem>>) target_semaphore(%arg16 : memref<!tpu.dma_semaphore, #tpu.memory_space<semaphore_mem>>)
    %add3A_19 = arith.constant 0 : i32
    %add3A_20 = arith.addi %mul3A_2, %add3A_19 : i32
    %dma_start3A_21 = arith.constant 2048 : i32
    %dma_start3A_22 = tpu.memref_slice %arg2[%add3A_20, %dma_start3A_21] : memref<4096x4096xf32, #tpu.memory_space<hbm>> -> memref<8x2048xf32, #tpu.memory_space<hbm>>
    %dma_start3A_23 = arith.constant 2048 : i32
    %dma_start3A_24 = tpu.memref_slice %arg2[%add3A_20, %dma_start3A_23] : memref<4096x4096xf32, #tpu.memory_space<hbm>> -> memref<8x2048xf32, #tpu.memory_space<hbm>>
    tpu.enqueue_dma source(%dma_start3A_24 : memref<8x2048xf32, #tpu.memory_space<hbm>>) target(%arg7 : memref<8x2048xf32, #tpu.memory_space<vmem>>) target_semaphore(%arg15 : memref<!tpu.dma_semaphore, #tpu.memory_space<semaphore_mem>>)
    %dma_start3A_25 = arith.constant 2048 : i32
    %dma_start3A_26 = tpu.memref_slice %arg3[%add3A_20, %dma_start3A_25] : memref<4096x4096xf32, #tpu.memory_space<hbm>> -> memref<8x2048xf32, #tpu.memory_space<hbm>>
    %dma_start3A_27 = arith.constant 2048 : i32
    %dma_start3A_28 = tpu.memref_slice %arg3[%add3A_20, %dma_start3A_27] : memref<4096x4096xf32, #tpu.memory_space<hbm>> -> memref<8x2048xf32, #tpu.memory_space<hbm>>
    tpu.enqueue_dma source(%dma_start3A_28 : memref<8x2048xf32, #tpu.memory_space<hbm>>) target(%arg9 : memref<8x2048xf32, #tpu.memory_space<vmem>>) target_semaphore(%arg17 : memref<!tpu.dma_semaphore, #tpu.memory_space<semaphore_mem>>)
    %iota3A = tpu.iota {dimensions = array<i32: 0>} : vector<16xi32>
    %add3A_29 = arith.constant 0 : i32
    %add3A_30 = vector.broadcast %add3A_29 : i32 to vector<16xi32>
    %add3A_31 = arith.addi %iota3A, %add3A_30 : vector<16xi32>
    %add3A_32 = arith.constant 1632 : i32
    %add3A_33 = vector.broadcast %add3A_32 : i32 to vector<16xi32>
    %add3A_34 = arith.addi %iota3A, %add3A_33 : vector<16xi32>
    %add3A_35 = arith.constant 3264 : i32
    %add3A_36 = vector.broadcast %add3A_35 : i32 to vector<16xi32>
    %add3A_37 = arith.addi %iota3A, %add3A_36 : vector<16xi32>
    %add3A_38 = arith.constant 4896 : i32
    %add3A_39 = vector.broadcast %add3A_38 : i32 to vector<16xi32>
    %add3A_40 = arith.addi %iota3A, %add3A_39 : vector<16xi32>
    %broadcast_in_dim3A_41 = arith.constant 1.000000e+00 : f32
    %broadcast_in_dim3A_42 = vector.broadcast %broadcast_in_dim3A_41 : f32 to vector<16xf32>
    %scan3A_43 = arith.constant 150.991333 : f32
    %scan3A_44 = arith.constant 711.340759 : f32
    %scan3A_45 = arith.constant 1631 : i32
    %scan3A_46 = arith.constant -16 : i32
    %scan3A_47 = arith.constant 0 : i32
    %scan3A_48 = arith.constant 0 : i32
    %scan3A_49 = arith.constant 16 : i32
    %scan3A_50 = arith.addi %scan3A_48, %scan3A_49 : i32
    %scan3A_51 = arith.constant 1 : i32
    %scan3A_52 = scf.for %scan3A_61 = %scan3A_48 to %scan3A_50 step %scan3A_51 iter_args(%scan3A_62 = %scan3A_47) -> (i32)  : i32 {
      %mul3A_63 = arith.constant 2 : i32
      %mul3A_64 = arith.muli %scan3A_61, %mul3A_63 : i32
      %add3A_65 = arith.constant 0 : i32
      %add3A_66 = arith.addi %mul3A_64, %add3A_65 : i32
      %dma_wait3A = arith.constant 0 : i32
      %dma_wait3A_67 = arith.constant 0 : i32
      %dma_wait3A_68 = tpu.memref_slice %arg2[%dma_wait3A, %dma_wait3A_67] : memref<4096x4096xf32, #tpu.memory_space<hbm>> -> memref<8x2048xf32, #tpu.memory_space<hbm>>
      %dma_wait3A_69 = arith.constant 0 : i32
      %dma_wait3A_70 = arith.constant 0 : i32
      %dma_wait3A_71 = tpu.memref_slice %arg2[%dma_wait3A_69, %dma_wait3A_70] : memref<4096x4096xf32, #tpu.memory_space<hbm>> -> memref<8x2048xf32, #tpu.memory_space<hbm>>
      tpu.wait_dma2 semaphore(%arg14 : memref<!tpu.dma_semaphore, #tpu.memory_space<semaphore_mem>>) src(%dma_wait3A_71 : memref<8x2048xf32, #tpu.memory_space<hbm>>) dst(%arg6 : memref<8x2048xf32, #tpu.memory_space<vmem>>)
      %dma_wait3A_72 = arith.constant 0 : i32
      %dma_wait3A_73 = arith.constant 0 : i32
      %dma_wait3A_74 = tpu.memref_slice %arg3[%dma_wait3A_72, %dma_wait3A_73] : memref<4096x4096xf32, #tpu.memory_space<hbm>> -> memref<8x2048xf32, #tpu.memory_space<hbm>>
      %dma_wait3A_75 = arith.constant 0 : i32
      %dma_wait3A_76 = arith.constant 0 : i32
      %dma_wait3A_77 = tpu.memref_slice %arg3[%dma_wait3A_75, %dma_wait3A_76] : memref<4096x4096xf32, #tpu.memory_space<hbm>> -> memref<8x2048xf32, #tpu.memory_space<hbm>>
      tpu.wait_dma2 semaphore(%arg16 : memref<!tpu.dma_semaphore, #tpu.memory_space<semaphore_mem>>) src(%dma_wait3A_77 : memref<8x2048xf32, #tpu.memory_space<hbm>>) dst(%arg8 : memref<8x2048xf32, #tpu.memory_space<vmem>>)
      %parallel_loop3A = arith.constant 0 : i32
      %parallel_loop3A_78 = arith.constant 256 : i32
      %parallel_loop3A_79 = arith.constant 1 : i32
      scf.for %parallel_loop3A_111 = %parallel_loop3A to %parallel_loop3A_78 step %parallel_loop3A_79  : i32 {
        %parallel_loop3A_112 = arith.constant 4 : i32
        %parallel_loop3A_113 = arith.muli %parallel_loop3A_111, %parallel_loop3A_112 : i32
        %parallel_loop3A_114 = arith.constant 0 : i32
        %parallel_loop3A_115 = arith.addi %parallel_loop3A_113, %parallel_loop3A_114 : i32
        %parallel_loop3A_116 = arith.constant 128 : i32
        %parallel_loop3A_117 = arith.divsi %parallel_loop3A_115, %parallel_loop3A_116 : i32
        %parallel_loop3A_118 = arith.constant 0 : i32
        %parallel_loop3A_119 = arith.cmpi sgt, %parallel_loop3A_115, %parallel_loop3A_118 : i32
        %parallel_loop3A_120 = arith.extui %parallel_loop3A_119 : i1 to i32
        %parallel_loop3A_121 = arith.constant 0 : i32
        %parallel_loop3A_122 = arith.cmpi slt, %parallel_loop3A_115, %parallel_loop3A_121 : i32
        %parallel_loop3A_123 = arith.extui %parallel_loop3A_122 : i1 to i32
        %parallel_loop3A_124 = arith.subi %parallel_loop3A_120, %parallel_loop3A_123 : i32
        %parallel_loop3A_125 = arith.constant 0 : i32
        %parallel_loop3A_126 = arith.cmpi sgt, %parallel_loop3A_116, %parallel_loop3A_125 : i32
        %parallel_loop3A_127 = arith.extui %parallel_loop3A_126 : i1 to i32
        %parallel_loop3A_128 = arith.constant 0 : i32
        %parallel_loop3A_129 = arith.cmpi slt, %parallel_loop3A_116, %parallel_loop3A_128 : i32
        %parallel_loop3A_130 = arith.extui %parallel_loop3A_129 : i1 to i32
        %parallel_loop3A_131 = arith.subi %parallel_loop3A_127, %parallel_loop3A_130 : i32
        %parallel_loop3A_132 = arith.cmpi ne, %parallel_loop3A_124, %parallel_loop3A_131 : i32
        %parallel_loop3A_133 = arith.remsi %parallel_loop3A_115, %parallel_loop3A_116 : i32
        %parallel_loop3A_134 = arith.constant 0 : i32
        %parallel_loop3A_135 = arith.cmpi ne, %parallel_loop3A_133, %parallel_loop3A_134 : i32
        %parallel_loop3A_136 = arith.andi %parallel_loop3A_132, %parallel_loop3A_135 : i1
        %parallel_loop3A_137 = arith.constant 1 : i32
        %parallel_loop3A_138 = arith.subi %parallel_loop3A_117, %parallel_loop3A_137 : i32
        %parallel_loop3A_139 = arith.select %parallel_loop3A_136, %parallel_loop3A_138, %parallel_loop3A_117 : i32
        %parallel_loop3A_140 = arith.constant 128 : i32
        %parallel_loop3A_141 = arith.constant 0 : i32
        %parallel_loop3A_142 = arith.cmpi eq, %parallel_loop3A_140, %parallel_loop3A_141 : i32
        %parallel_loop3A_143 = arith.constant 1 : i32
        %parallel_loop3A_144 = arith.select %parallel_loop3A_142, %parallel_loop3A_143, %parallel_loop3A_140 : i32
        %parallel_loop3A_145 = arith.remsi %parallel_loop3A_115, %parallel_loop3A_144 : i32
        %parallel_loop3A_146 = arith.constant 0 : i32
        %parallel_loop3A_147 = arith.cmpi ne, %parallel_loop3A_145, %parallel_loop3A_146 : i32
        %parallel_loop3A_148 = arith.constant 0 : i32
        %parallel_loop3A_149 = arith.cmpi slt, %parallel_loop3A_145, %parallel_loop3A_148 : i32
        %parallel_loop3A_150 = arith.constant 0 : i32
        %parallel_loop3A_151 = arith.cmpi slt, %parallel_loop3A_144, %parallel_loop3A_150 : i32
        %parallel_loop3A_152 = arith.xori %parallel_loop3A_149, %parallel_loop3A_151 : i1
        %parallel_loop3A_153 = arith.andi %parallel_loop3A_152, %parallel_loop3A_147 : i1
        %parallel_loop3A_154 = arith.addi %parallel_loop3A_145, %parallel_loop3A_144 : i32
        %parallel_loop3A_155 = arith.select %parallel_loop3A_153, %parallel_loop3A_154, %parallel_loop3A_145 : i32
        %parallel_loop3A_156 = arith.constant 16 : i32
        %parallel_loop3A_157 = arith.muli %parallel_loop3A_155, %parallel_loop3A_156 : i32
        %parallel_loop3A_158 = arith.index_cast %parallel_loop3A_139 : i32 to index
        %parallel_loop3A_159 = arith.index_cast %parallel_loop3A_157 : i32 to index
        %parallel_loop3A_160 = tpu.vector_load %arg6[%parallel_loop3A_158, %parallel_loop3A_159] {strides = array<i32>} : memref<8x2048xf32, #tpu.memory_space<vmem>>, vector<16xf32>,
        %parallel_loop3A_161 = arith.index_cast %parallel_loop3A_139 : i32 to index
        %parallel_loop3A_162 = arith.index_cast %parallel_loop3A_157 : i32 to index
        %parallel_loop3A_163 = tpu.vector_load %arg8[%parallel_loop3A_161, %parallel_loop3A_162] {strides = array<i32>} : memref<8x2048xf32, #tpu.memory_space<vmem>>, vector<16xf32>,
        %parallel_loop3A_164 = vector.broadcast %scan3A_43 : f32 to vector<16xf32>
        %parallel_loop3A_165 = arith.mulf %parallel_loop3A_160, %parallel_loop3A_164 : vector<16xf32>
        %parallel_loop3A_166 = vector.broadcast %scan3A_44 : f32 to vector<16xf32>
        %parallel_loop3A_167 = arith.addf %parallel_loop3A_165, %parallel_loop3A_166 : vector<16xf32>
        %parallel_loop3A_168 = vector.broadcast %scan3A_43 : f32 to vector<16xf32>
        %parallel_loop3A_169 = arith.mulf %parallel_loop3A_163, %parallel_loop3A_168 : vector<16xf32>
        %parallel_loop3A_170 = vector.broadcast %scan3A_44 : f32 to vector<16xf32>
        %parallel_loop3A_171 = arith.addf %parallel_loop3A_169, %parallel_loop3A_170 : vector<16xf32>
        %parallel_loop3A_172 = arith.fptosi %parallel_loop3A_167 : vector<16xf32> to vector<16xi32>
        %parallel_loop3A_173 = tpu.bitcast %parallel_loop3A_172 : vector<16xi32> -> vector<16xi32>
        %parallel_loop3A_174 = arith.fptosi %parallel_loop3A_171 : vector<16xf32> to vector<16xi32>
        %parallel_loop3A_175 = tpu.bitcast %parallel_loop3A_174 : vector<16xi32> -> vector<16xi32>
        %parallel_loop3A_176 = vector.broadcast %scan3A_45 : i32 to vector<16xi32>
        %parallel_loop3A_177 = arith.minui %parallel_loop3A_173, %parallel_loop3A_176 : vector<16xi32>
        %parallel_loop3A_178 = tpu.bitcast %parallel_loop3A_177 : vector<16xi32> -> vector<16xi32>
        %parallel_loop3A_179 = vector.broadcast %scan3A_46 : i32 to vector<16xi32>
        %parallel_loop3A_180 = arith.andi %parallel_loop3A_178, %parallel_loop3A_179 : vector<16xi32>
        %parallel_loop3A_181 = vector.broadcast %scan3A_45 : i32 to vector<16xi32>
        %parallel_loop3A_182 = arith.minui %parallel_loop3A_175, %parallel_loop3A_181 : vector<16xi32>
        %parallel_loop3A_183 = tpu.bitcast %parallel_loop3A_182 : vector<16xi32> -> vector<16xi32>
        %parallel_loop3A_184 = vector.broadcast %scan3A_46 : i32 to vector<16xi32>
        %parallel_loop3A_185 = arith.andi %parallel_loop3A_183, %parallel_loop3A_184 : vector<16xi32>
        %parallel_loop3A_186 = arith.addi %parallel_loop3A_180, %add3A_31 : vector<16xi32>
        tpu.vector_store_idx %arg10[%parallel_loop3A_186], %broadcast_in_dim3A_42 {add = true} : memref<6528xf32, #tpu.memory_space<vmem>>[vector<16xi32>], vector<16xf32>,
        %parallel_loop3A_187 = arith.addi %parallel_loop3A_185, %add3A_31 : vector<16xi32>
        tpu.vector_store_idx %arg11[%parallel_loop3A_187], %broadcast_in_dim3A_42 {add = true} : memref<6528xf32, #tpu.memory_space<vmem>>[vector<16xi32>], vector<16xf32>,
        %parallel_loop3A_188 = arith.constant 4 : i32
        %parallel_loop3A_189 = arith.muli %parallel_loop3A_111, %parallel_loop3A_188 : i32
        %parallel_loop3A_190 = arith.constant 1 : i32
        %parallel_loop3A_191 = arith.addi %parallel_loop3A_189, %parallel_loop3A_190 : i32
        %parallel_loop3A_192 = arith.constant 128 : i32
        %parallel_loop3A_193 = arith.divsi %parallel_loop3A_191, %parallel_loop3A_192 : i32
        %parallel_loop3A_194 = arith.constant 0 : i32
        %parallel_loop3A_195 = arith.cmpi sgt, %parallel_loop3A_191, %parallel_loop3A_194 : i32
        %parallel_loop3A_196 = arith.extui %parallel_loop3A_195 : i1 to i32
        %parallel_loop3A_197 = arith.constant 0 : i32
        %parallel_loop3A_198 = arith.cmpi slt, %parallel_loop3A_191, %parallel_loop3A_197 : i32
        %parallel_loop3A_199 = arith.extui %parallel_loop3A_198 : i1 to i32
        %parallel_loop3A_200 = arith.subi %parallel_loop3A_196, %parallel_loop3A_199 : i32
        %parallel_loop3A_201 = arith.constant 0 : i32
        %parallel_loop3A_202 = arith.cmpi sgt, %parallel_loop3A_192, %parallel_loop3A_201 : i32
        %parallel_loop3A_203 = arith.extui %parallel_loop3A_202 : i1 to i32
        %parallel_loop3A_204 = arith.constant 0 : i32
        %parallel_loop3A_205 = arith.cmpi slt, %parallel_loop3A_192, %parallel_loop3A_204 : i32
        %parallel_loop3A_206 = arith.extui %parallel_loop3A_205 : i1 to i32
        %parallel_loop3A_207 = arith.subi %parallel_loop3A_203, %parallel_loop3A_206 : i32
        %parallel_loop3A_208 = arith.cmpi ne, %parallel_loop3A_200, %parallel_loop3A_207 : i32
        %parallel_loop3A_209 = arith.remsi %parallel_loop3A_191, %parallel_loop3A_192 : i32
        %parallel_loop3A_210 = arith.constant 0 : i32
        %parallel_loop3A_211 = arith.cmpi ne, %parallel_loop3A_209, %parallel_loop3A_210 : i32
        %parallel_loop3A_212 = arith.andi %parallel_loop3A_208, %parallel_loop3A_211 : i1
        %parallel_loop3A_213 = arith.constant 1 : i32
        %parallel_loop3A_214 = arith.subi %parallel_loop3A_193, %parallel_loop3A_213 : i32
        %parallel_loop3A_215 = arith.select %parallel_loop3A_212, %parallel_loop3A_214, %parallel_loop3A_193 : i32
        %parallel_loop3A_216 = arith.constant 128 : i32
        %parallel_loop3A_217 = arith.constant 0 : i32
        %parallel_loop3A_218 = arith.cmpi eq, %parallel_loop3A_216, %parallel_loop3A_217 : i32
        %parallel_loop3A_219 = arith.constant 1 : i32
        %parallel_loop3A_220 = arith.select %parallel_loop3A_218, %parallel_loop3A_219, %parallel_loop3A_216 : i32
        %parallel_loop3A_221 = arith.remsi %parallel_loop3A_191, %parallel_loop3A_220 : i32
        %parallel_loop3A_222 = arith.constant 0 : i32
        %parallel_loop3A_223 = arith.cmpi ne, %parallel_loop3A_221, %parallel_loop3A_222 : i32
        %parallel_loop3A_224 = arith.constant 0 : i32
        %parallel_loop3A_225 = arith.cmpi slt, %parallel_loop3A_221, %parallel_loop3A_224 : i32
        %parallel_loop3A_226 = arith.constant 0 : i32
        %parallel_loop3A_227 = arith.cmpi slt, %parallel_loop3A_220, %parallel_loop3A_226 : i32
        %parallel_loop3A_228 = arith.xori %parallel_loop3A_225, %parallel_loop3A_227 : i1
        %parallel_loop3A_229 = arith.andi %parallel_loop3A_228, %parallel_loop3A_223 : i1
        %parallel_loop3A_230 = arith.addi %parallel_loop3A_221, %parallel_loop3A_220 : i32
        %parallel_loop3A_231 = arith.select %parallel_loop3A_229, %parallel_loop3A_230, %parallel_loop3A_221 : i32
        %parallel_loop3A_232 = arith.constant 16 : i32
        %parallel_loop3A_233 = arith.muli %parallel_loop3A_231, %parallel_loop3A_232 : i32
        %parallel_loop3A_234 = arith.index_cast %parallel_loop3A_215 : i32 to index
        %parallel_loop3A_235 = arith.index_cast %parallel_loop3A_233 : i32 to index
        %parallel_loop3A_236 = tpu.vector_load %arg6[%parallel_loop3A_234, %parallel_loop3A_235] {strides = array<i32>} : memref<8x2048xf32, #tpu.memory_space<vmem>>, vector<16xf32>,
        %parallel_loop3A_237 = arith.index_cast %parallel_loop3A_215 : i32 to index
        %parallel_loop3A_238 = arith.index_cast %parallel_loop3A_233 : i32 to index
        %parallel_loop3A_239 = tpu.vector_load %arg8[%parallel_loop3A_237, %parallel_loop3A_238] {strides = array<i32>} : memref<8x2048xf32, #tpu.memory_space<vmem>>, vector<16xf32>,
        %parallel_loop3A_240 = vector.broadcast %scan3A_43 : f32 to vector<16xf32>
        %parallel_loop3A_241 = arith.mulf %parallel_loop3A_236, %parallel_loop3A_240 : vector<16xf32>
        %parallel_loop3A_242 = vector.broadcast %scan3A_44 : f32 to vector<16xf32>
        %parallel_loop3A_243 = arith.addf %parallel_loop3A_241, %parallel_loop3A_242 : vector<16xf32>
        %parallel_loop3A_244 = vector.broadcast %scan3A_43 : f32 to vector<16xf32>
        %parallel_loop3A_245 = arith.mulf %parallel_loop3A_239, %parallel_loop3A_244 : vector<16xf32>
        %parallel_loop3A_246 = vector.broadcast %scan3A_44 : f32 to vector<16xf32>
        %parallel_loop3A_247 = arith.addf %parallel_loop3A_245, %parallel_loop3A_246 : vector<16xf32>
        %parallel_loop3A_248 = arith.fptosi %parallel_loop3A_243 : vector<16xf32> to vector<16xi32>
        %parallel_loop3A_249 = tpu.bitcast %parallel_loop3A_248 : vector<16xi32> -> vector<16xi32>
        %parallel_loop3A_250 = arith.fptosi %parallel_loop3A_247 : vector<16xf32> to vector<16xi32>
        %parallel_loop3A_251 = tpu.bitcast %parallel_loop3A_250 : vector<16xi32> -> vector<16xi32>
        %parallel_loop3A_252 = vector.broadcast %scan3A_45 : i32 to vector<16xi32>
        %parallel_loop3A_253 = arith.minui %parallel_loop3A_249, %parallel_loop3A_252 : vector<16xi32>
        %parallel_loop3A_254 = tpu.bitcast %parallel_loop3A_253 : vector<16xi32> -> vector<16xi32>
        %parallel_loop3A_255 = vector.broadcast %scan3A_46 : i32 to vector<16xi32>
        %parallel_loop3A_256 = arith.andi %parallel_loop3A_254, %parallel_loop3A_255 : vector<16xi32>
        %parallel_loop3A_257 = vector.broadcast %scan3A_45 : i32 to vector<16xi32>
        %parallel_loop3A_258 = arith.minui %parallel_loop3A_251, %parallel_loop3A_257 : vector<16xi32>
        %parallel_loop3A_259 = tpu.bitcast %parallel_loop3A_258 : vector<16xi32> -> vector<16xi32>
        %parallel_loop3A_260 = vector.broadcast %scan3A_46 : i32 to vector<16xi32>
        %parallel_loop3A_261 = arith.andi %parallel_loop3A_259, %parallel_loop3A_260 : vector<16xi32>
        %parallel_loop3A_262 = arith.addi %parallel_loop3A_256, %add3A_34 : vector<16xi32>
        tpu.vector_store_idx %arg10[%parallel_loop3A_262], %broadcast_in_dim3A_42 {add = true} : memref<6528xf32, #tpu.memory_space<vmem>>[vector<16xi32>], vector<16xf32>,
        %parallel_loop3A_263 = arith.addi %parallel_loop3A_261, %add3A_34 : vector<16xi32>
        tpu.vector_store_idx %arg11[%parallel_loop3A_263], %broadcast_in_dim3A_42 {add = true} : memref<6528xf32, #tpu.memory_space<vmem>>[vector<16xi32>], vector<16xf32>,
        %parallel_loop3A_264 = arith.constant 4 : i32
        %parallel_loop3A_265 = arith.muli %parallel_loop3A_111, %parallel_loop3A_264 : i32
        %parallel_loop3A_266 = arith.constant 2 : i32
        %parallel_loop3A_267 = arith.addi %parallel_loop3A_265, %parallel_loop3A_266 : i32
        %parallel_loop3A_268 = arith.constant 128 : i32
        %parallel_loop3A_269 = arith.divsi %parallel_loop3A_267, %parallel_loop3A_268 : i32
        %parallel_loop3A_270 = arith.constant 0 : i32
        %parallel_loop3A_271 = arith.cmpi sgt, %parallel_loop3A_267, %parallel_loop3A_270 : i32
        %parallel_loop3A_272 = arith.extui %parallel_loop3A_271 : i1 to i32
        %parallel_loop3A_273 = arith.constant 0 : i32
        %parallel_loop3A_274 = arith.cmpi slt, %parallel_loop3A_267, %parallel_loop3A_273 : i32
        %parallel_loop3A_275 = arith.extui %parallel_loop3A_274 : i1 to i32
        %parallel_loop3A_276 = arith.subi %parallel_loop3A_272, %parallel_loop3A_275 : i32
        %parallel_loop3A_277 = arith.constant 0 : i32
        %parallel_loop3A_278 = arith.cmpi sgt, %parallel_loop3A_268, %parallel_loop3A_277 : i32
        %parallel_loop3A_279 = arith.extui %parallel_loop3A_278 : i1 to i32
        %parallel_loop3A_280 = arith.constant 0 : i32
        %parallel_loop3A_281 = arith.cmpi slt, %parallel_loop3A_268, %parallel_loop3A_280 : i32
        %parallel_loop3A_282 = arith.extui %parallel_loop3A_281 : i1 to i32
        %parallel_loop3A_283 = arith.subi %parallel_loop3A_279, %parallel_loop3A_282 : i32
        %parallel_loop3A_284 = arith.cmpi ne, %parallel_loop3A_276, %parallel_loop3A_283 : i32
        %parallel_loop3A_285 = arith.remsi %parallel_loop3A_267, %parallel_loop3A_268 : i32
        %parallel_loop3A_286 = arith.constant 0 : i32
        %parallel_loop3A_287 = arith.cmpi ne, %parallel_loop3A_285, %parallel_loop3A_286 : i32
        %parallel_loop3A_288 = arith.andi %parallel_loop3A_284, %parallel_loop3A_287 : i1
        %parallel_loop3A_289 = arith.constant 1 : i32
        %parallel_loop3A_290 = arith.subi %parallel_loop3A_269, %parallel_loop3A_289 : i32
        %parallel_loop3A_291 = arith.select %parallel_loop3A_288, %parallel_loop3A_290, %parallel_loop3A_269 : i32
        %parallel_loop3A_292 = arith.constant 128 : i32
        %parallel_loop3A_293 = arith.constant 0 : i32
        %parallel_loop3A_294 = arith.cmpi eq, %parallel_loop3A_292, %parallel_loop3A_293 : i32
        %parallel_loop3A_295 = arith.constant 1 : i32
        %parallel_loop3A_296 = arith.select %parallel_loop3A_294, %parallel_loop3A_295, %parallel_loop3A_292 : i32
        %parallel_loop3A_297 = arith.remsi %parallel_loop3A_267, %parallel_loop3A_296 : i32
        %parallel_loop3A_298 = arith.constant 0 : i32
        %parallel_loop3A_299 = arith.cmpi ne, %parallel_loop3A_297, %parallel_loop3A_298 : i32
        %parallel_loop3A_300 = arith.constant 0 : i32
        %parallel_loop3A_301 = arith.cmpi slt, %parallel_loop3A_297, %parallel_loop3A_300 : i32
        %parallel_loop3A_302 = arith.constant 0 : i32
        %parallel_loop3A_303 = arith.cmpi slt, %parallel_loop3A_296, %parallel_loop3A_302 : i32
        %parallel_loop3A_304 = arith.xori %parallel_loop3A_301, %parallel_loop3A_303 : i1
        %parallel_loop3A_305 = arith.andi %parallel_loop3A_304, %parallel_loop3A_299 : i1
        %parallel_loop3A_306 = arith.addi %parallel_loop3A_297, %parallel_loop3A_296 : i32
        %parallel_loop3A_307 = arith.select %parallel_loop3A_305, %parallel_loop3A_306, %parallel_loop3A_297 : i32
        %parallel_loop3A_308 = arith.constant 16 : i32
        %parallel_loop3A_309 = arith.muli %parallel_loop3A_307, %parallel_loop3A_308 : i32
        %parallel_loop3A_310 = arith.index_cast %parallel_loop3A_291 : i32 to index
        %parallel_loop3A_311 = arith.index_cast %parallel_loop3A_309 : i32 to index
        %parallel_loop3A_312 = tpu.vector_load %arg6[%parallel_loop3A_310, %parallel_loop3A_311] {strides = array<i32>} : memref<8x2048xf32, #tpu.memory_space<vmem>>, vector<16xf32>,
        %parallel_loop3A_313 = arith.index_cast %parallel_loop3A_291 : i32 to index
        %parallel_loop3A_314 = arith.index_cast %parallel_loop3A_309 : i32 to index
        %parallel_loop3A_315 = tpu.vector_load %arg8[%parallel_loop3A_313, %parallel_loop3A_314] {strides = array<i32>} : memref<8x2048xf32, #tpu.memory_space<vmem>>, vector<16xf32>,
        %parallel_loop3A_316 = vector.broadcast %scan3A_43 : f32 to vector<16xf32>
        %parallel_loop3A_317 = arith.mulf %parallel_loop3A_312, %parallel_loop3A_316 : vector<16xf32>
        %parallel_loop3A_318 = vector.broadcast %scan3A_44 : f32 to vector<16xf32>
        %parallel_loop3A_319 = arith.addf %parallel_loop3A_317, %parallel_loop3A_318 : vector<16xf32>
        %parallel_loop3A_320 = vector.broadcast %scan3A_43 : f32 to vector<16xf32>
        %parallel_loop3A_321 = arith.mulf %parallel_loop3A_315, %parallel_loop3A_320 : vector<16xf32>
        %parallel_loop3A_322 = vector.broadcast %scan3A_44 : f32 to vector<16xf32>
        %parallel_loop3A_323 = arith.addf %parallel_loop3A_321, %parallel_loop3A_322 : vector<16xf32>
        %parallel_loop3A_324 = arith.fptosi %parallel_loop3A_319 : vector<16xf32> to vector<16xi32>
        %parallel_loop3A_325 = tpu.bitcast %parallel_loop3A_324 : vector<16xi32> -> vector<16xi32>
        %parallel_loop3A_326 = arith.fptosi %parallel_loop3A_323 : vector<16xf32> to vector<16xi32>
        %parallel_loop3A_327 = tpu.bitcast %parallel_loop3A_326 : vector<16xi32> -> vector<16xi32>
        %parallel_loop3A_328 = vector.broadcast %scan3A_45 : i32 to vector<16xi32>
        %parallel_loop3A_329 = arith.minui %parallel_loop3A_325, %parallel_loop3A_328 : vector<16xi32>
        %parallel_loop3A_330 = tpu.bitcast %parallel_loop3A_329 : vector<16xi32> -> vector<16xi32>
        %parallel_loop3A_331 = vector.broadcast %scan3A_46 : i32 to vector<16xi32>
        %parallel_loop3A_332 = arith.andi %parallel_loop3A_330, %parallel_loop3A_331 : vector<16xi32>
        %parallel_loop3A_333 = vector.broadcast %scan3A_45 : i32 to vector<16xi32>
        %parallel_loop3A_334 = arith.minui %parallel_loop3A_327, %parallel_loop3A_333 : vector<16xi32>
        %parallel_loop3A_335 = tpu.bitcast %parallel_loop3A_334 : vector<16xi32> -> vector<16xi32>
        %parallel_loop3A_336 = vector.broadcast %scan3A_46 : i32 to vector<16xi32>
        %parallel_loop3A_337 = arith.andi %parallel_loop3A_335, %parallel_loop3A_336 : vector<16xi32>
        %parallel_loop3A_338 = arith.addi %parallel_loop3A_332, %add3A_37 : vector<16xi32>
        tpu.vector_store_idx %arg10[%parallel_loop3A_338], %broadcast_in_dim3A_42 {add = true} : memref<6528xf32, #tpu.memory_space<vmem>>[vector<16xi32>], vector<16xf32>,
        %parallel_loop3A_339 = arith.addi %parallel_loop3A_337, %add3A_37 : vector<16xi32>
        tpu.vector_store_idx %arg11[%parallel_loop3A_339], %broadcast_in_dim3A_42 {add = true} : memref<6528xf32, #tpu.memory_space<vmem>>[vector<16xi32>], vector<16xf32>,
        %parallel_loop3A_340 = arith.constant 4 : i32
        %parallel_loop3A_341 = arith.muli %parallel_loop3A_111, %parallel_loop3A_340 : i32
        %parallel_loop3A_342 = arith.constant 3 : i32
        %parallel_loop3A_343 = arith.addi %parallel_loop3A_341, %parallel_loop3A_342 : i32
        %parallel_loop3A_344 = arith.constant 128 : i32
        %parallel_loop3A_345 = arith.divsi %parallel_loop3A_343, %parallel_loop3A_344 : i32
        %parallel_loop3A_346 = arith.constant 0 : i32
        %parallel_loop3A_347 = arith.cmpi sgt, %parallel_loop3A_343, %parallel_loop3A_346 : i32
        %parallel_loop3A_348 = arith.extui %parallel_loop3A_347 : i1 to i32
        %parallel_loop3A_349 = arith.constant 0 : i32
        %parallel_loop3A_350 = arith.cmpi slt, %parallel_loop3A_343, %parallel_loop3A_349 : i32
        %parallel_loop3A_351 = arith.extui %parallel_loop3A_350 : i1 to i32
        %parallel_loop3A_352 = arith.subi %parallel_loop3A_348, %parallel_loop3A_351 : i32
        %parallel_loop3A_353 = arith.constant 0 : i32
        %parallel_loop3A_354 = arith.cmpi sgt, %parallel_loop3A_344, %parallel_loop3A_353 : i32
        %parallel_loop3A_355 = arith.extui %parallel_loop3A_354 : i1 to i32
        %parallel_loop3A_356 = arith.constant 0 : i32
        %parallel_loop3A_357 = arith.cmpi slt, %parallel_loop3A_344, %parallel_loop3A_356 : i32
        %parallel_loop3A_358 = arith.extui %parallel_loop3A_357 : i1 to i32
        %parallel_loop3A_359 = arith.subi %parallel_loop3A_355, %parallel_loop3A_358 : i32
        %parallel_loop3A_360 = arith.cmpi ne, %parallel_loop3A_352, %parallel_loop3A_359 : i32
        %parallel_loop3A_361 = arith.remsi %parallel_loop3A_343, %parallel_loop3A_344 : i32
        %parallel_loop3A_362 = arith.constant 0 : i32
        %parallel_loop3A_363 = arith.cmpi ne, %parallel_loop3A_361, %parallel_loop3A_362 : i32
        %parallel_loop3A_364 = arith.andi %parallel_loop3A_360, %parallel_loop3A_363 : i1
        %parallel_loop3A_365 = arith.constant 1 : i32
        %parallel_loop3A_366 = arith.subi %parallel_loop3A_345, %parallel_loop3A_365 : i32
        %parallel_loop3A_367 = arith.select %parallel_loop3A_364, %parallel_loop3A_366, %parallel_loop3A_345 : i32
        %parallel_loop3A_368 = arith.constant 128 : i32
        %parallel_loop3A_369 = arith.constant 0 : i32
        %parallel_loop3A_370 = arith.cmpi eq, %parallel_loop3A_368, %parallel_loop3A_369 : i32
        %parallel_loop3A_371 = arith.constant 1 : i32
        %parallel_loop3A_372 = arith.select %parallel_loop3A_370, %parallel_loop3A_371, %parallel_loop3A_368 : i32
        %parallel_loop3A_373 = arith.remsi %parallel_loop3A_343, %parallel_loop3A_372 : i32
        %parallel_loop3A_374 = arith.constant 0 : i32
        %parallel_loop3A_375 = arith.cmpi ne, %parallel_loop3A_373, %parallel_loop3A_374 : i32
        %parallel_loop3A_376 = arith.constant 0 : i32
        %parallel_loop3A_377 = arith.cmpi slt, %parallel_loop3A_373, %parallel_loop3A_376 : i32
        %parallel_loop3A_378 = arith.constant 0 : i32
        %parallel_loop3A_379 = arith.cmpi slt, %parallel_loop3A_372, %parallel_loop3A_378 : i32
        %parallel_loop3A_380 = arith.xori %parallel_loop3A_377, %parallel_loop3A_379 : i1
        %parallel_loop3A_381 = arith.andi %parallel_loop3A_380, %parallel_loop3A_375 : i1
        %parallel_loop3A_382 = arith.addi %parallel_loop3A_373, %parallel_loop3A_372 : i32
        %parallel_loop3A_383 = arith.select %parallel_loop3A_381, %parallel_loop3A_382, %parallel_loop3A_373 : i32
        %parallel_loop3A_384 = arith.constant 16 : i32
        %parallel_loop3A_385 = arith.muli %parallel_loop3A_383, %parallel_loop3A_384 : i32
        %parallel_loop3A_386 = arith.index_cast %parallel_loop3A_367 : i32 to index
        %parallel_loop3A_387 = arith.index_cast %parallel_loop3A_385 : i32 to index
        %parallel_loop3A_388 = tpu.vector_load %arg6[%parallel_loop3A_386, %parallel_loop3A_387] {strides = array<i32>} : memref<8x2048xf32, #tpu.memory_space<vmem>>, vector<16xf32>,
        %parallel_loop3A_389 = arith.index_cast %parallel_loop3A_367 : i32 to index
        %parallel_loop3A_390 = arith.index_cast %parallel_loop3A_385 : i32 to index
        %parallel_loop3A_391 = tpu.vector_load %arg8[%parallel_loop3A_389, %parallel_loop3A_390] {strides = array<i32>} : memref<8x2048xf32, #tpu.memory_space<vmem>>, vector<16xf32>,
        %parallel_loop3A_392 = vector.broadcast %scan3A_43 : f32 to vector<16xf32>
        %parallel_loop3A_393 = arith.mulf %parallel_loop3A_388, %parallel_loop3A_392 : vector<16xf32>
        %parallel_loop3A_394 = vector.broadcast %scan3A_44 : f32 to vector<16xf32>
        %parallel_loop3A_395 = arith.addf %parallel_loop3A_393, %parallel_loop3A_394 : vector<16xf32>
        %parallel_loop3A_396 = vector.broadcast %scan3A_43 : f32 to vector<16xf32>
        %parallel_loop3A_397 = arith.mulf %parallel_loop3A_391, %parallel_loop3A_396 : vector<16xf32>
        %parallel_loop3A_398 = vector.broadcast %scan3A_44 : f32 to vector<16xf32>
        %parallel_loop3A_399 = arith.addf %parallel_loop3A_397, %parallel_loop3A_398 : vector<16xf32>
        %parallel_loop3A_400 = arith.fptosi %parallel_loop3A_395 : vector<16xf32> to vector<16xi32>
        %parallel_loop3A_401 = tpu.bitcast %parallel_loop3A_400 : vector<16xi32> -> vector<16xi32>
        %parallel_loop3A_402 = arith.fptosi %parallel_loop3A_399 : vector<16xf32> to vector<16xi32>
        %parallel_loop3A_403 = tpu.bitcast %parallel_loop3A_402 : vector<16xi32> -> vector<16xi32>
        %parallel_loop3A_404 = vector.broadcast %scan3A_45 : i32 to vector<16xi32>
        %parallel_loop3A_405 = arith.minui %parallel_loop3A_401, %parallel_loop3A_404 : vector<16xi32>
        %parallel_loop3A_406 = tpu.bitcast %parallel_loop3A_405 : vector<16xi32> -> vector<16xi32>
        %parallel_loop3A_407 = vector.broadcast %scan3A_46 : i32 to vector<16xi32>
        %parallel_loop3A_408 = arith.andi %parallel_loop3A_406, %parallel_loop3A_407 : vector<16xi32>
        %parallel_loop3A_409 = vector.broadcast %scan3A_45 : i32 to vector<16xi32>
        %parallel_loop3A_410 = arith.minui %parallel_loop3A_403, %parallel_loop3A_409 : vector<16xi32>
        %parallel_loop3A_411 = tpu.bitcast %parallel_loop3A_410 : vector<16xi32> -> vector<16xi32>
        %parallel_loop3A_412 = vector.broadcast %scan3A_46 : i32 to vector<16xi32>
        %parallel_loop3A_413 = arith.andi %parallel_loop3A_411, %parallel_loop3A_412 : vector<16xi32>
        %parallel_loop3A_414 = arith.addi %parallel_loop3A_408, %add3A_40 : vector<16xi32>
        tpu.vector_store_idx %arg10[%parallel_loop3A_414], %broadcast_in_dim3A_42 {add = true} : memref<6528xf32, #tpu.memory_space<vmem>>[vector<16xi32>], vector<16xf32>,
        %parallel_loop3A_415 = arith.addi %parallel_loop3A_413, %add3A_40 : vector<16xi32>
        tpu.vector_store_idx %arg11[%parallel_loop3A_415], %broadcast_in_dim3A_42 {add = true} : memref<6528xf32, #tpu.memory_space<vmem>>[vector<16xi32>], vector<16xf32>,
      } {sc.loop_unroll_factor = 4 : i64, sc.parallel_access}
      %add3A_80 = arith.constant 2 : i32
      %add3A_81 = arith.addi %add3A_66, %add3A_80 : i32
      %lt3A = arith.constant 32 : i32
      %lt3A_82 = arith.cmpi slt, %add3A_81, %lt3A : i32
      %convert_element_type3A = arith.extui %lt3A_82 : i1 to i32
      %cond3A = arith.constant 0 : i32
      %cond3A_83 = arith.cmpi ne, %convert_element_type3A, %cond3A : i32
      scf.if %cond3A_83 {
        %jit3A = arith.constant 2 : i32
        %div3A = arith.divsi %add3A_81, %jit3A : i32
        %sign3A = arith.constant 0 : i32
        %sign3A_111 = arith.cmpi sgt, %add3A_81, %sign3A : i32
        %sign3A_112 = arith.extui %sign3A_111 : i1 to i32
        %sign3A_113 = arith.constant 0 : i32
        %sign3A_114 = arith.cmpi slt, %add3A_81, %sign3A_113 : i32
        %sign3A_115 = arith.extui %sign3A_114 : i1 to i32
        %sign3A_116 = arith.subi %sign3A_112, %sign3A_115 : i32
        %sign3A_117 = arith.constant 0 : i32
        %sign3A_118 = arith.cmpi sgt, %jit3A, %sign3A_117 : i32
        %sign3A_119 = arith.extui %sign3A_118 : i1 to i32
        %sign3A_120 = arith.constant 0 : i32
        %sign3A_121 = arith.cmpi slt, %jit3A, %sign3A_120 : i32
        %sign3A_122 = arith.extui %sign3A_121 : i1 to i32
        %sign3A_123 = arith.subi %sign3A_119, %sign3A_122 : i32
        %ne3A = arith.cmpi ne, %sign3A_116, %sign3A_123 : i32
        %rem3A = arith.remsi %add3A_81, %jit3A : i32
        %ne3A_124 = arith.constant 0 : i32
        %ne3A_125 = arith.cmpi ne, %rem3A, %ne3A_124 : i32
        %and3A = arith.andi %ne3A, %ne3A_125 : i1
        %sub3A = arith.constant 1 : i32
        %sub3A_126 = arith.subi %div3A, %sub3A : i32
        %select_n3A = arith.select %and3A, %sub3A_126, %div3A : i32
        %mul3A_127 = arith.constant 8 : i32
        %mul3A_128 = arith.muli %select_n3A, %mul3A_127 : i32
        %add3A_129 = arith.addi %mul3A_2, %mul3A_128 : i32
        %jit3A_130 = arith.constant 2 : i32
        %eq3A = arith.constant 0 : i32
        %eq3A_131 = arith.cmpi eq, %jit3A_130, %eq3A : i32
        %jit3A_132 = arith.constant 1 : i32
        %select_n3A_133 = arith.select %eq3A_131, %jit3A_132, %jit3A_130 : i32
        %rem3A_134 = arith.remsi %add3A_81, %select_n3A_133 : i32
        %ne3A_135 = arith.constant 0 : i32
        %ne3A_136 = arith.cmpi ne, %rem3A_134, %ne3A_135 : i32
        %lt3A_137 = arith.constant 0 : i32
        %lt3A_138 = arith.cmpi slt, %rem3A_134, %lt3A_137 : i32
        %lt3A_139 = arith.constant 0 : i32
        %lt3A_140 = arith.cmpi slt, %select_n3A_133, %lt3A_139 : i32
        %ne3A_141 = arith.xori %lt3A_138, %lt3A_140 : i1
        %and3A_142 = arith.andi %ne3A_141, %ne3A_136 : i1
        %add3A_143 = arith.addi %rem3A_134, %select_n3A_133 : i32
        %select_n3A_144 = arith.select %and3A_142, %add3A_143, %rem3A_134 : i32
        %mul3A_145 = arith.constant 2048 : i32
        %mul3A_146 = arith.muli %select_n3A_144, %mul3A_145 : i32
        %dma_start3A_147 = tpu.memref_slice %arg2[%add3A_129, %mul3A_146] : memref<4096x4096xf32, #tpu.memory_space<hbm>> -> memref<8x2048xf32, #tpu.memory_space<hbm>>
        %dma_start3A_148 = tpu.memref_slice %arg2[%add3A_129, %mul3A_146] : memref<4096x4096xf32, #tpu.memory_space<hbm>> -> memref<8x2048xf32, #tpu.memory_space<hbm>>
        tpu.enqueue_dma source(%dma_start3A_148 : memref<8x2048xf32, #tpu.memory_space<hbm>>) target(%arg6 : memref<8x2048xf32, #tpu.memory_space<vmem>>) target_semaphore(%arg14 : memref<!tpu.dma_semaphore, #tpu.memory_space<semaphore_mem>>)
        %dma_start3A_149 = tpu.memref_slice %arg3[%add3A_129, %mul3A_146] : memref<4096x4096xf32, #tpu.memory_space<hbm>> -> memref<8x2048xf32, #tpu.memory_space<hbm>>
        %dma_start3A_150 = tpu.memref_slice %arg3[%add3A_129, %mul3A_146] : memref<4096x4096xf32, #tpu.memory_space<hbm>> -> memref<8x2048xf32, #tpu.memory_space<hbm>>
        tpu.enqueue_dma source(%dma_start3A_150 : memref<8x2048xf32, #tpu.memory_space<hbm>>) target(%arg8 : memref<8x2048xf32, #tpu.memory_space<vmem>>) target_semaphore(%arg16 : memref<!tpu.dma_semaphore, #tpu.memory_space<semaphore_mem>>)
      } else {
      }
      %mul3A_84 = arith.constant 2 : i32
      %mul3A_85 = arith.muli %scan3A_61, %mul3A_84 : i32
      %add3A_86 = arith.constant 1 : i32
      %add3A_87 = arith.addi %mul3A_85, %add3A_86 : i32
      %dma_wait3A_88 = arith.constant 0 : i32
      %dma_wait3A_89 = arith.constant 0 : i32
      %dma_wait3A_90 = tpu.memref_slice %arg2[%dma_wait3A_88, %dma_wait3A_89] : memref<4096x4096xf32, #tpu.memory_space<hbm>> -> memref<8x2048xf32, #tpu.memory_space<hbm>>
      %dma_wait3A_91 = arith.constant 0 : i32
      %dma_wait3A_92 = arith.constant 0 : i32
      %dma_wait3A_93 = tpu.memref_slice %arg2[%dma_wait3A_91, %dma_wait3A_92] : memref<4096x4096xf32, #tpu.memory_space<hbm>> -> memref<8x2048xf32, #tpu.memory_space<hbm>>
      tpu.wait_dma2 semaphore(%arg15 : memref<!tpu.dma_semaphore, #tpu.memory_space<semaphore_mem>>) src(%dma_wait3A_93 : memref<8x2048xf32, #tpu.memory_space<hbm>>) dst(%arg7 : memref<8x2048xf32, #tpu.memory_space<vmem>>)
      %dma_wait3A_94 = arith.constant 0 : i32
      %dma_wait3A_95 = arith.constant 0 : i32
      %dma_wait3A_96 = tpu.memref_slice %arg3[%dma_wait3A_94, %dma_wait3A_95] : memref<4096x4096xf32, #tpu.memory_space<hbm>> -> memref<8x2048xf32, #tpu.memory_space<hbm>>
      %dma_wait3A_97 = arith.constant 0 : i32
      %dma_wait3A_98 = arith.constant 0 : i32
      %dma_wait3A_99 = tpu.memref_slice %arg3[%dma_wait3A_97, %dma_wait3A_98] : memref<4096x4096xf32, #tpu.memory_space<hbm>> -> memref<8x2048xf32, #tpu.memory_space<hbm>>
      tpu.wait_dma2 semaphore(%arg17 : memref<!tpu.dma_semaphore, #tpu.memory_space<semaphore_mem>>) src(%dma_wait3A_99 : memref<8x2048xf32, #tpu.memory_space<hbm>>) dst(%arg9 : memref<8x2048xf32, #tpu.memory_space<vmem>>)
      %parallel_loop3A_100 = arith.constant 0 : i32
      %parallel_loop3A_101 = arith.constant 256 : i32
      %parallel_loop3A_102 = arith.constant 1 : i32
      scf.for %parallel_loop3A_111 = %parallel_loop3A_100 to %parallel_loop3A_101 step %parallel_loop3A_102  : i32 {
        %parallel_loop3A_112 = arith.constant 4 : i32
        %parallel_loop3A_113 = arith.muli %parallel_loop3A_111, %parallel_loop3A_112 : i32
        %parallel_loop3A_114 = arith.constant 0 : i32
        %parallel_loop3A_115 = arith.addi %parallel_loop3A_113, %parallel_loop3A_114 : i32
        %parallel_loop3A_116 = arith.constant 128 : i32
        %parallel_loop3A_117 = arith.divsi %parallel_loop3A_115, %parallel_loop3A_116 : i32
        %parallel_loop3A_118 = arith.constant 0 : i32
        %parallel_loop3A_119 = arith.cmpi sgt, %parallel_loop3A_115, %parallel_loop3A_118 : i32
        %parallel_loop3A_120 = arith.extui %parallel_loop3A_119 : i1 to i32
        %parallel_loop3A_121 = arith.constant 0 : i32
        %parallel_loop3A_122 = arith.cmpi slt, %parallel_loop3A_115, %parallel_loop3A_121 : i32
        %parallel_loop3A_123 = arith.extui %parallel_loop3A_122 : i1 to i32
        %parallel_loop3A_124 = arith.subi %parallel_loop3A_120, %parallel_loop3A_123 : i32
        %parallel_loop3A_125 = arith.constant 0 : i32
        %parallel_loop3A_126 = arith.cmpi sgt, %parallel_loop3A_116, %parallel_loop3A_125 : i32
        %parallel_loop3A_127 = arith.extui %parallel_loop3A_126 : i1 to i32
        %parallel_loop3A_128 = arith.constant 0 : i32
        %parallel_loop3A_129 = arith.cmpi slt, %parallel_loop3A_116, %parallel_loop3A_128 : i32
        %parallel_loop3A_130 = arith.extui %parallel_loop3A_129 : i1 to i32
        %parallel_loop3A_131 = arith.subi %parallel_loop3A_127, %parallel_loop3A_130 : i32
        %parallel_loop3A_132 = arith.cmpi ne, %parallel_loop3A_124, %parallel_loop3A_131 : i32
        %parallel_loop3A_133 = arith.remsi %parallel_loop3A_115, %parallel_loop3A_116 : i32
        %parallel_loop3A_134 = arith.constant 0 : i32
        %parallel_loop3A_135 = arith.cmpi ne, %parallel_loop3A_133, %parallel_loop3A_134 : i32
        %parallel_loop3A_136 = arith.andi %parallel_loop3A_132, %parallel_loop3A_135 : i1
        %parallel_loop3A_137 = arith.constant 1 : i32
        %parallel_loop3A_138 = arith.subi %parallel_loop3A_117, %parallel_loop3A_137 : i32
        %parallel_loop3A_139 = arith.select %parallel_loop3A_136, %parallel_loop3A_138, %parallel_loop3A_117 : i32
        %parallel_loop3A_140 = arith.constant 128 : i32
        %parallel_loop3A_141 = arith.constant 0 : i32
        %parallel_loop3A_142 = arith.cmpi eq, %parallel_loop3A_140, %parallel_loop3A_141 : i32
        %parallel_loop3A_143 = arith.constant 1 : i32
        %parallel_loop3A_144 = arith.select %parallel_loop3A_142, %parallel_loop3A_143, %parallel_loop3A_140 : i32
        %parallel_loop3A_145 = arith.remsi %parallel_loop3A_115, %parallel_loop3A_144 : i32
        %parallel_loop3A_146 = arith.constant 0 : i32
        %parallel_loop3A_147 = arith.cmpi ne, %parallel_loop3A_145, %parallel_loop3A_146 : i32
        %parallel_loop3A_148 = arith.constant 0 : i32
        %parallel_loop3A_149 = arith.cmpi slt, %parallel_loop3A_145, %parallel_loop3A_148 : i32
        %parallel_loop3A_150 = arith.constant 0 : i32
        %parallel_loop3A_151 = arith.cmpi slt, %parallel_loop3A_144, %parallel_loop3A_150 : i32
        %parallel_loop3A_152 = arith.xori %parallel_loop3A_149, %parallel_loop3A_151 : i1
        %parallel_loop3A_153 = arith.andi %parallel_loop3A_152, %parallel_loop3A_147 : i1
        %parallel_loop3A_154 = arith.addi %parallel_loop3A_145, %parallel_loop3A_144 : i32
        %parallel_loop3A_155 = arith.select %parallel_loop3A_153, %parallel_loop3A_154, %parallel_loop3A_145 : i32
        %parallel_loop3A_156 = arith.constant 16 : i32
        %parallel_loop3A_157 = arith.muli %parallel_loop3A_155, %parallel_loop3A_156 : i32
        %parallel_loop3A_158 = arith.index_cast %parallel_loop3A_139 : i32 to index
        %parallel_loop3A_159 = arith.index_cast %parallel_loop3A_157 : i32 to index
        %parallel_loop3A_160 = tpu.vector_load %arg7[%parallel_loop3A_158, %parallel_loop3A_159] {strides = array<i32>} : memref<8x2048xf32, #tpu.memory_space<vmem>>, vector<16xf32>,
        %parallel_loop3A_161 = arith.index_cast %parallel_loop3A_139 : i32 to index
        %parallel_loop3A_162 = arith.index_cast %parallel_loop3A_157 : i32 to index
        %parallel_loop3A_163 = tpu.vector_load %arg9[%parallel_loop3A_161, %parallel_loop3A_162] {strides = array<i32>} : memref<8x2048xf32, #tpu.memory_space<vmem>>, vector<16xf32>,
        %parallel_loop3A_164 = vector.broadcast %scan3A_43 : f32 to vector<16xf32>
        %parallel_loop3A_165 = arith.mulf %parallel_loop3A_160, %parallel_loop3A_164 : vector<16xf32>
        %parallel_loop3A_166 = vector.broadcast %scan3A_44 : f32 to vector<16xf32>
        %parallel_loop3A_167 = arith.addf %parallel_loop3A_165, %parallel_loop3A_166 : vector<16xf32>
        %parallel_loop3A_168 = vector.broadcast %scan3A_43 : f32 to vector<16xf32>
        %parallel_loop3A_169 = arith.mulf %parallel_loop3A_163, %parallel_loop3A_168 : vector<16xf32>
        %parallel_loop3A_170 = vector.broadcast %scan3A_44 : f32 to vector<16xf32>
        %parallel_loop3A_171 = arith.addf %parallel_loop3A_169, %parallel_loop3A_170 : vector<16xf32>
        %parallel_loop3A_172 = arith.fptosi %parallel_loop3A_167 : vector<16xf32> to vector<16xi32>
        %parallel_loop3A_173 = tpu.bitcast %parallel_loop3A_172 : vector<16xi32> -> vector<16xi32>
        %parallel_loop3A_174 = arith.fptosi %parallel_loop3A_171 : vector<16xf32> to vector<16xi32>
        %parallel_loop3A_175 = tpu.bitcast %parallel_loop3A_174 : vector<16xi32> -> vector<16xi32>
        %parallel_loop3A_176 = vector.broadcast %scan3A_45 : i32 to vector<16xi32>
        %parallel_loop3A_177 = arith.minui %parallel_loop3A_173, %parallel_loop3A_176 : vector<16xi32>
        %parallel_loop3A_178 = tpu.bitcast %parallel_loop3A_177 : vector<16xi32> -> vector<16xi32>
        %parallel_loop3A_179 = vector.broadcast %scan3A_46 : i32 to vector<16xi32>
        %parallel_loop3A_180 = arith.andi %parallel_loop3A_178, %parallel_loop3A_179 : vector<16xi32>
        %parallel_loop3A_181 = vector.broadcast %scan3A_45 : i32 to vector<16xi32>
        %parallel_loop3A_182 = arith.minui %parallel_loop3A_175, %parallel_loop3A_181 : vector<16xi32>
        %parallel_loop3A_183 = tpu.bitcast %parallel_loop3A_182 : vector<16xi32> -> vector<16xi32>
        %parallel_loop3A_184 = vector.broadcast %scan3A_46 : i32 to vector<16xi32>
        %parallel_loop3A_185 = arith.andi %parallel_loop3A_183, %parallel_loop3A_184 : vector<16xi32>
        %parallel_loop3A_186 = arith.addi %parallel_loop3A_180, %add3A_31 : vector<16xi32>
        tpu.vector_store_idx %arg10[%parallel_loop3A_186], %broadcast_in_dim3A_42 {add = true} : memref<6528xf32, #tpu.memory_space<vmem>>[vector<16xi32>], vector<16xf32>,
        %parallel_loop3A_187 = arith.addi %parallel_loop3A_185, %add3A_31 : vector<16xi32>
        tpu.vector_store_idx %arg11[%parallel_loop3A_187], %broadcast_in_dim3A_42 {add = true} : memref<6528xf32, #tpu.memory_space<vmem>>[vector<16xi32>], vector<16xf32>,
        %parallel_loop3A_188 = arith.constant 4 : i32
        %parallel_loop3A_189 = arith.muli %parallel_loop3A_111, %parallel_loop3A_188 : i32
        %parallel_loop3A_190 = arith.constant 1 : i32
        %parallel_loop3A_191 = arith.addi %parallel_loop3A_189, %parallel_loop3A_190 : i32
        %parallel_loop3A_192 = arith.constant 128 : i32
        %parallel_loop3A_193 = arith.divsi %parallel_loop3A_191, %parallel_loop3A_192 : i32
        %parallel_loop3A_194 = arith.constant 0 : i32
        %parallel_loop3A_195 = arith.cmpi sgt, %parallel_loop3A_191, %parallel_loop3A_194 : i32
        %parallel_loop3A_196 = arith.extui %parallel_loop3A_195 : i1 to i32
        %parallel_loop3A_197 = arith.constant 0 : i32
        %parallel_loop3A_198 = arith.cmpi slt, %parallel_loop3A_191, %parallel_loop3A_197 : i32
        %parallel_loop3A_199 = arith.extui %parallel_loop3A_198 : i1 to i32
        %parallel_loop3A_200 = arith.subi %parallel_loop3A_196, %parallel_loop3A_199 : i32
        %parallel_loop3A_201 = arith.constant 0 : i32
        %parallel_loop3A_202 = arith.cmpi sgt, %parallel_loop3A_192, %parallel_loop3A_201 : i32
        %parallel_loop3A_203 = arith.extui %parallel_loop3A_202 : i1 to i32
        %parallel_loop3A_204 = arith.constant 0 : i32
        %parallel_loop3A_205 = arith.cmpi slt, %parallel_loop3A_192, %parallel_loop3A_204 : i32
        %parallel_loop3A_206 = arith.extui %parallel_loop3A_205 : i1 to i32
        %parallel_loop3A_207 = arith.subi %parallel_loop3A_203, %parallel_loop3A_206 : i32
        %parallel_loop3A_208 = arith.cmpi ne, %parallel_loop3A_200, %parallel_loop3A_207 : i32
        %parallel_loop3A_209 = arith.remsi %parallel_loop3A_191, %parallel_loop3A_192 : i32
        %parallel_loop3A_210 = arith.constant 0 : i32
        %parallel_loop3A_211 = arith.cmpi ne, %parallel_loop3A_209, %parallel_loop3A_210 : i32
        %parallel_loop3A_212 = arith.andi %parallel_loop3A_208, %parallel_loop3A_211 : i1
        %parallel_loop3A_213 = arith.constant 1 : i32
        %parallel_loop3A_214 = arith.subi %parallel_loop3A_193, %parallel_loop3A_213 : i32
        %parallel_loop3A_215 = arith.select %parallel_loop3A_212, %parallel_loop3A_214, %parallel_loop3A_193 : i32
        %parallel_loop3A_216 = arith.constant 128 : i32
        %parallel_loop3A_217 = arith.constant 0 : i32
        %parallel_loop3A_218 = arith.cmpi eq, %parallel_loop3A_216, %parallel_loop3A_217 : i32
        %parallel_loop3A_219 = arith.constant 1 : i32
        %parallel_loop3A_220 = arith.select %parallel_loop3A_218, %parallel_loop3A_219, %parallel_loop3A_216 : i32
        %parallel_loop3A_221 = arith.remsi %parallel_loop3A_191, %parallel_loop3A_220 : i32
        %parallel_loop3A_222 = arith.constant 0 : i32
        %parallel_loop3A_223 = arith.cmpi ne, %parallel_loop3A_221, %parallel_loop3A_222 : i32
        %parallel_loop3A_224 = arith.constant 0 : i32
        %parallel_loop3A_225 = arith.cmpi slt, %parallel_loop3A_221, %parallel_loop3A_224 : i32
        %parallel_loop3A_226 = arith.constant 0 : i32
        %parallel_loop3A_227 = arith.cmpi slt, %parallel_loop3A_220, %parallel_loop3A_226 : i32
        %parallel_loop3A_228 = arith.xori %parallel_loop3A_225, %parallel_loop3A_227 : i1
        %parallel_loop3A_229 = arith.andi %parallel_loop3A_228, %parallel_loop3A_223 : i1
        %parallel_loop3A_230 = arith.addi %parallel_loop3A_221, %parallel_loop3A_220 : i32
        %parallel_loop3A_231 = arith.select %parallel_loop3A_229, %parallel_loop3A_230, %parallel_loop3A_221 : i32
        %parallel_loop3A_232 = arith.constant 16 : i32
        %parallel_loop3A_233 = arith.muli %parallel_loop3A_231, %parallel_loop3A_232 : i32
        %parallel_loop3A_234 = arith.index_cast %parallel_loop3A_215 : i32 to index
        %parallel_loop3A_235 = arith.index_cast %parallel_loop3A_233 : i32 to index
        %parallel_loop3A_236 = tpu.vector_load %arg7[%parallel_loop3A_234, %parallel_loop3A_235] {strides = array<i32>} : memref<8x2048xf32, #tpu.memory_space<vmem>>, vector<16xf32>,
        %parallel_loop3A_237 = arith.index_cast %parallel_loop3A_215 : i32 to index
        %parallel_loop3A_238 = arith.index_cast %parallel_loop3A_233 : i32 to index
        %parallel_loop3A_239 = tpu.vector_load %arg9[%parallel_loop3A_237, %parallel_loop3A_238] {strides = array<i32>} : memref<8x2048xf32, #tpu.memory_space<vmem>>, vector<16xf32>,
        %parallel_loop3A_240 = vector.broadcast %scan3A_43 : f32 to vector<16xf32>
        %parallel_loop3A_241 = arith.mulf %parallel_loop3A_236, %parallel_loop3A_240 : vector<16xf32>
        %parallel_loop3A_242 = vector.broadcast %scan3A_44 : f32 to vector<16xf32>
        %parallel_loop3A_243 = arith.addf %parallel_loop3A_241, %parallel_loop3A_242 : vector<16xf32>
        %parallel_loop3A_244 = vector.broadcast %scan3A_43 : f32 to vector<16xf32>
        %parallel_loop3A_245 = arith.mulf %parallel_loop3A_239, %parallel_loop3A_244 : vector<16xf32>
        %parallel_loop3A_246 = vector.broadcast %scan3A_44 : f32 to vector<16xf32>
        %parallel_loop3A_247 = arith.addf %parallel_loop3A_245, %parallel_loop3A_246 : vector<16xf32>
        %parallel_loop3A_248 = arith.fptosi %parallel_loop3A_243 : vector<16xf32> to vector<16xi32>
        %parallel_loop3A_249 = tpu.bitcast %parallel_loop3A_248 : vector<16xi32> -> vector<16xi32>
        %parallel_loop3A_250 = arith.fptosi %parallel_loop3A_247 : vector<16xf32> to vector<16xi32>
        %parallel_loop3A_251 = tpu.bitcast %parallel_loop3A_250 : vector<16xi32> -> vector<16xi32>
        %parallel_loop3A_252 = vector.broadcast %scan3A_45 : i32 to vector<16xi32>
        %parallel_loop3A_253 = arith.minui %parallel_loop3A_249, %parallel_loop3A_252 : vector<16xi32>
        %parallel_loop3A_254 = tpu.bitcast %parallel_loop3A_253 : vector<16xi32> -> vector<16xi32>
        %parallel_loop3A_255 = vector.broadcast %scan3A_46 : i32 to vector<16xi32>
        %parallel_loop3A_256 = arith.andi %parallel_loop3A_254, %parallel_loop3A_255 : vector<16xi32>
        %parallel_loop3A_257 = vector.broadcast %scan3A_45 : i32 to vector<16xi32>
        %parallel_loop3A_258 = arith.minui %parallel_loop3A_251, %parallel_loop3A_257 : vector<16xi32>
        %parallel_loop3A_259 = tpu.bitcast %parallel_loop3A_258 : vector<16xi32> -> vector<16xi32>
        %parallel_loop3A_260 = vector.broadcast %scan3A_46 : i32 to vector<16xi32>
        %parallel_loop3A_261 = arith.andi %parallel_loop3A_259, %parallel_loop3A_260 : vector<16xi32>
        %parallel_loop3A_262 = arith.addi %parallel_loop3A_256, %add3A_34 : vector<16xi32>
        tpu.vector_store_idx %arg10[%parallel_loop3A_262], %broadcast_in_dim3A_42 {add = true} : memref<6528xf32, #tpu.memory_space<vmem>>[vector<16xi32>], vector<16xf32>,
        %parallel_loop3A_263 = arith.addi %parallel_loop3A_261, %add3A_34 : vector<16xi32>
        tpu.vector_store_idx %arg11[%parallel_loop3A_263], %broadcast_in_dim3A_42 {add = true} : memref<6528xf32, #tpu.memory_space<vmem>>[vector<16xi32>], vector<16xf32>,
        %parallel_loop3A_264 = arith.constant 4 : i32
        %parallel_loop3A_265 = arith.muli %parallel_loop3A_111, %parallel_loop3A_264 : i32
        %parallel_loop3A_266 = arith.constant 2 : i32
        %parallel_loop3A_267 = arith.addi %parallel_loop3A_265, %parallel_loop3A_266 : i32
        %parallel_loop3A_268 = arith.constant 128 : i32
        %parallel_loop3A_269 = arith.divsi %parallel_loop3A_267, %parallel_loop3A_268 : i32
        %parallel_loop3A_270 = arith.constant 0 : i32
        %parallel_loop3A_271 = arith.cmpi sgt, %parallel_loop3A_267, %parallel_loop3A_270 : i32
        %parallel_loop3A_272 = arith.extui %parallel_loop3A_271 : i1 to i32
        %parallel_loop3A_273 = arith.constant 0 : i32
        %parallel_loop3A_274 = arith.cmpi slt, %parallel_loop3A_267, %parallel_loop3A_273 : i32
        %parallel_loop3A_275 = arith.extui %parallel_loop3A_274 : i1 to i32
        %parallel_loop3A_276 = arith.subi %parallel_loop3A_272, %parallel_loop3A_275 : i32
        %parallel_loop3A_277 = arith.constant 0 : i32
        %parallel_loop3A_278 = arith.cmpi sgt, %parallel_loop3A_268, %parallel_loop3A_277 : i32
        %parallel_loop3A_279 = arith.extui %parallel_loop3A_278 : i1 to i32
        %parallel_loop3A_280 = arith.constant 0 : i32
        %parallel_loop3A_281 = arith.cmpi slt, %parallel_loop3A_268, %parallel_loop3A_280 : i32
        %parallel_loop3A_282 = arith.extui %parallel_loop3A_281 : i1 to i32
        %parallel_loop3A_283 = arith.subi %parallel_loop3A_279, %parallel_loop3A_282 : i32
        %parallel_loop3A_284 = arith.cmpi ne, %parallel_loop3A_276, %parallel_loop3A_283 : i32
        %parallel_loop3A_285 = arith.remsi %parallel_loop3A_267, %parallel_loop3A_268 : i32
        %parallel_loop3A_286 = arith.constant 0 : i32
        %parallel_loop3A_287 = arith.cmpi ne, %parallel_loop3A_285, %parallel_loop3A_286 : i32
        %parallel_loop3A_288 = arith.andi %parallel_loop3A_284, %parallel_loop3A_287 : i1
        %parallel_loop3A_289 = arith.constant 1 : i32
        %parallel_loop3A_290 = arith.subi %parallel_loop3A_269, %parallel_loop3A_289 : i32
        %parallel_loop3A_291 = arith.select %parallel_loop3A_288, %parallel_loop3A_290, %parallel_loop3A_269 : i32
        %parallel_loop3A_292 = arith.constant 128 : i32
        %parallel_loop3A_293 = arith.constant 0 : i32
        %parallel_loop3A_294 = arith.cmpi eq, %parallel_loop3A_292, %parallel_loop3A_293 : i32
        %parallel_loop3A_295 = arith.constant 1 : i32
        %parallel_loop3A_296 = arith.select %parallel_loop3A_294, %parallel_loop3A_295, %parallel_loop3A_292 : i32
        %parallel_loop3A_297 = arith.remsi %parallel_loop3A_267, %parallel_loop3A_296 : i32
        %parallel_loop3A_298 = arith.constant 0 : i32
        %parallel_loop3A_299 = arith.cmpi ne, %parallel_loop3A_297, %parallel_loop3A_298 : i32
        %parallel_loop3A_300 = arith.constant 0 : i32
        %parallel_loop3A_301 = arith.cmpi slt, %parallel_loop3A_297, %parallel_loop3A_300 : i32
        %parallel_loop3A_302 = arith.constant 0 : i32
        %parallel_loop3A_303 = arith.cmpi slt, %parallel_loop3A_296, %parallel_loop3A_302 : i32
        %parallel_loop3A_304 = arith.xori %parallel_loop3A_301, %parallel_loop3A_303 : i1
        %parallel_loop3A_305 = arith.andi %parallel_loop3A_304, %parallel_loop3A_299 : i1
        %parallel_loop3A_306 = arith.addi %parallel_loop3A_297, %parallel_loop3A_296 : i32
        %parallel_loop3A_307 = arith.select %parallel_loop3A_305, %parallel_loop3A_306, %parallel_loop3A_297 : i32
        %parallel_loop3A_308 = arith.constant 16 : i32
        %parallel_loop3A_309 = arith.muli %parallel_loop3A_307, %parallel_loop3A_308 : i32
        %parallel_loop3A_310 = arith.index_cast %parallel_loop3A_291 : i32 to index
        %parallel_loop3A_311 = arith.index_cast %parallel_loop3A_309 : i32 to index
        %parallel_loop3A_312 = tpu.vector_load %arg7[%parallel_loop3A_310, %parallel_loop3A_311] {strides = array<i32>} : memref<8x2048xf32, #tpu.memory_space<vmem>>, vector<16xf32>,
        %parallel_loop3A_313 = arith.index_cast %parallel_loop3A_291 : i32 to index
        %parallel_loop3A_314 = arith.index_cast %parallel_loop3A_309 : i32 to index
        %parallel_loop3A_315 = tpu.vector_load %arg9[%parallel_loop3A_313, %parallel_loop3A_314] {strides = array<i32>} : memref<8x2048xf32, #tpu.memory_space<vmem>>, vector<16xf32>,
        %parallel_loop3A_316 = vector.broadcast %scan3A_43 : f32 to vector<16xf32>
        %parallel_loop3A_317 = arith.mulf %parallel_loop3A_312, %parallel_loop3A_316 : vector<16xf32>
        %parallel_loop3A_318 = vector.broadcast %scan3A_44 : f32 to vector<16xf32>
        %parallel_loop3A_319 = arith.addf %parallel_loop3A_317, %parallel_loop3A_318 : vector<16xf32>
        %parallel_loop3A_320 = vector.broadcast %scan3A_43 : f32 to vector<16xf32>
        %parallel_loop3A_321 = arith.mulf %parallel_loop3A_315, %parallel_loop3A_320 : vector<16xf32>
        %parallel_loop3A_322 = vector.broadcast %scan3A_44 : f32 to vector<16xf32>
        %parallel_loop3A_323 = arith.addf %parallel_loop3A_321, %parallel_loop3A_322 : vector<16xf32>
        %parallel_loop3A_324 = arith.fptosi %parallel_loop3A_319 : vector<16xf32> to vector<16xi32>
        %parallel_loop3A_325 = tpu.bitcast %parallel_loop3A_324 : vector<16xi32> -> vector<16xi32>
        %parallel_loop3A_326 = arith.fptosi %parallel_loop3A_323 : vector<16xf32> to vector<16xi32>
        %parallel_loop3A_327 = tpu.bitcast %parallel_loop3A_326 : vector<16xi32> -> vector<16xi32>
        %parallel_loop3A_328 = vector.broadcast %scan3A_45 : i32 to vector<16xi32>
        %parallel_loop3A_329 = arith.minui %parallel_loop3A_325, %parallel_loop3A_328 : vector<16xi32>
        %parallel_loop3A_330 = tpu.bitcast %parallel_loop3A_329 : vector<16xi32> -> vector<16xi32>
        %parallel_loop3A_331 = vector.broadcast %scan3A_46 : i32 to vector<16xi32>
        %parallel_loop3A_332 = arith.andi %parallel_loop3A_330, %parallel_loop3A_331 : vector<16xi32>
        %parallel_loop3A_333 = vector.broadcast %scan3A_45 : i32 to vector<16xi32>
        %parallel_loop3A_334 = arith.minui %parallel_loop3A_327, %parallel_loop3A_333 : vector<16xi32>
        %parallel_loop3A_335 = tpu.bitcast %parallel_loop3A_334 : vector<16xi32> -> vector<16xi32>
        %parallel_loop3A_336 = vector.broadcast %scan3A_46 : i32 to vector<16xi32>
        %parallel_loop3A_337 = arith.andi %parallel_loop3A_335, %parallel_loop3A_336 : vector<16xi32>
        %parallel_loop3A_338 = arith.addi %parallel_loop3A_332, %add3A_37 : vector<16xi32>
        tpu.vector_store_idx %arg10[%parallel_loop3A_338], %broadcast_in_dim3A_42 {add = true} : memref<6528xf32, #tpu.memory_space<vmem>>[vector<16xi32>], vector<16xf32>,
        %parallel_loop3A_339 = arith.addi %parallel_loop3A_337, %add3A_37 : vector<16xi32>
        tpu.vector_store_idx %arg11[%parallel_loop3A_339], %broadcast_in_dim3A_42 {add = true} : memref<6528xf32, #tpu.memory_space<vmem>>[vector<16xi32>], vector<16xf32>,
        %parallel_loop3A_340 = arith.constant 4 : i32
        %parallel_loop3A_341 = arith.muli %parallel_loop3A_111, %parallel_loop3A_340 : i32
        %parallel_loop3A_342 = arith.constant 3 : i32
        %parallel_loop3A_343 = arith.addi %parallel_loop3A_341, %parallel_loop3A_342 : i32
        %parallel_loop3A_344 = arith.constant 128 : i32
        %parallel_loop3A_345 = arith.divsi %parallel_loop3A_343, %parallel_loop3A_344 : i32
        %parallel_loop3A_346 = arith.constant 0 : i32
        %parallel_loop3A_347 = arith.cmpi sgt, %parallel_loop3A_343, %parallel_loop3A_346 : i32
        %parallel_loop3A_348 = arith.extui %parallel_loop3A_347 : i1 to i32
        %parallel_loop3A_349 = arith.constant 0 : i32
        %parallel_loop3A_350 = arith.cmpi slt, %parallel_loop3A_343, %parallel_loop3A_349 : i32
        %parallel_loop3A_351 = arith.extui %parallel_loop3A_350 : i1 to i32
        %parallel_loop3A_352 = arith.subi %parallel_loop3A_348, %parallel_loop3A_351 : i32
        %parallel_loop3A_353 = arith.constant 0 : i32
        %parallel_loop3A_354 = arith.cmpi sgt, %parallel_loop3A_344, %parallel_loop3A_353 : i32
        %parallel_loop3A_355 = arith.extui %parallel_loop3A_354 : i1 to i32
        %parallel_loop3A_356 = arith.constant 0 : i32
        %parallel_loop3A_357 = arith.cmpi slt, %parallel_loop3A_344, %parallel_loop3A_356 : i32
        %parallel_loop3A_358 = arith.extui %parallel_loop3A_357 : i1 to i32
        %parallel_loop3A_359 = arith.subi %parallel_loop3A_355, %parallel_loop3A_358 : i32
        %parallel_loop3A_360 = arith.cmpi ne, %parallel_loop3A_352, %parallel_loop3A_359 : i32
        %parallel_loop3A_361 = arith.remsi %parallel_loop3A_343, %parallel_loop3A_344 : i32
        %parallel_loop3A_362 = arith.constant 0 : i32
        %parallel_loop3A_363 = arith.cmpi ne, %parallel_loop3A_361, %parallel_loop3A_362 : i32
        %parallel_loop3A_364 = arith.andi %parallel_loop3A_360, %parallel_loop3A_363 : i1
        %parallel_loop3A_365 = arith.constant 1 : i32
        %parallel_loop3A_366 = arith.subi %parallel_loop3A_345, %parallel_loop3A_365 : i32
        %parallel_loop3A_367 = arith.select %parallel_loop3A_364, %parallel_loop3A_366, %parallel_loop3A_345 : i32
        %parallel_loop3A_368 = arith.constant 128 : i32
        %parallel_loop3A_369 = arith.constant 0 : i32
        %parallel_loop3A_370 = arith.cmpi eq, %parallel_loop3A_368, %parallel_loop3A_369 : i32
        %parallel_loop3A_371 = arith.constant 1 : i32
        %parallel_loop3A_372 = arith.select %parallel_loop3A_370, %parallel_loop3A_371, %parallel_loop3A_368 : i32
        %parallel_loop3A_373 = arith.remsi %parallel_loop3A_343, %parallel_loop3A_372 : i32
        %parallel_loop3A_374 = arith.constant 0 : i32
        %parallel_loop3A_375 = arith.cmpi ne, %parallel_loop3A_373, %parallel_loop3A_374 : i32
        %parallel_loop3A_376 = arith.constant 0 : i32
        %parallel_loop3A_377 = arith.cmpi slt, %parallel_loop3A_373, %parallel_loop3A_376 : i32
        %parallel_loop3A_378 = arith.constant 0 : i32
        %parallel_loop3A_379 = arith.cmpi slt, %parallel_loop3A_372, %parallel_loop3A_378 : i32
        %parallel_loop3A_380 = arith.xori %parallel_loop3A_377, %parallel_loop3A_379 : i1
        %parallel_loop3A_381 = arith.andi %parallel_loop3A_380, %parallel_loop3A_375 : i1
        %parallel_loop3A_382 = arith.addi %parallel_loop3A_373, %parallel_loop3A_372 : i32
        %parallel_loop3A_383 = arith.select %parallel_loop3A_381, %parallel_loop3A_382, %parallel_loop3A_373 : i32
        %parallel_loop3A_384 = arith.constant 16 : i32
        %parallel_loop3A_385 = arith.muli %parallel_loop3A_383, %parallel_loop3A_384 : i32
        %parallel_loop3A_386 = arith.index_cast %parallel_loop3A_367 : i32 to index
        %parallel_loop3A_387 = arith.index_cast %parallel_loop3A_385 : i32 to index
        %parallel_loop3A_388 = tpu.vector_load %arg7[%parallel_loop3A_386, %parallel_loop3A_387] {strides = array<i32>} : memref<8x2048xf32, #tpu.memory_space<vmem>>, vector<16xf32>,
        %parallel_loop3A_389 = arith.index_cast %parallel_loop3A_367 : i32 to index
        %parallel_loop3A_390 = arith.index_cast %parallel_loop3A_385 : i32 to index
        %parallel_loop3A_391 = tpu.vector_load %arg9[%parallel_loop3A_389, %parallel_loop3A_390] {strides = array<i32>} : memref<8x2048xf32, #tpu.memory_space<vmem>>, vector<16xf32>,
        %parallel_loop3A_392 = vector.broadcast %scan3A_43 : f32 to vector<16xf32>
        %parallel_loop3A_393 = arith.mulf %parallel_loop3A_388, %parallel_loop3A_392 : vector<16xf32>
        %parallel_loop3A_394 = vector.broadcast %scan3A_44 : f32 to vector<16xf32>
        %parallel_loop3A_395 = arith.addf %parallel_loop3A_393, %parallel_loop3A_394 : vector<16xf32>
        %parallel_loop3A_396 = vector.broadcast %scan3A_43 : f32 to vector<16xf32>
        %parallel_loop3A_397 = arith.mulf %parallel_loop3A_391, %parallel_loop3A_396 : vector<16xf32>
        %parallel_loop3A_398 = vector.broadcast %scan3A_44 : f32 to vector<16xf32>
        %parallel_loop3A_399 = arith.addf %parallel_loop3A_397, %parallel_loop3A_398 : vector<16xf32>
        %parallel_loop3A_400 = arith.fptosi %parallel_loop3A_395 : vector<16xf32> to vector<16xi32>
        %parallel_loop3A_401 = tpu.bitcast %parallel_loop3A_400 : vector<16xi32> -> vector<16xi32>
        %parallel_loop3A_402 = arith.fptosi %parallel_loop3A_399 : vector<16xf32> to vector<16xi32>
        %parallel_loop3A_403 = tpu.bitcast %parallel_loop3A_402 : vector<16xi32> -> vector<16xi32>
        %parallel_loop3A_404 = vector.broadcast %scan3A_45 : i32 to vector<16xi32>
        %parallel_loop3A_405 = arith.minui %parallel_loop3A_401, %parallel_loop3A_404 : vector<16xi32>
        %parallel_loop3A_406 = tpu.bitcast %parallel_loop3A_405 : vector<16xi32> -> vector<16xi32>
        %parallel_loop3A_407 = vector.broadcast %scan3A_46 : i32 to vector<16xi32>
        %parallel_loop3A_408 = arith.andi %parallel_loop3A_406, %parallel_loop3A_407 : vector<16xi32>
        %parallel_loop3A_409 = vector.broadcast %scan3A_45 : i32 to vector<16xi32>
        %parallel_loop3A_410 = arith.minui %parallel_loop3A_403, %parallel_loop3A_409 : vector<16xi32>
        %parallel_loop3A_411 = tpu.bitcast %parallel_loop3A_410 : vector<16xi32> -> vector<16xi32>
        %parallel_loop3A_412 = vector.broadcast %scan3A_46 : i32 to vector<16xi32>
        %parallel_loop3A_413 = arith.andi %parallel_loop3A_411, %parallel_loop3A_412 : vector<16xi32>
        %parallel_loop3A_414 = arith.addi %parallel_loop3A_408, %add3A_40 : vector<16xi32>
        tpu.vector_store_idx %arg10[%parallel_loop3A_414], %broadcast_in_dim3A_42 {add = true} : memref<6528xf32, #tpu.memory_space<vmem>>[vector<16xi32>], vector<16xf32>,
        %parallel_loop3A_415 = arith.addi %parallel_loop3A_413, %add3A_40 : vector<16xi32>
        tpu.vector_store_idx %arg11[%parallel_loop3A_415], %broadcast_in_dim3A_42 {add = true} : memref<6528xf32, #tpu.memory_space<vmem>>[vector<16xi32>], vector<16xf32>,
      } {sc.loop_unroll_factor = 4 : i64, sc.parallel_access}
      %add3A_103 = arith.constant 2 : i32
      %add3A_104 = arith.addi %add3A_87, %add3A_103 : i32
      %lt3A_105 = arith.constant 32 : i32
      %lt3A_106 = arith.cmpi slt, %add3A_104, %lt3A_105 : i32
      %convert_element_type3A_107 = arith.extui %lt3A_106 : i1 to i32
      %cond3A_108 = arith.constant 0 : i32
      %cond3A_109 = arith.cmpi ne, %convert_element_type3A_107, %cond3A_108 : i32
      scf.if %cond3A_109 {
        %jit3A = arith.constant 2 : i32
        %div3A = arith.divsi %add3A_104, %jit3A : i32
        %sign3A = arith.constant 0 : i32
        %sign3A_111 = arith.cmpi sgt, %add3A_104, %sign3A : i32
        %sign3A_112 = arith.extui %sign3A_111 : i1 to i32
        %sign3A_113 = arith.constant 0 : i32
        %sign3A_114 = arith.cmpi slt, %add3A_104, %sign3A_113 : i32
        %sign3A_115 = arith.extui %sign3A_114 : i1 to i32
        %sign3A_116 = arith.subi %sign3A_112, %sign3A_115 : i32
        %sign3A_117 = arith.constant 0 : i32
        %sign3A_118 = arith.cmpi sgt, %jit3A, %sign3A_117 : i32
        %sign3A_119 = arith.extui %sign3A_118 : i1 to i32
        %sign3A_120 = arith.constant 0 : i32
        %sign3A_121 = arith.cmpi slt, %jit3A, %sign3A_120 : i32
        %sign3A_122 = arith.extui %sign3A_121 : i1 to i32
        %sign3A_123 = arith.subi %sign3A_119, %sign3A_122 : i32
        %ne3A = arith.cmpi ne, %sign3A_116, %sign3A_123 : i32
        %rem3A = arith.remsi %add3A_104, %jit3A : i32
        %ne3A_124 = arith.constant 0 : i32
        %ne3A_125 = arith.cmpi ne, %rem3A, %ne3A_124 : i32
        %and3A = arith.andi %ne3A, %ne3A_125 : i1
        %sub3A = arith.constant 1 : i32
        %sub3A_126 = arith.subi %div3A, %sub3A : i32
        %select_n3A = arith.select %and3A, %sub3A_126, %div3A : i32
        %mul3A_127 = arith.constant 8 : i32
        %mul3A_128 = arith.muli %select_n3A, %mul3A_127 : i32
        %add3A_129 = arith.addi %mul3A_2, %mul3A_128 : i32
        %jit3A_130 = arith.constant 2 : i32
        %eq3A = arith.constant 0 : i32
        %eq3A_131 = arith.cmpi eq, %jit3A_130, %eq3A : i32
        %jit3A_132 = arith.constant 1 : i32
        %select_n3A_133 = arith.select %eq3A_131, %jit3A_132, %jit3A_130 : i32
        %rem3A_134 = arith.remsi %add3A_104, %select_n3A_133 : i32
        %ne3A_135 = arith.constant 0 : i32
        %ne3A_136 = arith.cmpi ne, %rem3A_134, %ne3A_135 : i32
        %lt3A_137 = arith.constant 0 : i32
        %lt3A_138 = arith.cmpi slt, %rem3A_134, %lt3A_137 : i32
        %lt3A_139 = arith.constant 0 : i32
        %lt3A_140 = arith.cmpi slt, %select_n3A_133, %lt3A_139 : i32
        %ne3A_141 = arith.xori %lt3A_138, %lt3A_140 : i1
        %and3A_142 = arith.andi %ne3A_141, %ne3A_136 : i1
        %add3A_143 = arith.addi %rem3A_134, %select_n3A_133 : i32
        %select_n3A_144 = arith.select %and3A_142, %add3A_143, %rem3A_134 : i32
        %mul3A_145 = arith.constant 2048 : i32
        %mul3A_146 = arith.muli %select_n3A_144, %mul3A_145 : i32
        %dma_start3A_147 = tpu.memref_slice %arg2[%add3A_129, %mul3A_146] : memref<4096x4096xf32, #tpu.memory_space<hbm>> -> memref<8x2048xf32, #tpu.memory_space<hbm>>
        %dma_start3A_148 = tpu.memref_slice %arg2[%add3A_129, %mul3A_146] : memref<4096x4096xf32, #tpu.memory_space<hbm>> -> memref<8x2048xf32, #tpu.memory_space<hbm>>
        tpu.enqueue_dma source(%dma_start3A_148 : memref<8x2048xf32, #tpu.memory_space<hbm>>) target(%arg7 : memref<8x2048xf32, #tpu.memory_space<vmem>>) target_semaphore(%arg15 : memref<!tpu.dma_semaphore, #tpu.memory_space<semaphore_mem>>)
        %dma_start3A_149 = tpu.memref_slice %arg3[%add3A_129, %mul3A_146] : memref<4096x4096xf32, #tpu.memory_space<hbm>> -> memref<8x2048xf32, #tpu.memory_space<hbm>>
        %dma_start3A_150 = tpu.memref_slice %arg3[%add3A_129, %mul3A_146] : memref<4096x4096xf32, #tpu.memory_space<hbm>> -> memref<8x2048xf32, #tpu.memory_space<hbm>>
        tpu.enqueue_dma source(%dma_start3A_150 : memref<8x2048xf32, #tpu.memory_space<hbm>>) target(%arg9 : memref<8x2048xf32, #tpu.memory_space<vmem>>) target_semaphore(%arg17 : memref<!tpu.dma_semaphore, #tpu.memory_space<semaphore_mem>>)
      } else {
      }
      %scan3A_110 = arith.constant 0 : i32
      scf.yield %scan3A_110 : i32
    }
    %scan3A_53 = arith.constant 16 : i32
    %scan3A_54 = arith.constant 0 : i32
    %scan3A_55 = arith.constant 0 : i32
    %scan3A_56 = arith.constant 102 : i32
    %scan3A_57 = arith.addi %scan3A_55, %scan3A_56 : i32
    %scan3A_58 = arith.constant 1 : i32
    %scan3A_59 = scf.for %scan3A_61 = %scan3A_55 to %scan3A_57 step %scan3A_58 iter_args(%scan3A_62 = %scan3A_54) -> (i32)  : i32 {
      %mul3A_63 = arith.constant 16 : i32
      %mul3A_64 = arith.muli %scan3A_61, %mul3A_63 : i32
      %get3A = arith.index_cast %mul3A_64 : i32 to index
      %get3A_65 = tpu.vector_load %arg10[%get3A] {strides = array<i32>} : memref<6528xf32, #tpu.memory_space<vmem>>, vector<16xf32>,
      %get3A_66 = arith.index_cast %mul3A_64 : i32 to index
      %get3A_67 = tpu.vector_load %arg11[%get3A_66] {strides = array<i32>} : memref<6528xf32, #tpu.memory_space<vmem>>, vector<16xf32>,
      %mul3A_68 = arith.constant 16 : i32
      %mul3A_69 = arith.muli %scan3A_61, %mul3A_68 : i32
      %add3A_70 = arith.constant 1632 : i32
      %add3A_71 = arith.addi %add3A_70, %mul3A_69 : i32
      %get3A_72 = arith.index_cast %add3A_71 : i32 to index
      %get3A_73 = tpu.vector_load %arg10[%get3A_72] {strides = array<i32>} : memref<6528xf32, #tpu.memory_space<vmem>>, vector<16xf32>,
      %add3A_74 = arith.addf %get3A_65, %get3A_73 : vector<16xf32>
      %get3A_75 = arith.index_cast %add3A_71 : i32 to index
      %get3A_76 = tpu.vector_load %arg11[%get3A_75] {strides = array<i32>} : memref<6528xf32, #tpu.memory_space<vmem>>, vector<16xf32>,
      %add3A_77 = arith.addf %get3A_67, %get3A_76 : vector<16xf32>
      %mul3A_78 = arith.constant 16 : i32
      %mul3A_79 = arith.muli %scan3A_61, %mul3A_78 : i32
      %add3A_80 = arith.constant 3264 : i32
      %add3A_81 = arith.addi %add3A_80, %mul3A_79 : i32
      %get3A_82 = arith.index_cast %add3A_81 : i32 to index
      %get3A_83 = tpu.vector_load %arg10[%get3A_82] {strides = array<i32>} : memref<6528xf32, #tpu.memory_space<vmem>>, vector<16xf32>,
      %add3A_84 = arith.addf %add3A_74, %get3A_83 : vector<16xf32>
      %get3A_85 = arith.index_cast %add3A_81 : i32 to index
      %get3A_86 = tpu.vector_load %arg11[%get3A_85] {strides = array<i32>} : memref<6528xf32, #tpu.memory_space<vmem>>, vector<16xf32>,
      %add3A_87 = arith.addf %add3A_77, %get3A_86 : vector<16xf32>
      %mul3A_88 = arith.constant 16 : i32
      %mul3A_89 = arith.muli %scan3A_61, %mul3A_88 : i32
      %add3A_90 = arith.constant 4896 : i32
      %add3A_91 = arith.addi %add3A_90, %mul3A_89 : i32
      %get3A_92 = arith.index_cast %add3A_91 : i32 to index
      %get3A_93 = tpu.vector_load %arg10[%get3A_92] {strides = array<i32>} : memref<6528xf32, #tpu.memory_space<vmem>>, vector<16xf32>,
      %add3A_94 = arith.addf %add3A_84, %get3A_93 : vector<16xf32>
      %get3A_95 = arith.index_cast %add3A_91 : i32 to index
      %get3A_96 = tpu.vector_load %arg11[%get3A_95] {strides = array<i32>} : memref<6528xf32, #tpu.memory_space<vmem>>, vector<16xf32>,
      %add3A_97 = arith.addf %add3A_87, %get3A_96 : vector<16xf32>
      %swap3A = arith.index_cast %mul3A_64 : i32 to index
      %swap3A_98 = tpu.vector_load %arg12[%swap3A] {strides = array<i32>} : memref<1632xf32, #tpu.memory_space<vmem>>, vector<16xf32>,
      tpu.vector_store %arg12[%swap3A], %add3A_94 {strides = array<i32>} : memref<1632xf32, #tpu.memory_space<vmem>>, vector<16xf32>,
      %swap3A_99 = arith.index_cast %mul3A_64 : i32 to index
      %swap3A_100 = tpu.vector_load %arg13[%swap3A_99] {strides = array<i32>} : memref<1632xf32, #tpu.memory_space<vmem>>, vector<16xf32>,
      tpu.vector_store %arg13[%swap3A_99], %add3A_97 {strides = array<i32>} : memref<1632xf32, #tpu.memory_space<vmem>>, vector<16xf32>,
      %scan3A_101 = arith.constant 0 : i32
      scf.yield %scan3A_101 : i32
    }
    %scan3A_60 = arith.constant 102 : i32
    "tpu.region"() ({
      %run_scoped3A = tpu.sem_alloc : memref<!tpu.dma_semaphore, #tpu.memory_space<semaphore_mem>>
      %dma_start3A_61 = arith.constant 0 : i32
      %dma_start3A_62 = tpu.memref_slice %arg4[%add3A, %dma_start3A_61] : memref<32x1632xf32, #tpu.memory_space<hbm>> -> memref<1x1632xf32, #tpu.memory_space<hbm>>
      %dma_start3A_63 = tpu.memref_squeeze %dma_start3A_62 : memref<1x1632xf32, #tpu.memory_space<hbm>> -> memref<1632xf32, #tpu.memory_space<hbm>>
      %dma_start3A_64 = arith.constant 0 : i32
      %dma_start3A_65 = tpu.memref_slice %arg4[%add3A, %dma_start3A_64] : memref<32x1632xf32, #tpu.memory_space<hbm>> -> memref<1x1632xf32, #tpu.memory_space<hbm>>
      %dma_start3A_66 = tpu.memref_squeeze %dma_start3A_65 : memref<1x1632xf32, #tpu.memory_space<hbm>> -> memref<1632xf32, #tpu.memory_space<hbm>>
      tpu.enqueue_dma source(%arg12 : memref<1632xf32, #tpu.memory_space<vmem>>) target(%dma_start3A_66 : memref<1632xf32, #tpu.memory_space<hbm>>) target_semaphore(%run_scoped3A : memref<!tpu.dma_semaphore, #tpu.memory_space<semaphore_mem>>)
      %dma_wait3A = arith.constant 0 : i32
      %dma_wait3A_67 = tpu.memref_slice %arg4[%add3A, %dma_wait3A] : memref<32x1632xf32, #tpu.memory_space<hbm>> -> memref<1x1632xf32, #tpu.memory_space<hbm>>
      %dma_wait3A_68 = tpu.memref_squeeze %dma_wait3A_67 : memref<1x1632xf32, #tpu.memory_space<hbm>> -> memref<1632xf32, #tpu.memory_space<hbm>>
      %dma_wait3A_69 = arith.constant 0 : i32
      %dma_wait3A_70 = tpu.memref_slice %arg4[%add3A, %dma_wait3A_69] : memref<32x1632xf32, #tpu.memory_space<hbm>> -> memref<1x1632xf32, #tpu.memory_space<hbm>>
      %dma_wait3A_71 = tpu.memref_squeeze %dma_wait3A_70 : memref<1x1632xf32, #tpu.memory_space<hbm>> -> memref<1632xf32, #tpu.memory_space<hbm>>
      tpu.wait_dma2 semaphore(%run_scoped3A : memref<!tpu.dma_semaphore, #tpu.memory_space<semaphore_mem>>) src(%arg12 : memref<1632xf32, #tpu.memory_space<vmem>>) dst(%dma_wait3A_71 : memref<1632xf32, #tpu.memory_space<hbm>>)
      tpu.yield
    }) : () -> ()
    "tpu.region"() ({
      %run_scoped3A = tpu.sem_alloc : memref<!tpu.dma_semaphore, #tpu.memory_space<semaphore_mem>>
      %dma_start3A_61 = arith.constant 0 : i32
      %dma_start3A_62 = tpu.memref_slice %arg5[%add3A, %dma_start3A_61] : memref<32x1632xf32, #tpu.memory_space<hbm>> -> memref<1x1632xf32, #tpu.memory_space<hbm>>
      %dma_start3A_63 = tpu.memref_squeeze %dma_start3A_62 : memref<1x1632xf32, #tpu.memory_space<hbm>> -> memref<1632xf32, #tpu.memory_space<hbm>>
      %dma_start3A_64 = arith.constant 0 : i32
      %dma_start3A_65 = tpu.memref_slice %arg5[%add3A, %dma_start3A_64] : memref<32x1632xf32, #tpu.memory_space<hbm>> -> memref<1x1632xf32, #tpu.memory_space<hbm>>
      %dma_start3A_66 = tpu.memref_squeeze %dma_start3A_65 : memref<1x1632xf32, #tpu.memory_space<hbm>> -> memref<1632xf32, #tpu.memory_space<hbm>>
      tpu.enqueue_dma source(%arg13 : memref<1632xf32, #tpu.memory_space<vmem>>) target(%dma_start3A_66 : memref<1632xf32, #tpu.memory_space<hbm>>) target_semaphore(%run_scoped3A : memref<!tpu.dma_semaphore, #tpu.memory_space<semaphore_mem>>)
      %dma_wait3A = arith.constant 0 : i32
      %dma_wait3A_67 = tpu.memref_slice %arg5[%add3A, %dma_wait3A] : memref<32x1632xf32, #tpu.memory_space<hbm>> -> memref<1x1632xf32, #tpu.memory_space<hbm>>
      %dma_wait3A_68 = tpu.memref_squeeze %dma_wait3A_67 : memref<1x1632xf32, #tpu.memory_space<hbm>> -> memref<1632xf32, #tpu.memory_space<hbm>>
      %dma_wait3A_69 = arith.constant 0 : i32
      %dma_wait3A_70 = tpu.memref_slice %arg5[%add3A, %dma_wait3A_69] : memref<32x1632xf32, #tpu.memory_space<hbm>> -> memref<1x1632xf32, #tpu.memory_space<hbm>>
      %dma_wait3A_71 = tpu.memref_squeeze %dma_wait3A_70 : memref<1x1632xf32, #tpu.memory_space<hbm>> -> memref<1632xf32, #tpu.memory_space<hbm>>
      tpu.wait_dma2 semaphore(%run_scoped3A : memref<!tpu.dma_semaphore, #tpu.memory_space<semaphore_mem>>) src(%arg13 : memref<1632xf32, #tpu.memory_space<vmem>>) dst(%dma_wait3A_71 : memref<1632xf32, #tpu.memory_space<hbm>>)
      tpu.yield
    }) : () -> ()
    return
  }
}

module attributes {stable_mosaic.version = 14 : i64} {
  func.func @_tc_body(%arg0: memref<32x1632xf32, #tpu.memory_space<vmem>>, %arg1: memref<32x1632xf32, #tpu.memory_space<vmem>>, %arg2: memref<1x1xf32, #tpu.memory_space<vmem>>, %arg3: memref<1x1xf32, #tpu.memory_space<vmem>>) attributes {dimension_semantics = [], scalar_prefetch = 0 : i64, scratch_operands = 0 : i64, tpu.core_type = #tpu.core_type<tc>} {
    %get3A = arith.constant 0 : index
    %get3A_0 = arith.constant 0 : index
    %get3A_1 = vector.load %arg2[%get3A, %get3A_0] : memref<1x1xf32, #tpu.memory_space<vmem>>, vector<1x1xf32>
    %get3A_2 = vector.extract %get3A_1[0, 0] : f32 from vector<1x1xf32>
    %div3A = arith.constant 0x4B800000 : f32
    %div3A_3 = arith.divf %get3A_2, %div3A : f32
    %iota3A = tpu.iota {dimensions = array<i32: 0>} : vector<1632x112xi32>
    %jit3A = arith.constant 16 : i32
    %div3A_4 = vector.broadcast %jit3A : i32 to vector<1632x112xi32>
    %div3A_5 = arith.divsi %iota3A, %div3A_4 : vector<1632x112xi32>
    %sign3A = arith.constant 0 : i32
    %sign3A_6 = vector.broadcast %sign3A : i32 to vector<1632x112xi32>
    %sign3A_7 = arith.cmpi sgt, %iota3A, %sign3A_6 : vector<1632x112xi32>
    %sign3A_8 = arith.extui %sign3A_7 : vector<1632x112xi1> to vector<1632x112xi32>
    %sign3A_9 = arith.constant 0 : i32
    %sign3A_10 = vector.broadcast %sign3A_9 : i32 to vector<1632x112xi32>
    %sign3A_11 = arith.cmpi slt, %iota3A, %sign3A_10 : vector<1632x112xi32>
    %sign3A_12 = arith.extui %sign3A_11 : vector<1632x112xi1> to vector<1632x112xi32>
    %sign3A_13 = arith.subi %sign3A_8, %sign3A_12 : vector<1632x112xi32>
    %sign3A_14 = arith.constant 0 : i32
    %sign3A_15 = arith.cmpi sgt, %jit3A, %sign3A_14 : i32
    %sign3A_16 = arith.extui %sign3A_15 : i1 to i32
    %sign3A_17 = arith.constant 0 : i32
    %sign3A_18 = arith.cmpi slt, %jit3A, %sign3A_17 : i32
    %sign3A_19 = arith.extui %sign3A_18 : i1 to i32
    %sign3A_20 = arith.subi %sign3A_16, %sign3A_19 : i32
    %ne3A = vector.broadcast %sign3A_20 : i32 to vector<1632x112xi32>
    %ne3A_21 = arith.cmpi ne, %sign3A_13, %ne3A : vector<1632x112xi32>
    %rem3A = vector.broadcast %jit3A : i32 to vector<1632x112xi32>
    %rem3A_22 = arith.remsi %iota3A, %rem3A : vector<1632x112xi32>
    %ne3A_23 = arith.constant 0 : i32
    %ne3A_24 = vector.broadcast %ne3A_23 : i32 to vector<1632x112xi32>
    %ne3A_25 = arith.cmpi ne, %rem3A_22, %ne3A_24 : vector<1632x112xi32>
    %and3A = arith.andi %ne3A_21, %ne3A_25 : vector<1632x112xi1>
    %sub3A = arith.constant 1 : i32
    %sub3A_26 = vector.broadcast %sub3A : i32 to vector<1632x112xi32>
    %sub3A_27 = arith.subi %div3A_5, %sub3A_26 : vector<1632x112xi32>
    %select_n3A = arith.select %and3A, %sub3A_27, %div3A_5 : vector<1632x112xi1>, vector<1632x112xi32>
    %iota3A_28 = tpu.iota {dimensions = array<i32: 1>} : vector<1632x112xi32>
    %add3A = arith.constant 1 : i32
    %add3A_29 = vector.broadcast %add3A : i32 to vector<1632x112xi32>
    %add3A_30 = arith.addi %iota3A_28, %add3A_29 : vector<1632x112xi32>
    %eq3A = arith.cmpi eq, %select_n3A, %add3A_30 : vector<1632x112xi32>
    %convert_element_type3A = arith.extui %eq3A : vector<1632x112xi1> to vector<1632x112xi32>
    %convert_element_type3A_31 = arith.sitofp %convert_element_type3A : vector<1632x112xi32> to vector<1632x112xf32>
    %get3A_32 = arith.constant 0 : index
    %get3A_33 = arith.constant 0 : index
    %get3A_34 = vector.load %arg0[%get3A_32, %get3A_33] : memref<32x1632xf32, #tpu.memory_space<vmem>>, vector<32x1632xf32>
    %reduce_sum3A = arith.constant dense<0.000000e+00> : vector<1632xf32>
    %reduce_sum3A_35 = vector.multi_reduction <add>, %get3A_34, %reduce_sum3A [0] : vector<32x1632xf32> to vector<1632xf32>
    %broadcast_in_dim3A = vector.shape_cast %reduce_sum3A_35 : vector<1632xf32> to vector<1x1632xf32>
    %dot_general3A = arith.constant dense<0.000000e+00> : vector<1x112xf32>
    %dot_general3A_36 = tpu.matmul %broadcast_in_dim3A, %convert_element_type3A_31, %dot_general3A {dimension_numbers = #tpu.dot_dimension_numbers<[1], [0], [0], [1], [0, 0, 1, 1], [], []>, transpose_lhs_hint = false} : vector<1x1632xf32>, vector<1632x112xf32>, vector<1x112xf32> -> vector<1x112xf32>
    %get3A_37 = arith.constant 0 : index
    %get3A_38 = arith.constant 0 : index
    %get3A_39 = vector.load %arg1[%get3A_37, %get3A_38] : memref<32x1632xf32, #tpu.memory_space<vmem>>, vector<32x1632xf32>
    %reduce_sum3A_40 = arith.constant dense<0.000000e+00> : vector<1632xf32>
    %reduce_sum3A_41 = vector.multi_reduction <add>, %get3A_39, %reduce_sum3A_40 [0] : vector<32x1632xf32> to vector<1632xf32>
    %broadcast_in_dim3A_42 = vector.shape_cast %reduce_sum3A_41 : vector<1632xf32> to vector<1x1632xf32>
    %dot_general3A_43 = arith.constant dense<0.000000e+00> : vector<1x112xf32>
    %dot_general3A_44 = tpu.matmul %broadcast_in_dim3A_42, %convert_element_type3A_31, %dot_general3A_43 {dimension_numbers = #tpu.dot_dimension_numbers<[1], [0], [0], [1], [0, 0, 1, 1], [], []>, transpose_lhs_hint = false} : vector<1x1632xf32>, vector<1632x112xf32>, vector<1x112xf32> -> vector<1x112xf32>
    %iota3A_45 = tpu.iota {dimensions = array<i32: 1>} : vector<1x112xi32>
    %lt3A = arith.constant 100 : i32
    %lt3A_46 = vector.broadcast %lt3A : i32 to vector<1x112xi32>
    %lt3A_47 = arith.cmpi slt, %iota3A_45, %lt3A_46 : vector<1x112xi32>
    %add3A_48 = arith.constant 9.99999974E-6 : f32
    %add3A_49 = vector.broadcast %add3A_48 : f32 to vector<1x112xf32>
    %add3A_50 = arith.addf %dot_general3A_36, %add3A_49 : vector<1x112xf32>
    %jit3A_51 = arith.constant 0.000000e+00 : f32
    %broadcast_in_dim3A_52 = vector.broadcast %jit3A_51 : f32 to vector<1x112xf32>
    %select_n3A_53 = arith.select %lt3A_47, %add3A_50, %broadcast_in_dim3A_52 : vector<1x112xi1>, vector<1x112xf32>
    %add3A_54 = arith.constant 9.99999974E-6 : f32
    %add3A_55 = vector.broadcast %add3A_54 : f32 to vector<1x112xf32>
    %add3A_56 = arith.addf %dot_general3A_44, %add3A_55 : vector<1x112xf32>
    %jit3A_57 = arith.constant 0.000000e+00 : f32
    %broadcast_in_dim3A_58 = vector.broadcast %jit3A_57 : f32 to vector<1x112xf32>
    %select_n3A_59 = arith.select %lt3A_47, %add3A_56, %broadcast_in_dim3A_58 : vector<1x112xi1>, vector<1x112xf32>
    %reduce_sum3A_60 = vector.shape_cast %select_n3A_53 : vector<1x112xf32> to vector<1x1x112xf32>
    %reduce_sum3A_61 = arith.constant dense<0.000000e+00> : vector<1xf32>
    %reduce_sum3A_62 = vector.multi_reduction <add>, %reduce_sum3A_60, %reduce_sum3A_61 [1, 2] : vector<1x1x112xf32> to vector<1xf32>
    %reduce_sum3A_63 = vector.shape_cast %reduce_sum3A_62 : vector<1xf32> to vector<1x1x1xf32>
    %reduce_sum3A_64 = vector.extract %reduce_sum3A_63[0, 0, 0] : f32 from vector<1x1x1xf32>
    %div3A_65 = vector.broadcast %reduce_sum3A_64 : f32 to vector<1x112xf32>
    %div3A_66 = arith.divf %select_n3A_53, %div3A_65 : vector<1x112xf32>
    %reduce_sum3A_67 = vector.shape_cast %select_n3A_59 : vector<1x112xf32> to vector<1x1x112xf32>
    %reduce_sum3A_68 = arith.constant dense<0.000000e+00> : vector<1xf32>
    %reduce_sum3A_69 = vector.multi_reduction <add>, %reduce_sum3A_67, %reduce_sum3A_68 [1, 2] : vector<1x1x112xf32> to vector<1xf32>
    %reduce_sum3A_70 = vector.shape_cast %reduce_sum3A_69 : vector<1xf32> to vector<1x1x1xf32>
    %reduce_sum3A_71 = vector.extract %reduce_sum3A_70[0, 0, 0] : f32 from vector<1x1x1xf32>
    %div3A_72 = vector.broadcast %reduce_sum3A_71 : f32 to vector<1x112xf32>
    %div3A_73 = arith.divf %select_n3A_59, %div3A_72 : vector<1x112xf32>
    %jit3A_74 = arith.constant 1.000000e+00 : f32
    %broadcast_in_dim3A_75 = vector.broadcast %jit3A_74 : f32 to vector<1x112xf32>
    %select_n3A_76 = arith.select %lt3A_47, %div3A_66, %broadcast_in_dim3A_75 : vector<1x112xi1>, vector<1x112xf32>
    %log3A = math.log %select_n3A_76 : vector<1x112xf32>
    %jit3A_77 = arith.constant 1.000000e+00 : f32
    %broadcast_in_dim3A_78 = vector.broadcast %jit3A_77 : f32 to vector<1x112xf32>
    %select_n3A_79 = arith.select %lt3A_47, %div3A_73, %broadcast_in_dim3A_78 : vector<1x112xi1>, vector<1x112xf32>
    %log3A_80 = math.log %select_n3A_79 : vector<1x112xf32>
    %sub3A_81 = arith.subf %log3A_80, %log3A : vector<1x112xf32>
    %mul3A = arith.mulf %div3A_73, %sub3A_81 : vector<1x112xf32>
    %jit3A_82 = arith.constant 0.000000e+00 : f32
    %broadcast_in_dim3A_83 = vector.broadcast %jit3A_82 : f32 to vector<1x112xf32>
    %select_n3A_84 = arith.select %lt3A_47, %mul3A, %broadcast_in_dim3A_83 : vector<1x112xi1>, vector<1x112xf32>
    %reduce_sum3A_85 = vector.shape_cast %select_n3A_84 : vector<1x112xf32> to vector<1x1x112xf32>
    %reduce_sum3A_86 = arith.constant dense<0.000000e+00> : vector<1xf32>
    %reduce_sum3A_87 = vector.multi_reduction <add>, %reduce_sum3A_85, %reduce_sum3A_86 [1, 2] : vector<1x1x112xf32> to vector<1xf32>
    %reduce_sum3A_88 = vector.shape_cast %reduce_sum3A_87 : vector<1xf32> to vector<1x1x1xf32>
    %reduce_sum3A_89 = vector.extract %reduce_sum3A_88[0, 0, 0] : f32 from vector<1x1x1xf32>
    %div3A_90 = arith.constant 1.000000e+02 : f32
    %div3A_91 = arith.divf %reduce_sum3A_89, %div3A_90 : f32
    %mul3A_92 = arith.constant 5.000000e-01 : f32
    %mul3A_93 = arith.mulf %mul3A_92, %div3A_91 : f32
    %add3A_94 = arith.addf %div3A_3, %mul3A_93 : f32
    %broadcast_in_dim3A_95 = vector.broadcast %add3A_94 : f32 to vector<1x1xf32>
    %swap3A = arith.constant 0 : index
    %swap3A_96 = arith.constant 0 : index
    %swap3A_97 = vector.load %arg3[%swap3A, %swap3A_96] : memref<1x1xf32, #tpu.memory_space<vmem>>, vector<1x1xf32>
    tpu.vector_store %arg3[%swap3A, %swap3A_96], %broadcast_in_dim3A_95 {strides = array<i32>} : memref<1x1xf32, #tpu.memory_space<vmem>>, vector<1x1xf32>,
    return
  }
}

module attributes {stable_mosaic.version = 14 : i64} {
  func.func @_tc_mse_body(%arg0: i32, %arg1: memref<128x4096xf32, #tpu.memory_space<vmem>>, %arg2: memref<128x4096xf32, #tpu.memory_space<vmem>>, %arg3: memref<1x1xf32, #tpu.memory_space<vmem>>, %arg4: memref<1xf32, #tpu.memory_space<smem>>) attributes {dimension_semantics = [#tpu.dimension_semantics<arbitrary>], iteration_bounds = array<i64: 32>, scalar_prefetch = 0 : i64, scratch_operands = 1 : i64, tpu.core_type = #tpu.core_type<tc>, window_params = [{transform_indices = @transform_0, window_bounds = array<i64: 128, 4096>}, {transform_indices = @transform_1, window_bounds = array<i64: 128, 4096>}, {pipeline_mode = #tpu.pipeline_mode<synchronous>, transform_indices = @transform_2, window_bounds = array<i64: 1, 1>}]} {
    %eq3A = arith.constant 0 : i32
    %eq3A_0 = arith.cmpi eq, %arg0, %eq3A : i32
    %convert_element_type3A = arith.extui %eq3A_0 : i1 to i32
    %cond3A = arith.constant 0 : i32
    %cond3A_1 = arith.cmpi ne, %convert_element_type3A, %cond3A : i32
    scf.if %cond3A_1 {
      %swap3A_19 = arith.constant 0.000000e+00 : f32
      %swap3A_20 = arith.constant 0 : index
      %swap3A_21 = memref.load %arg4[%swap3A_20] : memref<1xf32, #tpu.memory_space<smem>>
      memref.store %swap3A_19, %arg4[%swap3A_20] : memref<1xf32, #tpu.memory_space<smem>>
    } else {
    }
    %get3A = arith.constant 0 : index
    %get3A_2 = arith.constant 0 : index
    %get3A_3 = vector.load %arg1[%get3A, %get3A_2] : memref<128x4096xf32, #tpu.memory_space<vmem>>, vector<128x4096xf32>
    %get3A_4 = arith.constant 0 : index
    %get3A_5 = arith.constant 0 : index
    %get3A_6 = vector.load %arg2[%get3A_4, %get3A_5] : memref<128x4096xf32, #tpu.memory_space<vmem>>, vector<128x4096xf32>
    %sub3A = arith.subf %get3A_3, %get3A_6 : vector<128x4096xf32>
    %get3A_7 = arith.constant 0 : index
    %get3A_8 = memref.load %arg4[%get3A_7] : memref<1xf32, #tpu.memory_space<smem>>
    %mul3A = arith.mulf %sub3A, %sub3A : vector<128x4096xf32>
    %reduce_sum3A = vector.shape_cast %mul3A : vector<128x4096xf32> to vector<1x128x4096xf32>
    %reduce_sum3A_9 = arith.constant dense<0.000000e+00> : vector<1xf32>
    %reduce_sum3A_10 = vector.multi_reduction <add>, %reduce_sum3A, %reduce_sum3A_9 [1, 2] : vector<1x128x4096xf32> to vector<1xf32>
    %reduce_sum3A_11 = vector.shape_cast %reduce_sum3A_10 : vector<1xf32> to vector<1x1x1xf32>
    %reduce_sum3A_12 = vector.extract %reduce_sum3A_11[0, 0, 0] : f32 from vector<1x1x1xf32>
    %add3A = arith.addf %get3A_8, %reduce_sum3A_12 : f32
    %swap3A = arith.constant 0 : index
    %swap3A_13 = memref.load %arg4[%swap3A] : memref<1xf32, #tpu.memory_space<smem>>
    memref.store %add3A, %arg4[%swap3A] : memref<1xf32, #tpu.memory_space<smem>>
    %eq3A_14 = arith.constant 31 : i32
    %eq3A_15 = arith.cmpi eq, %arg0, %eq3A_14 : i32
    %convert_element_type3A_16 = arith.extui %eq3A_15 : i1 to i32
    %cond3A_17 = arith.constant 0 : i32
    %cond3A_18 = arith.cmpi ne, %convert_element_type3A_16, %cond3A_17 : i32
    scf.if %cond3A_18 {
      %get3A_19 = arith.constant 0 : index
      %get3A_20 = memref.load %arg4[%get3A_19] : memref<1xf32, #tpu.memory_space<smem>>
      %broadcast_in_dim3A = vector.broadcast %get3A_20 : f32 to vector<1x1xf32>
      %swap3A_21 = arith.constant 0 : index
      %swap3A_22 = arith.constant 0 : index
      %swap3A_23 = vector.load %arg3[%swap3A_21, %swap3A_22] : memref<1x1xf32, #tpu.memory_space<vmem>>, vector<1x1xf32>
      tpu.vector_store %arg3[%swap3A_21, %swap3A_22], %broadcast_in_dim3A {strides = array<i32>} : memref<1x1xf32, #tpu.memory_space<vmem>>, vector<1x1xf32>,
    } else {
    }
    return
  }
  func.func @transform_0(%arg0: i32) -> (i32, i32) {
    %c0_i32 = arith.constant 0 : i32
    %c0_i32_0 = arith.constant 0 : i32
    return %arg0, %c0_i32 : i32, i32
  }
  func.func @transform_1(%arg0: i32) -> (i32, i32) {
    %c0_i32 = arith.constant 0 : i32
    %c0_i32_0 = arith.constant 0 : i32
    return %arg0, %c0_i32 : i32, i32
  }
  func.func @transform_2(%arg0: i32) -> (i32, i32) {
    %c0_i32 = arith.constant 0 : i32
    %c0_i32_0 = arith.constant 0 : i32
    %c0_i32_1 = arith.constant 0 : i32
    return %c0_i32, %c0_i32_0 : i32, i32
  }
}

</mosaic_0001>

<sc_bundles>
// kernel: kernel.5.cloned.1.call-start
scs
__scs_entry_jumppad:
0x0: {  	(pc) =	sbr.rel $0x88, $3  }
0x1: {  	(tag) =	ssettag $0x0;
	lr =	simm.s32 $0x1  }
0x2: {  	[smem:$0x3F9F] =	sst lr;
	_ =	strace $0xD0000000  }
0x3: {  	_ = 	snop  }
0x4: {  	_ = 	snop  }
0x5: {  	_ = 	snop  }
0x6: {  	_ = 	snop  }
0x7: {  	_ = 	snop  }
__scs_overlays_trampoline_lowered:
0x8: {  	[smem:$0x3FAE] =	sst s0  }
0x9: {  	[smem:$0x3FAF] =	sst s1  }
0xa: {  	[smem:$0x3FB0] =	sst s2  }
0xb: {  	[smem:$0x3FB1] =	sst s3  }
0xc: {  	[smem:$0x3FB2] =	sst s4  }
0xd: {  	[smem:$0x3FB3] =	sst s5  }
0xe: {  	[smem:$0x3FB4] =	sst s6  }
0xf: {  	[smem:$0x3FB5] =	sst s7  }
0x10: {  	[smem:$0x3FB6] =	sst s8  }
0x11: {  	[smem:$0x3FB7] =	sst s9;
	s0 =	simm.s32 @!p0 $0x0  }
0x12: {  	s1 =	sld [smem:$0x3F9D];
	s0 =	simm.s32 @p0 $0x1  }
0x13: {  	[smem:$0x3FB8] =	sst s0;
	s0 =	simm.s32 @!p1 $0x0  }
0x14: {  	s2 =	sld [smem:$0x3F9C];
	s0 =	simm.s32 @p1 $0x1  }
0x15: {  	[smem:$0x3FB9] =	sst s0;
	s0 =	simm.s32 @!p2 $0x0  }
0x16: {  	s3 =	sld [smem:$0x3FDB];
	s0 =	simm.s32 @p2 $0x1  }
0x17: {  	s4 =	simm.s32 $0x1BF5;
	[smem:$0x3FBB] =	sst s0  }
0x18: {  	s0 =	sld [smem:$0x3F9E];
	_ =	swait.ge [sflag:s4], $0x0  }
0x19: {  	s7 =	sld [smem:$0x3F9F]  }
0x1a: {  	s8 =	sadd.s32 $0xFFFFE003, lr  }
0x1b: {  	s9 =	sadd.s32 $0xFFFFFEF7, lr;
	s5 =	simm.s32 $0xFFFFFFFF;
	p2 =	slt.u32 s8, $0xFFFFF086  }
0x1c: {  	p1 =	slt.u32 s9, $0xF7A;
	s5 =	simm.s32 @!p2 $0x0  }
0x1d: {  	s5 =	simm.s32 @p1 $0x1;
	p0 =	seq.s32 s7, s2  }
0x1e: {  	s7 =	smul.u32 @!p0 $0xF7A, s2;
	p2 =	seq.s32 @!p0 s5, $0x0  }
0x1f: {  	s9 =	smul.u32 $0xF7A, s1;
	s8 =	simm.s32 @!p0 $0x1BF5;
	p2 =	por !p2, p0  }
0x20: {  	[sflag:s8] =	ssyncset.s32 @!p0 $0xFFFFF086;
	s6 =	sadd.s32 @!p0 s3, s7;
	s7 =	simm.s32 @!p0 $0x108  }
0x21: {  	s3 =	sadd.s32 s3, s9;
	s6 =	sadd.s32 @!p0 $0x88, s6;
	s7 =	simm.s32 @p2 $0x1082  }
0x22: {  	[simem:s7], [sflag:s8] =	dma.local @!p0 [hbm:s6], $0xF7A  }
0x23: {  	s9 =	sor.u32 $0xD0000000, s2;
	s6 =	simm.s32 $0x108;
	_ =	swait.ge @!p0 [sflag:s8], $0x0  }
0x24: {  	s3 =	sadd.s32 $0x88, s3;
	s6 =	simm.s32 @!p1 $0x1082;
	[sflag:s4] =	ssyncset.s32 $0xFFFFF086  }
0x25: {  	[simem:s6], [sflag:s4] =	dma.local [hbm:s3], $0xF7A  }
0x26: {  	[smem:$0x3F9F] =	sst s1;
	(tag) =	ssettag s2;
	_ =	strace s9  }
0x27: {  	s1 =	sld [smem:$0x3FAF]  }
0x28: {  	s2 =	sld [smem:$0x3FB0]  }
0x29: {  	s4 =	sld [smem:$0x3FB2]  }
0x2a: {  	p0 =	seq.s32 s5, $0x0;
	s5 =	sld [smem:$0x3FB3]  }
0x2b: {  	s6 =	sld [smem:$0x3FB4]  }
0x2c: {  	s7 =	sld [smem:$0x3FB5]  }
0x2d: {  	s3 =	simm.s32 $0x108;
	s8 =	sld [smem:$0x3FB6]  }
0x2e: {  	s3 =	simm.s32 @!p0 $0x1082;
	s9 =	sld [smem:$0x3FB7]  }
0x2f: {  	lr =	sadd.s32 s0, s3;
	s0 =	sld [smem:$0x3FAE]  }
0x30: {  	s3 =	sld [smem:$0x3FB1]  }
0x31: {  	[smem:$0x3FBA] =	sst s10  }
0x32: {  	s10 =	sld [smem:$0x3FB8];
	_ =	sdelay $0x3  }
0x33: {  	p0 =	seq.s32 s10, $0x1;
	s10 =	sld [smem:$0x3FBA];
	_ =	sdelay $0x3  }
0x34: {  	[smem:$0x3FBA] =	sst s10  }
0x35: {  	s10 =	sld [smem:$0x3FB9];
	_ =	sdelay $0x3  }
0x36: {  	p1 =	seq.s32 s10, $0x1;
	s10 =	sld [smem:$0x3FBA];
	_ =	sdelay $0x3  }
0x37: {  	[smem:$0x3FBA] =	sst s10  }
0x38: {  	s10 =	sld [smem:$0x3FBB]  }
0x39: {  	_ = 	snop;
	(pc) =	sbr.ind lr, $3  }
0x3a: {  	_ = 	snop  }
0x3b: {  	_ = 	snop  }
0x3c: {  	p2 =	seq.s32 s10, $0x1;
	s10 =	sld [smem:$0x3FBA]  }
0x3d: {  	_ =	shalt  }
0x3e: {  	_ =	shalt  }
0x3f: {  	_ =	shalt  }
0x40: {  	_ =	shalt  }
0x41: {  	_ =	shalt  }
0x42: {  	_ =	shalt  }
0x43: {  	_ =	shalt  }
0x44: {  	_ =	shalt  }
0x45: {  	_ =	shalt  }
0x46: {  	_ =	shalt  }
0x47: {  	_ =	shalt  }
0x48: {  	_ =	shalt  }
0x49: {  	_ =	shalt  }
0x4a: {  	_ =	shalt  }
0x4b: {  	_ =	shalt  }
0x4c: {  	_ =	shalt  }
0x4d: {  	_ =	shalt  }
0x4e: {  	_ =	shalt  }
0x4f: {  	_ =	shalt  }
0x50: {  	_ =	shalt  }
0x51: {  	_ =	shalt  }
0x52: {  	_ =	shalt  }
0x53: {  	_ =	shalt  }
0x54: {  	_ =	shalt  }
0x55: {  	_ =	shalt  }
0x56: {  	_ =	shalt  }
0x57: {  	_ =	shalt  }
0x58: {  	_ =	shalt  }
0x59: {  	_ =	shalt  }
0x5a: {  	_ =	shalt  }
0x5b: {  	_ =	shalt  }
0x5c: {  	_ =	shalt  }
0x5d: {  	_ =	shalt  }
0x5e: {  	_ =	shalt  }
0x5f: {  	_ =	shalt  }
0x60: {  	_ =	shalt  }
0x61: {  	_ =	shalt  }
0x62: {  	_ =	shalt  }
0x63: {  	_ =	shalt  }
0x64: {  	_ =	shalt  }
0x65: {  	_ =	shalt  }
0x66: {  	_ =	shalt  }
0x67: {  	_ =	shalt  }
0x68: {  	_ =	shalt  }
0x69: {  	_ =	shalt  }
0x6a: {  	_ =	shalt  }
0x6b: {  	_ =	shalt  }
0x6c: {  	_ =	shalt  }
0x6d: {  	_ =	shalt  }
0x6e: {  	_ =	shalt  }
0x6f: {  	_ =	shalt  }
0x70: {  	_ =	shalt  }
0x71: {  	_ =	shalt  }
0x72: {  	_ =	shalt  }
0x73: {  	_ =	shalt  }
0x74: {  	_ =	shalt  }
0x75: {  	_ =	shalt  }
0x76: {  	_ =	shalt  }
0x77: {  	_ =	shalt  }
0x78: {  	_ =	shalt  }
0x79: {  	_ =	shalt  }
0x7a: {  	_ =	shalt  }
0x7b: {  	_ =	shalt  }
0x7c: {  	_ =	shalt  }
0x7d: {  	_ =	shalt  }
0x7e: {  	_ =	shalt  }
0x7f: {  	_ =	shalt  }
0x80: {  	_ =	shalt  }
0x81: {  	_ =	shalt  }
0x82: {  	_ =	shalt  }
0x83: {  	_ =	shalt  }
0x84: {  	_ =	shalt  }
0x85: {  	_ =	shalt  }
0x86: {  	_ =	shalt  }
0x87: {  	_ =	shalt  }
.Lfunc_end0:
.L_simem_size_0:
called_computation_lowered:
.L_overlay_start_0:
0x88: {  	s2 =	sld [smem:$0x3FD9]  }
0x89: {  	s3 =	sld [smem:$0x3FFE];
	_ =	sdelay $0x1  }
0x8a: {  	s1 =	srdreg.scid  }
0x8b: {  	s0 =	sand.u32 $0x1, s1  }
0x8c: {  	s17 =	sshll.u32 s0, $0xA;
	s2 =	sadd.s32 s3, s2  }
0x8d: {  	s2 =	sadd.s32 s2, s17  }
0x8e: {  	[smem:$0x3FC6] =	sst s2  }
0x8f: {  	_ = 	snop  }
0x90: {  	s2 =	sld [smem:$0x3FC9]  }
0x91: {  	s18 =	sld [smem:$0x3FC8];
	(tm) =	ssettm $0x1  }
0x92: {  	s4 =	sld [smem:$0x3FFB];
	_ =	sdelay $0x3  }
0x93: {  	_ =	strace s4  }
0x94: {  	s4 =	sld [smem:$0x3FFC];
	_ =	sdelay $0x3  }
0x95: {  	_ =	strace s4  }
0x96: {  	s4 =	sld [smem:$0x3FFD];
	_ =	sdelay $0x3  }
0x97: {  	_ =	strace s4  }
0x98: {  	_ =	strace $0x8FFFFFFF  }
0x99: {  	s19 =	sld [smem:$0x3FDB];
	_ =	sdelay $0x1  }
0x9a: {  	s5 =	simm.s32 $_scs_section_size  }
0x9b: {  	s6 =	simm.s32 $_size__tile_overlayer_lowered;
	s7 =	simm.s32 $_tile_overlayer_lowered  }
0x9c: {  	s22 =	simm.s32 $0x1BFF;
	s21 =	sshll.u32 s7, $0x1;
	s4 =	sadd.s32 s5, s19  }
0x9d: {  	s8 =	simm.s32 $0x0;
	s20 =	sshll.u32 s6, $0x1;
	s6 =	sadd.s32 s21, s4  }
0x9e: {  	[timem:s8], [sflag:s22] =	dma.local [hbm:s6], s20  }
0x9f: {  	_ =	swait.ge [sflag:s22], s20  }
0xa0: {  	s5 =	ssub.s32 $0x0, s20;
	[sflag:s22] =	ssyncset.done $0x0  }
0xa1: {  	[sflag:s22] =	ssyncadd.s32 s5;
	_ =	sdelay $0x1  }
0xa2: {  	s23 =	simm.s32 $0x1B8B  }
0xa3: {  	_ =	swait.ge [sflag:s23], $0x1  }
0xa4: {  	[sflag:s23] =	ssyncset.done $0x0  }
0xa5: {  	s25 =	simm.s32 $0x1B8E;
	s24 =	sld [smem:$0x3FFE];
	[sflag:s23] =	ssyncadd.s32 $0xFFFFFFFF  }
0xa6: {  	s26 =	simm.s32 $execute0_lowered;
	[smem:$0x3FD2] =	sst s25  }
0xa7: {  	s6 =	sshll.u32 s26, $0x1;
	_ =	strace $0x80000046;
	[dreg:$0x1] =	wrdreg $0xFFFFFFFF  }
0xa8: {  	s28 =	simm.s32 $_size_execute0_lowered;
	s4 =	sadd.s32 s4, s6;
	[dreg:$0x0] =	wrdreg $0x0  }
0xa9: {  	s6 =	sshll.u32 s28, $0x1;
	[dreg:$0x2] =	wrdreg s4  }
0xaa: {  	[dreg:$0x3] =	wrdreg s6  }
0xab: {  	[dreg:$0x4] =	wrdreg $0xC0  }
0xac: {  	_ =	task [dreg:s8], $0x5FFFF  }
0xad: {  	[dreg:$0x1] =	wrdreg $0xFFFFFFFF  }
0xae: {  	[dreg:$0x0] =	wrdreg $0x60  }
0xaf: {  	[dreg:$0x2] =	wrdreg s2  }
0xb0: {  	[dreg:$0x3] =	wrdreg s18  }
0xb1: {  	[dreg:$0x4] =	wrdreg s24  }
0xb2: {  	[dreg:$0x5] =	wrdreg $0x9  }
0xb3: {  	_ =	task.clear_ibuf [dreg:s8], $0x6FFFF;
	_ =	strace $0x90000046  }
0xb4: {  	s29 =	simm.s32 $0x9;
	_ =	strace $0x80000048  }
0xb5: {  	_ =	swait.ge [sflag:s29], $0x1  }
0xb6: {  	[sflag:s29] =	ssyncadd.s32 $0xFFFFFFFF  }
0xb7: {  	_ =	strace $0x90000048  }
0xb8: {  	_ =	sfence  }
0xb9: {  	s30 =	sld [smem:$0x0];
	_ =	sdelay $0x2  }
0xba: {  	s31 =	sshll.u32 s1, $0xD;
	s1 =	sshrl.u32 s1, $0x2  }
0xbb: {  	s3 =	sand.u32 $0x4000, s31;
	s1 =	sadd.s32 s1, s30  }
0xbc: {  	s0 =	sor.u32 s3, s0;
	s1 =	sshll.u32 s1, $0x11  }
0xbd: {  	s0 =	sor.u32 s1, s0  }
0xbe: {  	s0 =	sadd.s32 $0x8F2B, s0  }
0xbf: {  	[sflag:s0] =	ssyncadd.remote.s32 $0x1  }
0xc0: {  	_ =	sfence.sel $0xFFFF  }
0xc1: {  	[dreg:$0x0] =	wrdreg $0xFFFFFFFF;
	(pc) =	sbr.abs _section_cstart, $3  }
0xc2: {  	[dreg:$0x1] =	wrdreg $0xFFFFFFFF  }
0xc3: {  	_ =	task.clear_ibuf [dreg:s8], $0x2FFFF;
	_ =	strace $0x9FFFFFFF  }
0xc4: {  	(tm) =	ssettm $0x7FFFFFFF  }
0xc5: {  	_ =	shalt  }
tec
execute0_lowered:
.L_overlay_start_1:
0x0: {  	(tag) =	ssettag $0x1  }
0x1: {  	s1 =	rddreg [dreg:$0x0]  }
0x2: {  	s3 =	rddreg [dreg:$0x1];
	s0 =	srdreg.scid  }
0x3: {  	s6 =	stileid.u32;
	s2 =	rddreg [dreg:$0x2]  }
0x4: {  	s15 =	simm.s32 $0x4000;
	s16 =	simm.s32 $0xC000;
	s17 =	simm.s32 $0x1  }
0x5: {  	s18 =	simm.s32 $0x3;
	s19 =	simm.s32 $0x10000;
	s20 =	simm.s32 $0x11980  }
0x6: {  	s21 =	simm.s32 $0x2;
	s22 =	simm.s32 $0x4;
	s26 =	simm.s32 $0x5  }
0x7: {  	s29 =	simm.s32 $0x0;
	s0 =	sand.u32 $0x1, s0;
	s4 =	sshll.u32 s6, $0x1  }
0x8: {  	s30 =	simm.s32 $0x0;
	s6 =	sshrl.u32 s6, $0x2;
	s5 =	sor.u32 s0, s4  }
0x9: {  	s4 =	simm.s32 $0x0;
	s6 =	smul.u32 $0x3400, s6;
	s0 =	ssub.s32 $0x2, s0  }
0xa: {  	s7 =	sshll.u32 s5, $0x7;
	[smem:$0x7FF] =	sst s4;
	s31 =	sshrl.u32 s0, $0x1  }
0xb: {  	s10 =	sshll.u32 s5, $0x10;
	s7 =	sand.u32 $0x380, s7;
	_ =	strace $0x80000047  }
0xc: {  	s0 =	ssub.s32 s0, s31;
	s8 =	sor.u32 $0x800, s10;
	s5 =	sadd.s32 s1, s10  }
0xd: {  	s9 =	sor.u32 $0x1000, s10;
	s6 =	sor.u32 s6, s7;
	[dreg:$0x4] =	wrdreg s5  }
0xe: {  	s7 =	sadd.s32 s1, s8;
	s8 =	sadd.s32 s3, s8;
	s6 =	sshrl.u32 s6, $0x3  }
0xf: {  	v0 =	vimm.f32 $0.0e+00;
	v1 =	vlaneseq.u32;
	v2 =	vimm.f32 $1.000000000e+00;
	s13 =	smax.u32 s0, $0x1;
	s2 =	sadd.s32 s6, s2;
	s6 =	sadd.s32 s3, s10  }
0x10: {  	v3 =	vor.u32 $0x660, v1;
	v4 =	vor.u32 $0xCC0, v1;
	v5 =	vor.u32 $0x1320, v1;
	s10 =	sor.u32 $0x1800, s10;
	s11 =	sadd.s32 $0xC00, s2;
	s12 =	sadd.s32 $0x2600, s2  }
.LBB2_1:
0x11: {  	s0 =	simm.s32 $0x40;
	s2 =	simm.s32 $0x0  }
.LBB2_2:
0x12: {  	p0 =	sne.s32 s0, $0x65C0;
	[tilespmem:s2+$0x10000] =	vst v0;
	s14 =	smov.u32 s0;
	s0 =	sadd.s32 $0x40, s0  }
.Ltmp0:
0x13: {  	[tilespmem:s2+$0x11980] =	vst v0;
	(pc) =	sbr.rel @p0 .LBB2_2-.Ltmp0, $2  }
0x14: {  	_ =	sdelay $0x2  }
0x15: {  	s2 =	sshra.s32 s14, $0x2  }
0x16: {  	[tilespmem:s2+$0x10000] =	vst v0  }
0x17: {  	[tilespmem:s2+$0x11980] =	vst v0;
	s0 =	rddreg [dreg:$0x4]  }
0x18: {  	[tilespmem:s30], [sflag:$0x1] =	stream.linear.gather [hbm4b:s0+s30], $0x4000, $0x38;
	[tilespmem:$0x14000] =	vst v63  }
0x19: {  	s28 =	simm.s32 $0x8000  }
0x1a: {  	[tilespmem:s28], [sflag:$0x3] =	stream.linear.gather [hbm4b:s6+s30], $0x4000, $0x38;
	[tilespmem:$0x14000] =	vst v63  }
0x1b: {  	_ = 	snop  }
0x1c: {  	[tilespmem:s15], [sflag:$0x2] =	stream.linear.gather [hbm4b:s7+s30], $0x4000, $0x38;
	[tilespmem:$0x14000] =	vst v63  }
0x1d: {  	s31 =	simm.s32 $0x0  }
0x1e: {  	[tilespmem:s16], [sflag:$0x4] =	stream.linear.gather [hbm4b:s8+s30], $0x4000, $0x38;
	[tilespmem:$0x14000] =	vst v63  }
.LBB2_4:
0x1f: {  	_ =	swait.ge [sflag:s17], $0x4000  }
0x20: {  	[sflag:s17] =	ssyncset.done $0x0  }
0x21: {  	[sflag:s17] =	ssyncadd.s32 $0xFFFFC000  }
0x22: {  	_ =	swait.ge [sflag:s18], $0x4000  }
0x23: {  	s0 =	sand.u32 $0x3800, s30;
	s2 =	sand.u32 $0x380, s30;
	[sflag:s18] =	ssyncset.done $0x0  }
0x24: {  	s2 =	sor.u32 s2, s0;
	[sflag:s18] =	ssyncadd.s32 $0xFFFFC000  }
0x25: {  	v6 =	vld [tilespmem:s2+$0x440]  }
0x26: {  	v7 =	vld [tilespmem:s2+$0x8440];
	_ =	sdelay $0x3  }
0x27: {  	v6 =	vmul.f32 $1.509913330e+02, v6  }
0x28: {  	v7 =	vmul.f32 $1.509913330e+02, v7  }
0x29: {  	v6 =	vadd.f32 $7.113407590e+02, v6  }
0x2a: {  	v7 =	vadd.f32 $7.113407590e+02, v7  }
0x2b: {  	v6 =	vtrunc.f32 v6  }
0x2c: {  	v7 =	vtrunc.f32 v7;
	v6 =	vcvt.f32.s32 v6  }
0x2d: {  	v7 =	vcvt.f32.s32 v7  }
0x2e: {  	v6 =	vmin.u32 v6, $0x65F  }
0x2f: {  	v8 =	vld [tilespmem:s2+$0x0];
	v7 =	vmin.u32 v7, $0x65F;
	v6 =	vand.u32 $0x7F0, v6  }
0x30: {  	v9 =	vld [tilespmem:s2+$0x8000];
	v7 =	vand.u32 $0x7F0, v7;
	v6 =	vor.u32 v1, v6  }
0x31: {  	v10 =	vld [tilespmem:s2+$0x40];
	v7 =	vor.u32 v1, v7  }
0x32: {  	v11 =	vld [tilespmem:s2+$0x8040];
	_ =	sdelay $0x1  }
0x33: {  	v8 =	vmul.f32 $1.509913330e+02, v8  }
0x34: {  	v9 =	vmul.f32 $1.509913330e+02, v9;
	[tilespmem:v6+s19+$0x0] =	vst.idx.add.f32.msk $0xffff, v2  }
0x35: {  	v6 =	vmul.f32 $1.509913330e+02, v10;
	[tilespmem:v7+s20+$0x0] =	vst.idx.add.f32.msk $0xffff, v2;
	v7 =	vadd.f32 $7.113407590e+02, v8  }
0x36: {  	v8 =	vadd.f32 $7.113407590e+02, v9;
	v9 =	vmul.f32 $1.509913330e+02, v11;
	v10 =	vld [tilespmem:s2+$0x450]  }
0x37: {  	v6 =	vadd.f32 $7.113407590e+02, v6;
	v11 =	vld [tilespmem:s2+$0x8450];
	v7 =	vtrunc.f32 v7  }
0x38: {  	v9 =	vadd.f32 $7.113407590e+02, v9;
	v8 =	vtrunc.f32 v8;
	v7 =	vcvt.f32.s32 v7  }
0x39: {  	v6 =	vtrunc.f32 v6;
	v8 =	vcvt.f32.s32 v8  }
0x3a: {  	v9 =	vtrunc.f32 v9;
	v6 =	vcvt.f32.s32 v6;
	v7 =	vmin.u32 v7, $0x65F  }
0x3b: {  	v9 =	vcvt.f32.s32 v9;
	v8 =	vmin.u32 v8, $0x65F;
	v10 =	vmul.f32 $1.509913330e+02, v10  }
0x3c: {  	v11 =	vmul.f32 $1.509913330e+02, v11;
	v7 =	vand.u32 $0x7F0, v7;
	v6 =	vmin.u32 v6, $0x65F  }
0x3d: {  	v8 =	vand.u32 $0x7F0, v8;
	v7 =	vor.u32 v1, v7;
	v10 =	vadd.f32 $7.113407590e+02, v10  }
0x3e: {  	v6 =	vand.u32 $0x7F0, v6;
	v8 =	vor.u32 v1, v8;
	v11 =	vadd.f32 $7.113407590e+02, v11  }
0x3f: {  	v6 =	vor.u32 v1, v6;
	v10 =	vtrunc.f32 v10  }
0x40: {  	v12 =	vld [tilespmem:s2+$0x400];
	v9 =	vmin.u32 v9, $0x65F;
	v11 =	vtrunc.f32 v11;
	v10 =	vcvt.f32.s32 v10  }
0x41: {  	v13 =	vld [tilespmem:s2+$0x8400];
	v9 =	vand.u32 $0x7F0, v9;
	v11 =	vcvt.f32.s32 v11  }
0x42: {  	v9 =	vor.u32 v1, v9;
	[tilespmem:v7+s19+$0x0] =	vst.idx.add.f32.msk $0xffff, v2;
	v10 =	vmin.u32 v10, $0x65F  }
0x43: {  	v11 =	vmin.u32 v11, $0x65F;
	[tilespmem:v8+s20+$0x0] =	vst.idx.add.f32.msk $0xffff, v2;
	v10 =	vand.u32 $0x7F0, v10  }
0x44: {  	[tilespmem:v6+s19+$0x0] =	vst.idx.add.f32.msk $0xffff, v2;
	v7 =	vand.u32 $0x7F0, v11;
	v10 =	vadd.s32 v3, v10  }
0x45: {  	v6 =	vld [tilespmem:s2+$0x10];
	v7 =	vadd.s32 v3, v7;
	_ =	sdelay $0x1  }
0x46: {  	[tilespmem:v9+s20+$0x0] =	vst.idx.add.f32.msk $0xffff, v2  }
0x47: {  	v11 =	vld [tilespmem:s2+$0x8010]  }
0x48: {  	v8 =	vmul.f32 $1.509913330e+02, v12;
	v9 =	vmul.f32 $1.509913330e+02, v13;
	[tilespmem:v10+s19+$0x0] =	vst.idx.add.f32.msk $0xffff, v2  }
0x49: {  	v6 =	vmul.f32 $1.509913330e+02, v6;
	[tilespmem:v7+s20+$0x0] =	vst.idx.add.f32.msk $0xffff, v2  }
0x4a: {  	v7 =	vadd.f32 $7.113407590e+02, v8;
	v8 =	vadd.f32 $7.113407590e+02, v9;
	v9 =	vld [tilespmem:s2+$0x460]  }
0x4b: {  	v6 =	vadd.f32 $7.113407590e+02, v6;
	v10 =	vld [tilespmem:s2+$0x8460]  }
0x4c: {  	v7 =	vtrunc.f32 v7  }
0x4d: {  	v8 =	vtrunc.f32 v8;
	v6 =	vtrunc.f32 v6  }
0x4e: {  	v7 =	vcvt.f32.s32 v7;
	v8 =	vcvt.f32.s32 v8  }
0x4f: {  	v6 =	vcvt.f32.s32 v6;
	v9 =	vmul.f32 $1.509913330e+02, v9  }
0x50: {  	v12 =	vld [tilespmem:s2+$0x50];
	v11 =	vmul.f32 $1.509913330e+02, v11;
	v7 =	vmin.u32 v7, $0x65F;
	v10 =	vmul.f32 $1.509913330e+02, v10  }
0x51: {  	v13 =	vld [tilespmem:s2+$0x8050];
	v8 =	vmin.u32 v8, $0x65F;
	v6 =	vmin.u32 v6, $0x65F;
	v9 =	vadd.f32 $7.113407590e+02, v9  }
0x52: {  	v7 =	vand.u32 $0x7F0, v7;
	v8 =	vand.u32 $0x7F0, v8;
	v10 =	vadd.f32 $7.113407590e+02, v10  }
0x53: {  	v6 =	vand.u32 $0x7F0, v6;
	v7 =	vor.u32 v1, v7;
	v9 =	vtrunc.f32 v9  }
0x54: {  	v6 =	vadd.s32 v3, v6;
	v10 =	vtrunc.f32 v10;
	v9 =	vcvt.f32.s32 v9  }
0x55: {  	v11 =	vadd.f32 $7.113407590e+02, v11;
	v8 =	vor.u32 v1, v8;
	v10 =	vcvt.f32.s32 v10  }
0x56: {  	v12 =	vmul.f32 $1.509913330e+02, v12;
	v13 =	vmul.f32 $1.509913330e+02, v13;
	v9 =	vmin.u32 v9, $0x65F  }
0x57: {  	v11 =	vtrunc.f32 v11;
	v10 =	vmin.u32 v10, $0x65F;
	v9 =	vand.u32 $0x7F0, v9  }
0x58: {  	[tilespmem:v7+s19+$0x0] =	vst.idx.add.f32.msk $0xffff, v2;
	v7 =	vcvt.f32.s32 v11;
	v10 =	vand.u32 $0x7F0, v10;
	v9 =	vadd.s32 v4, v9  }
0x59: {  	v12 =	vadd.f32 $7.113407590e+02, v12;
	[tilespmem:v6+s19+$0x0] =	vst.idx.add.f32.msk $0xffff, v2;
	v10 =	vadd.s32 v4, v10  }
0x5a: {  	v13 =	vadd.f32 $7.113407590e+02, v13;
	[tilespmem:v8+s20+$0x0] =	vst.idx.add.f32.msk $0xffff, v2;
	v7 =	vmin.u32 v7, $0x65F  }
0x5b: {  	s24 =	sand.u32 $0x7, s30;
	v11 =	vtrunc.f32 v12;
	v12 =	vld [tilespmem:s2+$0x410];
	v7 =	vand.u32 $0x7F0, v7  }
0x5c: {  	s0 =	sshll.u32 s24, $0xB;
	v8 =	vtrunc.f32 v13;
	v11 =	vcvt.f32.s32 v11;
	v13 =	vld [tilespmem:s2+$0x8410];
	v7 =	vadd.s32 v3, v7  }
0x5d: {  	s14 =	sadd.s32 $0x0, s0;
	[tilespmem:v9+s19+$0x0] =	vst.idx.add.f32.msk $0xffff, v2  }
0x5e: {  	s0 =	sor.u32 $0x470, s14;
	v11 =	vmin.u32 v11, $0x65F;
	[tilespmem:v10+s20+$0x0] =	vst.idx.add.f32.msk $0xffff, v2  }
0x5f: {  	s25 =	simm.s32 $0x800;
	s23 =	simm.s32 $0x10;
	v11 =	vand.u32 $0x7F0, v11;
	v10 =	vld [tilespmem:s0+$0x0]  }
0x60: {  	s23 =	sand.u32 $0x380, s23;
	v9 =	vadd.s32 v3, v11;
	v11 =	vld [tilespmem:s0+$0x8000];
	s0 =	sand.u32 $0x3800, s25  }
0x61: {  	[tilespmem:v7+s20+$0x0] =	vst.idx.add.f32.msk $0xffff, v2;
	s0 =	sor.u32 s23, s0  }
0x62: {  	v6 =	vmul.f32 $1.509913330e+02, v13;
	v13 =	vld [tilespmem:s0+$0x440]  }
0x63: {  	v8 =	vcvt.f32.s32 v8;
	v14 =	vld [tilespmem:s0+$0x8440]  }
0x64: {  	v12 =	vmul.f32 $1.509913330e+02, v12;
	v16 =	vld [tilespmem:s0+$0x0]  }
0x65: {  	v8 =	vmin.u32 v8, $0x65F;
	v17 =	vld [tilespmem:s0+$0x8000]  }
0x66: {  	v8 =	vand.u32 $0x7F0, v8;
	v7 =	vadd.f32 $7.113407590e+02, v12;
	v18 =	vld [tilespmem:s0+$0x40]  }
0x67: {  	v8 =	vadd.s32 v3, v8;
	v6 =	vadd.f32 $7.113407590e+02, v6;
	v19 =	vld [tilespmem:s0+$0x8040]  }
0x68: {  	v7 =	vtrunc.f32 v7;
	v20 =	vld [tilespmem:s0+$0x400]  }
0x69: {  	v6 =	vtrunc.f32 v6;
	v7 =	vcvt.f32.s32 v7;
	v21 =	vld [tilespmem:s0+$0x8400]  }
0x6a: {  	v6 =	vcvt.f32.s32 v6;
	[tilespmem:v9+s19+$0x0] =	vst.idx.add.f32.msk $0xffff, v2  }
0x6b: {  	v9 =	vld [tilespmem:s2+$0x20];
	v7 =	vmin.u32 v7, $0x65F  }
0x6c: {  	[tilespmem:v8+s20+$0x0] =	vst.idx.add.f32.msk $0xffff, v2;
	v6 =	vmin.u32 v6, $0x65F;
	v8 =	vmul.f32 $1.509913330e+02, v10;
	v11 =	vmul.f32 $1.509913330e+02, v11  }
0x6d: {  	v7 =	vand.u32 $0x7F0, v7;
	v6 =	vand.u32 $0x7F0, v6;
	v13 =	vmul.f32 $1.509913330e+02, v13  }
0x6e: {  	v10 =	vld [tilespmem:s2+$0x8020];
	v7 =	vadd.s32 v3, v7;
	v14 =	vmul.f32 $1.509913330e+02, v14;
	v16 =	vmul.f32 $1.509913330e+02, v16  }
0x6f: {  	v12 =	vld [tilespmem:s2+$0x60];
	v8 =	vadd.f32 $7.113407590e+02, v8;
	v17 =	vmul.f32 $1.509913330e+02, v17;
	v18 =	vmul.f32 $1.509913330e+02, v18  }
0x70: {  	v15 =	vld [tilespmem:s2+$0x8060];
	v11 =	vadd.f32 $7.113407590e+02, v11;
	v19 =	vmul.f32 $1.509913330e+02, v19;
	v20 =	vmul.f32 $1.509913330e+02, v20  }
0x71: {  	v6 =	vadd.s32 v3, v6;
	v21 =	vmul.f32 $1.509913330e+02, v21;
	v9 =	vmul.f32 $1.509913330e+02, v9  }
0x72: {  	v8 =	vtrunc.f32 v8;
	v11 =	vtrunc.f32 v11;
	v13 =	vadd.f32 $7.113407590e+02, v13  }
0x73: {  	v14 =	vadd.f32 $7.113407590e+02, v14;
	v16 =	vadd.f32 $7.113407590e+02, v16;
	v8 =	vcvt.f32.s32 v8  }
0x74: {  	v17 =	vadd.f32 $7.113407590e+02, v17;
	v11 =	vcvt.f32.s32 v11;
	v10 =	vmul.f32 $1.509913330e+02, v10  }
0x75: {  	v18 =	vadd.f32 $7.113407590e+02, v18;
	v12 =	vmul.f32 $1.509913330e+02, v12;
	v15 =	vmul.f32 $1.509913330e+02, v15  }
0x76: {  	v9 =	vadd.f32 $7.113407590e+02, v9;
	v13 =	vtrunc.f32 v13;
	v14 =	vtrunc.f32 v14  }
0x77: {  	v16 =	vtrunc.f32 v16;
	[tilespmem:v7+s19+$0x0] =	vst.idx.add.f32.msk $0xffff, v2;
	v7 =	vadd.f32 $7.113407590e+02, v19;
	v17 =	vtrunc.f32 v17  }
0x78: {  	v19 =	vadd.f32 $7.113407590e+02, v20;
	v8 =	vmin.u32 v8, $0x65F;
	v10 =	vadd.f32 $7.113407590e+02, v10  }
0x79: {  	v9 =	vtrunc.f32 v9;
	v12 =	vadd.f32 $7.113407590e+02, v12;
	v13 =	vcvt.f32.s32 v13  }
0x7a: {  	v14 =	vcvt.f32.s32 v14;
	[tilespmem:v6+s20+$0x0] =	vst.idx.add.f32.msk $0xffff, v2;
	v6 =	vtrunc.f32 v18;
	v18 =	vadd.f32 $7.113407590e+02, v21  }
0x7b: {  	v16 =	vcvt.f32.s32 v16;
	v15 =	vadd.f32 $7.113407590e+02, v15;
	v13 =	vmin.u32 v13, $0x65F  }
0x7c: {  	v17 =	vcvt.f32.s32 v17;
	v14 =	vmin.u32 v14, $0x65F;
	v13 =	vand.u32 $0x7F0, v13  }
0x7d: {  	v7 =	vtrunc.f32 v7;
	v14 =	vand.u32 $0x7F0, v14;
	v13 =	vor.u32 v1, v13  }
0x7e: {  	v6 =	vcvt.f32.s32 v6;
	v9 =	vcvt.f32.s32 v9;
	v14 =	vor.u32 v1, v14  }
0x7f: {  	v8 =	vand.u32 $0x7F0, v8;
	v10 =	vtrunc.f32 v10;
	v12 =	vtrunc.f32 v12  }
0x80: {  	v18 =	vtrunc.f32 v18;
	v16 =	vmin.u32 v16, $0x65F;
	v7 =	vcvt.f32.s32 v7  }
0x81: {  	v20 =	vld [tilespmem:s2+$0x420];
	v16 =	vand.u32 $0x7F0, v16;
	v6 =	vmin.u32 v6, $0x65F;
	v9 =	vmin.u32 v9, $0x65F  }
0x82: {  	v12 =	vcvt.f32.s32 v12;
	v16 =	vor.u32 v1, v16;
	v6 =	vand.u32 $0x7F0, v6;
	[tilespmem:v13+s19+$0x0] =	vst.idx.add.f32.msk $0xffff, v2  }
0x83: {  	v9 =	vand.u32 $0x7F0, v9;
	v22 =	vor.u32 v1, v6;
	v13 =	vtrunc.f32 v19;
	[tilespmem:v14+s20+$0x0] =	vst.idx.add.f32.msk $0xffff, v2  }
0x84: {  	v12 =	vmin.u32 v12, $0x65F;
	v14 =	vmin.u32 v17, $0x65F;
	v13 =	vcvt.f32.s32 v13;
	v17 =	vld [tilespmem:s0+$0x450]  }
0x85: {  	v18 =	vcvt.f32.s32 v18;
	v9 =	vadd.s32 v4, v9;
	v12 =	vand.u32 $0x7F0, v12;
	v19 =	vld [tilespmem:s0+$0x8450]  }
0x86: {  	v59 =	vld [tilespmem:s2+$0x8420];
	v12 =	vadd.s32 v4, v12;
	v14 =	vand.u32 $0x7F0, v14;
	v13 =	vmin.u32 v13, $0x65F  }
0x87: {  	v7 =	vmin.u32 v7, $0x65F;
	v14 =	vor.u32 v1, v14;
	v13 =	vand.u32 $0x7F0, v13  }
0x88: {  	v18 =	vmin.u32 v18, $0x65F;
	v7 =	vand.u32 $0x7F0, v7;
	[tilespmem:v16+s19+$0x0] =	vst.idx.add.f32.msk $0xffff, v2;
	v13 =	vor.u32 v1, v13  }
0x89: {  	[tilespmem:v22+s19+$0x0] =	vst.idx.add.f32.msk $0xffff, v2;
	v6 =	vmul.f32 $1.509913330e+02, v17;
	v17 =	vand.u32 $0x7F0, v18;
	v18 =	vor.u32 v1, v7  }
0x8a: {  	v10 =	vcvt.f32.s32 v10;
	[tilespmem:v9+s19+$0x0] =	vst.idx.add.f32.msk $0xffff, v2;
	v7 =	vmul.f32 $1.509913330e+02, v19;
	v17 =	vor.u32 v1, v17  }
0x8b: {  	v20 =	vmul.f32 $1.509913330e+02, v20;
	v21 =	vmul.f32 $1.509913330e+02, v59;
	[tilespmem:v12+s19+$0x0] =	vst.idx.add.f32.msk $0xffff, v2;
	v19 =	vadd.f32 $7.113407590e+02, v6  }
0x8c: {  	[tilespmem:v14+s20+$0x0] =	vst.idx.add.f32.msk $0xffff, v2;
	v7 =	vadd.f32 $7.113407590e+02, v7;
	v6 =	vadd.s32 v5, v8;
	v8 =	vtrunc.f32 v15  }
0x8d: {  	v11 =	vmin.u32 v11, $0x65F;
	[tilespmem:v13+s19+$0x0] =	vst.idx.add.f32.msk $0xffff, v2;
	v8 =	vcvt.f32.s32 v8;
	v14 =	vtrunc.f32 v19  }
0x8e: {  	v11 =	vand.u32 $0x7F0, v11;
	v16 =	vtrunc.f32 v7;
	v14 =	vcvt.f32.s32 v14;
	[tilespmem:v18+s20+$0x0] =	vst.idx.add.f32.msk $0xffff, v2  }
0x8f: {  	v7 =	vadd.s32 v5, v11;
	v11 =	vcvt.f32.s32 v16;
	v8 =	vmin.u32 v8, $0x65F;
	[tilespmem:v17+s20+$0x0] =	vst.idx.add.f32.msk $0xffff, v2  }
0x90: {  	v15 =	vadd.f32 $7.113407590e+02, v20;
	v18 =	vld [tilespmem:s0+$0x50];
	v8 =	vand.u32 $0x7F0, v8;
	v13 =	vmin.u32 v14, $0x65F  }
0x91: {  	v19 =	vld [tilespmem:s0+$0x8050];
	v11 =	vmin.u32 v11, $0x65F;
	v8 =	vadd.s32 v4, v8;
	v13 =	vand.u32 $0x7F0, v13  }
0x92: {  	v16 =	vadd.f32 $7.113407590e+02, v21;
	v17 =	vld [tilespmem:s0+$0x8010];
	v11 =	vand.u32 $0x7F0, v11;
	v13 =	vadd.s32 v3, v13  }
0x93: {  	v10 =	vmin.u32 v10, $0x65F;
	v15 =	vtrunc.f32 v15;
	v60 =	vld [tilespmem:s0+$0x8410];
	v11 =	vadd.s32 v3, v11  }
0x94: {  	v10 =	vand.u32 $0x7F0, v10;
	v15 =	vcvt.f32.s32 v15;
	v14 =	vtrunc.f32 v16;
	v16 =	vld [tilespmem:s0+$0x10]  }
0x95: {  	v10 =	vadd.s32 v4, v10;
	v20 =	vld [tilespmem:s0+$0x410];
	v14 =	vcvt.f32.s32 v14;
	v18 =	vmul.f32 $1.509913330e+02, v18  }
0x96: {  	v19 =	vmul.f32 $1.509913330e+02, v19;
	[tilespmem:v8+s20+$0x0] =	vst.idx.add.f32.msk $0xffff, v2  }
0x97: {  	v15 =	vmin.u32 v15, $0x65F;
	v14 =	vmin.u32 v14, $0x65F;
	v18 =	vadd.f32 $7.113407590e+02, v18;
	[tilespmem:v13+s19+$0x0] =	vst.idx.add.f32.msk $0xffff, v2  }
0x98: {  	v14 =	vand.u32 $0x7F0, v14;
	v8 =	vmul.f32 $1.509913330e+02, v60;
	v19 =	vadd.f32 $7.113407590e+02, v19;
	[tilespmem:v11+s20+$0x0] =	vst.idx.add.f32.msk $0xffff, v2  }
0x99: {  	v13 =	vand.u32 $0x7F0, v15;
	v15 =	vmul.f32 $1.509913330e+02, v16;
	v18 =	vtrunc.f32 v18;
	v16 =	vld [tilespmem:s0+$0x460]  }
0x9a: {  	[tilespmem:v10+s20+$0x0] =	vst.idx.add.f32.msk $0xffff, v2;
	v14 =	vadd.s32 v4, v14;
	v10 =	vtrunc.f32 v19;
	v12 =	vcvt.f32.s32 v18  }
0x9b: {  	v11 =	vmul.f32 $1.509913330e+02, v17;
	v13 =	vadd.s32 v4, v13;
	v17 =	vld [tilespmem:s0+$0x8460];
	v10 =	vcvt.f32.s32 v10  }
0x9c: {  	v20 =	vmul.f32 $1.509913330e+02, v20;
	v8 =	vadd.f32 $7.113407590e+02, v8;
	v12 =	vmin.u32 v12, $0x65F  }
0x9d: {  	v11 =	vadd.f32 $7.113407590e+02, v11;
	v10 =	vmin.u32 v10, $0x65F;
	v12 =	vand.u32 $0x7F0, v12  }
0x9e: {  	s14 =	sor.u32 $0x70, s14;
	v10 =	vand.u32 $0x7F0, v10;
	v12 =	vadd.s32 v3, v12;
	v16 =	vmul.f32 $1.509913330e+02, v16  }
0x9f: {  	v15 =	vadd.f32 $7.113407590e+02, v15;
	v8 =	vtrunc.f32 v8;
	v18 =	vld [tilespmem:s14+$0x0];
	v10 =	vadd.s32 v3, v10  }
0xa0: {  	v11 =	vtrunc.f32 v11;
	[tilespmem:v13+s19+$0x0] =	vst.idx.add.f32.msk $0xffff, v2;
	v17 =	vmul.f32 $1.509913330e+02, v17;
	v16 =	vadd.f32 $7.113407590e+02, v16  }
0xa1: {  	v15 =	vtrunc.f32 v15;
	v9 =	vcvt.f32.s32 v11;
	[tilespmem:v14+s20+$0x0] =	vst.idx.add.f32.msk $0xffff, v2  }
0xa2: {  	v11 =	vadd.f32 $7.113407590e+02, v20;
	v20 =	vld [tilespmem:s2+$0x430];
	v17 =	vadd.f32 $7.113407590e+02, v17;
	v16 =	vtrunc.f32 v16  }
0xa3: {  	v15 =	vcvt.f32.s32 v15;
	[tilespmem:v12+s19+$0x0] =	vst.idx.add.f32.msk $0xffff, v2;
	v13 =	vcvt.f32.s32 v16  }
0xa4: {  	v8 =	vcvt.f32.s32 v8;
	v16 =	vtrunc.f32 v17;
	[tilespmem:v10+s20+$0x0] =	vst.idx.add.f32.msk $0xffff, v2  }
0xa5: {  	v15 =	vmin.u32 v15, $0x65F;
	v14 =	vcvt.f32.s32 v16;
	v16 =	vld [tilespmem:s2+$0x30];
	v13 =	vmin.u32 v13, $0x65F  }
0xa6: {  	v11 =	vtrunc.f32 v11;
	v9 =	vmin.u32 v9, $0x65F;
	v31 =	vld [tilespmem:s0+$0x8060];
	v13 =	vand.u32 $0x7F0, v13  }
0xa7: {  	v15 =	vand.u32 $0x7F0, v15;
	v17 =	vld [tilespmem:s2+$0x8030];
	v14 =	vmin.u32 v14, $0x65F;
	v13 =	vadd.s32 v4, v13  }
0xa8: {  	v61 =	vld [tilespmem:s2+$0x8430];
	v11 =	vcvt.f32.s32 v11;
	v15 =	vadd.s32 v3, v15;
	v14 =	vand.u32 $0x7F0, v14  }
0xa9: {  	v19 =	vld [tilespmem:s14+$0x8000];
	v8 =	vmin.u32 v8, $0x65F;
	v9 =	vand.u32 $0x7F0, v9;
	v14 =	vadd.s32 v4, v14  }
0xaa: {  	v9 =	vadd.s32 v3, v9;
	v11 =	vmin.u32 v11, $0x65F;
	v16 =	vmul.f32 $1.509913330e+02, v16  }
0xab: {  	s5 =	simm.s32 $0x1;
	v8 =	vand.u32 $0x7F0, v8;
	v11 =	vand.u32 $0x7F0, v11;
	v21 =	vmul.f32 $1.509913330e+02, v31  }
0xac: {  	s23 =	sand.u32 $0x7, s5;
	v16 =	vadd.f32 $7.113407590e+02, v16;
	[tilespmem:v13+s19+$0x0] =	vst.idx.add.f32.msk $0xffff, v2;
	v13 =	vmul.f32 $1.509913330e+02, v17;
	v17 =	vmul.f32 $1.509913330e+02, v18  }
0xad: {  	s2 =	sshll.u32 s23, $0xB;
	[tilespmem:v15+s19+$0x0] =	vst.idx.add.f32.msk $0xffff, v2;
	v21 =	vadd.f32 $7.113407590e+02, v21;
	v18 =	vmul.f32 $1.509913330e+02, v20;
	v20 =	vmul.f32 $1.509913330e+02, v61  }
0xae: {  	v63 =	vadd.s32 v3, v11;
	s24 =	sadd.s32 $0x10, s2;
	[tilespmem:v14+s20+$0x0] =	vst.idx.add.f32.msk $0xffff, v2;
	v14 =	vmul.f32 $1.509913330e+02, v19;
	v16 =	vtrunc.f32 v16  }
0xaf: {  	s2 =	sor.u32 $0x470, s24;
	[tilespmem:v9+s20+$0x0] =	vst.idx.add.f32.msk $0xffff, v2;
	v21 =	vtrunc.f32 v21;
	v13 =	vadd.f32 $7.113407590e+02, v13;
	v17 =	vadd.f32 $7.113407590e+02, v17  }
0xb0: {  	s25 =	simm.s32 $0x1000;
	s5 =	simm.s32 $0x20;
	v19 =	vld [tilespmem:s2+$0x0];
	v18 =	vadd.f32 $7.113407590e+02, v18;
	v20 =	vadd.f32 $7.113407590e+02, v20;
	v15 =	vcvt.f32.s32 v16  }
0xb1: {  	s23 =	sand.u32 $0x380, s5;
	v62 =	vld [tilespmem:s2+$0x8000];
	s2 =	sand.u32 $0x3800, s25;
	v14 =	vadd.f32 $7.113407590e+02, v14;
	v13 =	vtrunc.f32 v13;
	v17 =	vtrunc.f32 v17  }
0xb2: {  	v16 =	vadd.s32 v3, v8;
	s2 =	sor.u32 s23, s2;
	v11 =	vtrunc.f32 v18;
	v8 =	vtrunc.f32 v20;
	v18 =	vld [tilespmem:s0+$0x8020]  }
0xb3: {  	v23 =	vld [tilespmem:s2+$0x440];
	v14 =	vtrunc.f32 v14;
	v12 =	vcvt.f32.s32 v13  }
0xb4: {  	v26 =	vld [tilespmem:s2+$0x8000];
	v10 =	vcvt.f32.s32 v17;
	v11 =	vcvt.f32.s32 v11  }
0xb5: {  	v28 =	vld [tilespmem:s2+$0x8040];
	v8 =	vcvt.f32.s32 v8;
	v14 =	vcvt.f32.s32 v14  }
0xb6: {  	v15 =	vmin.u32 v15, $0x65F;
	v29 =	vld [tilespmem:s2+$0x8400];
	v9 =	vmul.f32 $1.509913330e+02, v19;
	v13 =	vmul.f32 $1.509913330e+02, v62  }
0xb7: {  	v12 =	vmin.u32 v12, $0x65F;
	v10 =	vmin.u32 v10, $0x65F;
	v20 =	vmin.u32 v11, $0x65F  }
0xb8: {  	v14 =	vmin.u32 v14, $0x65F;
	v12 =	vand.u32 $0x7F0, v12;
	v24 =	vand.u32 $0x7F0, v10  }
0xb9: {  	v19 =	vld [tilespmem:s0+$0x60];
	v9 =	vadd.f32 $7.113407590e+02, v9;
	v18 =	vmul.f32 $1.509913330e+02, v18;
	v23 =	vmul.f32 $1.509913330e+02, v23  }
0xba: {  	v10 =	vld [tilespmem:s2+$0x8440];
	v13 =	vadd.f32 $7.113407590e+02, v13;
	v26 =	vmul.f32 $1.509913330e+02, v26;
	v28 =	vmul.f32 $1.509913330e+02, v28  }
0xbb: {  	[tilespmem:v63+s19+$0x0] =	vst.idx.add.f32.msk $0xffff, v2;
	v29 =	vmul.f32 $1.509913330e+02, v29;
	v12 =	vadd.s32 v5, v12;
	v9 =	vtrunc.f32 v9  }
0xbc: {  	v17 =	vld [tilespmem:s0+$0x20];
	v13 =	vtrunc.f32 v13;
	v18 =	vadd.f32 $7.113407590e+02, v18;
	v23 =	vadd.f32 $7.113407590e+02, v23  }
0xbd: {  	[tilespmem:v16+s20+$0x0] =	vst.idx.add.f32.msk $0xffff, v2;
	v26 =	vadd.f32 $7.113407590e+02, v26;
	v28 =	vadd.f32 $7.113407590e+02, v28;
	v9 =	vcvt.f32.s32 v9  }
0xbe: {  	v37 =	vld [tilespmem:s0+$0x420];
	v36 =	vadd.f32 $7.113407590e+02, v29;
	v11 =	vcvt.f32.s32 v13;
	v19 =	vmul.f32 $1.509913330e+02, v19  }
0xbf: {  	v13 =	vand.u32 $0x7F0, v15;
	v10 =	vmul.f32 $1.509913330e+02, v10;
	v18 =	vtrunc.f32 v18  }
0xc0: {  	v15 =	vmin.u32 v8, $0x65F;
	v23 =	vtrunc.f32 v23;
	v33 =	vtrunc.f32 v26  }
0xc1: {  	v32 =	vld [tilespmem:s2+$0x400];
	v16 =	vtrunc.f32 v28;
	v38 =	vtrunc.f32 v36;
	v13 =	vadd.s32 v5, v13  }
0xc2: {  	v8 =	vmin.u32 v9, $0x65F;
	v9 =	vmul.f32 $1.509913330e+02, v17;
	v10 =	vadd.f32 $7.113407590e+02, v10  }
0xc3: {  	v30 =	vld [tilespmem:s0+$0x8420];
	v42 =	vmul.f32 $1.509913330e+02, v37;
	v23 =	vcvt.f32.s32 v23;
	v8 =	vand.u32 $0x7F0, v8  }
0xc4: {  	v17 =	vld [tilespmem:s2+$0x0];
	v25 =	vadd.s32 v5, v8;
	v27 =	vadd.f32 $7.113407590e+02, v9;
	v10 =	vtrunc.f32 v10  }
0xc5: {  	v8 =	vand.u32 $0x7F0, v14;
	v9 =	vand.u32 $0x7F0, v20;
	v10 =	vcvt.f32.s32 v10  }
0xc6: {  	v14 =	vld [tilespmem:s2+$0x40];
	v23 =	vmin.u32 v23, $0x65F;
	v20 =	vtrunc.f32 v27;
	v27 =	vmul.f32 $1.509913330e+02, v32  }
0xc7: {  	v22 =	vcvt.f32.s32 v38;
	v23 =	vand.u32 $0x7F0, v23;
	v10 =	vmin.u32 v10, $0x65F  }
0xc8: {  	v23 =	vor.u32 v1, v23;
	v34 =	vadd.f32 $7.113407590e+02, v27;
	v10 =	vand.u32 $0x7F0, v10  }
0xc9: {  	v44 =	vmul.f32 $1.509913330e+02, v30;
	v17 =	vmul.f32 $1.509913330e+02, v17;
	v35 =	vor.u32 v1, v10  }
0xca: {  	v11 =	vmin.u32 v11, $0x65F;
	v22 =	vmin.u32 v22, $0x65F;
	v26 =	vtrunc.f32 v34  }
0xcb: {  	[tilespmem:v6+s19+$0x0] =	vst.idx.add.f32.msk $0xffff, v2;
	v17 =	vadd.f32 $7.113407590e+02, v17;
	v14 =	vmul.f32 $1.509913330e+02, v14;
	v39 =	vcvt.f32.s32 v26  }
0xcc: {  	[tilespmem:v7+s20+$0x0] =	vst.idx.add.f32.msk $0xffff, v2;
	v19 =	vadd.f32 $7.113407590e+02, v19;
	v16 =	vcvt.f32.s32 v16;
	v22 =	vand.u32 $0x7F0, v22  }
0xcd: {  	v14 =	vadd.f32 $7.113407590e+02, v14;
	v17 =	vtrunc.f32 v17;
	[tilespmem:v23+s19+$0x0] =	vst.idx.add.f32.msk $0xffff, v2;
	v23 =	vmin.u32 v39, $0x65F  }
0xce: {  	v10 =	vand.u32 $0x7F0, v15;
	v17 =	vcvt.f32.s32 v17;
	v23 =	vand.u32 $0x7F0, v23;
	[tilespmem:v35+s20+$0x0] =	vst.idx.add.f32.msk $0xffff, v2  }
0xcf: {  	v15 =	vcvt.f32.s32 v33;
	v14 =	vtrunc.f32 v14;
	v6 =	vor.u32 v1, v23;
	v40 =	vld [tilespmem:s2+$0x450]  }
0xd0: {  	v7 =	vor.u32 v1, v22;
	v17 =	vmin.u32 v17, $0x65F;
	v14 =	vcvt.f32.s32 v14;
	v27 =	vld [tilespmem:s2+$0x8450]  }
0xd1: {  	v11 =	vand.u32 $0x7F0, v11;
	v15 =	vmin.u32 v15, $0x65F;
	v17 =	vand.u32 $0x7F0, v17  }
0xd2: {  	v15 =	vand.u32 $0x7F0, v15;
	v14 =	vmin.u32 v14, $0x65F;
	v17 =	vor.u32 v1, v17  }
0xd3: {  	v16 =	vmin.u32 v16, $0x65F;
	[tilespmem:v25+s19+$0x0] =	vst.idx.add.f32.msk $0xffff, v2;
	v15 =	vor.u32 v1, v15;
	v14 =	vand.u32 $0x7F0, v14  }
0xd4: {  	v16 =	vand.u32 $0x7F0, v16;
	v14 =	vor.u32 v1, v14;
	[tilespmem:v6+s19+$0x0] =	vst.idx.add.f32.msk $0xffff, v2;
	v41 =	vmul.f32 $1.509913330e+02, v40  }
0xd5: {  	v45 =	vadd.f32 $7.113407590e+02, v42;
	v16 =	vor.u32 v1, v16;
	v43 =	vmul.f32 $1.509913330e+02, v27;
	[tilespmem:v7+s20+$0x0] =	vst.idx.add.f32.msk $0xffff, v2  }
0xd6: {  	v46 =	vadd.f32 $7.113407590e+02, v44;
	v19 =	vtrunc.f32 v19;
	v52 =	vld [tilespmem:s2+$0x410];
	v23 =	vadd.f32 $7.113407590e+02, v41  }
0xd7: {  	v47 =	vtrunc.f32 v45;
	v20 =	vcvt.f32.s32 v20;
	[tilespmem:v17+s19+$0x0] =	vst.idx.add.f32.msk $0xffff, v2;
	v17 =	vadd.f32 $7.113407590e+02, v43  }
0xd8: {  	v11 =	vadd.s32 v5, v11;
	v48 =	vcvt.f32.s32 v47;
	[tilespmem:v15+s20+$0x0] =	vst.idx.add.f32.msk $0xffff, v2;
	v15 =	vtrunc.f32 v23  }
0xd9: {  	[tilespmem:v14+s19+$0x0] =	vst.idx.add.f32.msk $0xffff, v2;
	v14 =	vcvt.f32.s32 v15;
	v15 =	vtrunc.f32 v17;
	v17 =	vmin.u32 v20, $0x65F  }
0xda: {  	[tilespmem:v16+s20+$0x0] =	vst.idx.add.f32.msk $0xffff, v2;
	v20 =	vadd.s32 v5, v24;
	v15 =	vcvt.f32.s32 v15;
	v16 =	vand.u32 $0x7F0, v17  }
0xdb: {  	v51 =	vld [tilespmem:s2+$0x8050];
	v17 =	vtrunc.f32 v46;
	v25 =	vmul.f32 $1.509913330e+02, v52;
	v6 =	vmin.u32 v14, $0x65F  }
0xdc: {  	v14 =	vcvt.f32.s32 v18;
	v6 =	vand.u32 $0x7F0, v6;
	v7 =	vmin.u32 v15, $0x65F  }
0xdd: {  	v49 =	vld [tilespmem:s2+$0x8010];
	v18 =	vcvt.f32.s32 v19;
	v7 =	vand.u32 $0x7F0, v7;
	v6 =	vadd.s32 v3, v6  }
0xde: {  	v19 =	vld [tilespmem:s2+$0x10];
	v17 =	vcvt.f32.s32 v17;
	v15 =	vcvt.f32.s32 v21;
	v7 =	vadd.s32 v3, v7  }
0xdf: {  	[tilespmem:v13+s19+$0x0] =	vst.idx.add.f32.msk $0xffff, v2;
	v21 =	vmin.u32 v48, $0x65F;
	v14 =	vmin.u32 v14, $0x65F;
	v18 =	vmin.u32 v18, $0x65F  }
0xe0: {  	v50 =	vld [tilespmem:s2+$0x50];
	v17 =	vmin.u32 v17, $0x65F;
	v21 =	vand.u32 $0x7F0, v21;
	v54 =	vmul.f32 $1.509913330e+02, v51  }
0xe1: {  	[tilespmem:v12+s20+$0x0] =	vst.idx.add.f32.msk $0xffff, v2;
	v15 =	vmin.u32 v15, $0x65F;
	v14 =	vand.u32 $0x7F0, v14;
	v18 =	vand.u32 $0x7F0, v18  }
0xe2: {  	v17 =	vand.u32 $0x7F0, v17;
	v15 =	vand.u32 $0x7F0, v15;
	v13 =	vadd.f32 $7.113407590e+02, v54;
	[tilespmem:v6+s19+$0x0] =	vst.idx.add.f32.msk $0xffff, v2  }
0xe3: {  	v19 =	vmul.f32 $1.509913330e+02, v19;
	v6 =	vadd.s32 v4, v16;
	v16 =	vmul.f32 $1.509913330e+02, v49;
	[tilespmem:v7+s20+$0x0] =	vst.idx.add.f32.msk $0xffff, v2  }
0xe4: {  	v14 =	vadd.s32 v4, v14;
	v13 =	vtrunc.f32 v13;
	v7 =	vadd.s32 v4, v18;
	v53 =	vld [tilespmem:s2+$0x460]  }
0xe5: {  	v18 =	vadd.f32 $7.113407590e+02, v19;
	v19 =	vmul.f32 $1.509913330e+02, v50;
	v16 =	vadd.f32 $7.113407590e+02, v16;
	v55 =	vld [tilespmem:s2+$0x8460]  }
0xe6: {  	[tilespmem:v11+s20+$0x0] =	vst.idx.add.f32.msk $0xffff, v2;
	v21 =	vadd.s32 v4, v21;
	v15 =	vadd.s32 v4, v15;
	v13 =	vcvt.f32.s32 v13  }
0xe7: {  	v56 =	vld [tilespmem:s2+$0x8410];
	v18 =	vtrunc.f32 v18;
	v19 =	vadd.f32 $7.113407590e+02, v19;
	v16 =	vtrunc.f32 v16  }
0xe8: {  	[tilespmem:v20+s19+$0x0] =	vst.idx.add.f32.msk $0xffff, v2;
	v11 =	vadd.s32 v4, v17;
	v17 =	vcvt.f32.s32 v18;
	v16 =	vcvt.f32.s32 v16  }
0xe9: {  	v18 =	vtrunc.f32 v19;
	[tilespmem:v6+s19+$0x0] =	vst.idx.add.f32.msk $0xffff, v2;
	v19 =	vmul.f32 $1.509913330e+02, v53  }
0xea: {  	v13 =	vmin.u32 v13, $0x65F;
	[tilespmem:v14+s20+$0x0] =	vst.idx.add.f32.msk $0xffff, v2;
	v14 =	vmin.u32 v16, $0x65F;
	v16 =	vmul.f32 $1.509913330e+02, v55  }
0xeb: {  	v8 =	vadd.s32 v5, v8;
	v13 =	vand.u32 $0x7F0, v13;
	[tilespmem:v7+s19+$0x0] =	vst.idx.add.f32.msk $0xffff, v2;
	v19 =	vadd.f32 $7.113407590e+02, v19  }
0xec: {  	v6 =	vadd.f32 $7.113407590e+02, v25;
	[tilespmem:v15+s20+$0x0] =	vst.idx.add.f32.msk $0xffff, v2;
	v15 =	vcvt.f32.s32 v18;
	v16 =	vadd.f32 $7.113407590e+02, v16  }
0xed: {  	[tilespmem:v21+s19+$0x0] =	vst.idx.add.f32.msk $0xffff, v2;
	v17 =	vmin.u32 v17, $0x65F;
	v7 =	vmul.f32 $1.509913330e+02, v56;
	v18 =	vtrunc.f32 v19  }
0xee: {  	[tilespmem:v11+s20+$0x0] =	vst.idx.add.f32.msk $0xffff, v2;
	v11 =	vmin.u32 v15, $0x65F;
	v16 =	vtrunc.f32 v16;
	v15 =	vcvt.f32.s32 v18  }
0xef: {  	v59 =	vld [tilespmem:s0+$0x430];
	v17 =	vand.u32 $0x7F0, v17;
	v7 =	vadd.f32 $7.113407590e+02, v7;
	v16 =	vcvt.f32.s32 v16  }
0xf0: {  	v17 =	vadd.s32 v3, v17;
	v11 =	vand.u32 $0x7F0, v11;
	v18 =	vld [tilespmem:s0+$0x30];
	v15 =	vmin.u32 v15, $0x65F  }
0xf1: {  	s14 =	sor.u32 $0x70, s24;
	v60 =	vld [tilespmem:s0+$0x8430];
	v11 =	vadd.s32 v3, v11;
	v16 =	vmin.u32 v16, $0x65F;
	v15 =	vand.u32 $0x7F0, v15  }
0xf2: {  	v6 =	vtrunc.f32 v6;
	v57 =	vld [tilespmem:s14+$0x0];
	v16 =	vand.u32 $0x7F0, v16;
	v15 =	vadd.s32 v4, v15  }
0xf3: {  	v6 =	vcvt.f32.s32 v6;
	v7 =	vtrunc.f32 v7;
	v19 =	vld [tilespmem:s0+$0x8030];
	v16 =	vadd.s32 v4, v16  }
0xf4: {  	v13 =	vadd.s32 v3, v13;
	v58 =	vld [tilespmem:s14+$0x8000];
	v14 =	vand.u32 $0x7F0, v14;
	v7 =	vcvt.f32.s32 v7;
	s0 =	simm.s32 $0x2  }
0xf5: {  	v12 =	vadd.s32 v3, v14;
	v6 =	vmin.u32 v6, $0x65F;
	s24 =	sand.u32 $0x7, s0;
	[tilespmem:v17+s19+$0x0] =	vst.idx.add.f32.msk $0xffff, v2;
	v14 =	vmul.f32 $1.509913330e+02, v18  }
0xf6: {  	v61 =	vmul.f32 $1.509913330e+02, v60;
	v6 =	vand.u32 $0x7F0, v6;
	v7 =	vmin.u32 v7, $0x65F;
	s14 =	sshll.u32 s24, $0xB;
	[tilespmem:v11+s19+$0x0] =	vst.idx.add.f32.msk $0xffff, v2  }
0xf7: {  	v6 =	vadd.s32 v3, v6;
	v7 =	vand.u32 $0x7F0, v7;
	s14 =	sadd.s32 $0x20, s14;
	v14 =	vadd.f32 $7.113407590e+02, v14;
	[tilespmem:v15+s19+$0x0] =	vst.idx.add.f32.msk $0xffff, v2  }
0xf8: {  	s25 =	sor.u32 $0x470, s14;
	v18 =	vadd.s32 v3, v7;
	v7 =	vmul.f32 $1.509913330e+02, v19;
	v15 =	vmul.f32 $1.509913330e+02, v57;
	[tilespmem:v16+s20+$0x0] =	vst.idx.add.f32.msk $0xffff, v2  }
0xf9: {  	v17 =	vadd.f32 $7.113407590e+02, v61;
	v14 =	vtrunc.f32 v14;
	v16 =	vmul.f32 $1.509913330e+02, v58;
	v20 =	vld [tilespmem:s25+$0x0]  }
0xfa: {  	v19 =	vmul.f32 $1.509913330e+02, v59;
	v7 =	vadd.f32 $7.113407590e+02, v7;
	v11 =	vcvt.f32.s32 v14;
	v62 =	vld [tilespmem:s25+$0x8000]  }
0xfb: {  	v14 =	vtrunc.f32 v17;
	v15 =	vadd.f32 $7.113407590e+02, v15;
	v16 =	vadd.f32 $7.113407590e+02, v16  }
0xfc: {  	v19 =	vadd.f32 $7.113407590e+02, v19;
	v7 =	vtrunc.f32 v7;
	v14 =	vcvt.f32.s32 v14  }
0xfd: {  	v9 =	vadd.s32 v5, v9;
	[tilespmem:v12+s20+$0x0] =	vst.idx.add.f32.msk $0xffff, v2;
	v15 =	vtrunc.f32 v15;
	v12 =	vtrunc.f32 v16  }
0xfe: {  	v10 =	vadd.s32 v5, v10;
	[tilespmem:v13+s20+$0x0] =	vst.idx.add.f32.msk $0xffff, v2;
	v16 =	vtrunc.f32 v19;
	v13 =	vmul.f32 $1.509913330e+02, v20  }
0xff: {  	[tilespmem:v6+s19+$0x0] =	vst.idx.add.f32.msk $0xffff, v2;
	v19 =	vcvt.f32.s32 v7;
	v7 =	vmin.u32 v11, $0x65F;
	v6 =	vmul.f32 $1.509913330e+02, v62  }
0x100: {  	[tilespmem:v18+s20+$0x0] =	vst.idx.add.f32.msk $0xffff, v2;
	v63 =	vcvt.f32.s32 v12;
	v20 =	vcvt.f32.s32 v15;
	v13 =	vadd.f32 $7.113407590e+02, v13  }
0x101: {  	s28 =	simm.s32 $0x1800;
	v17 =	vld [tilespmem:s2+$0x20];
	v12 =	vcvt.f32.s32 v16;
	v11 =	vmin.u32 v19, $0x65F;
	v15 =	vadd.f32 $7.113407590e+02, v6  }
0x102: {  	s23 =	simm.s32 $0x30;
	s14 =	sor.u32 $0x70, s14;
	v18 =	vld [tilespmem:s2+$0x8020];
	s25 =	simm.s32 $0x8;
	v6 =	vmin.u32 v63, $0x65F;
	v16 =	vtrunc.f32 v13;
	v13 =	vmin.u32 v20, $0x65F  }
.LBB2_5:
0x103: {  	s24 =	sand.u32 $0x3800, s28;
	s5 =	sand.u32 $0x380, s23;
	v19 =	vld [tilespmem:s2+$0x60];
	v16 =	vcvt.f32.s32 v16;
	v15 =	vtrunc.f32 v15;
	v20 =	vmin.u32 v12, $0x65F  }
0x104: {  	v22 =	vand.u32 $0x7F0, v7;
	v14 =	vmin.u32 v14, $0x65F;
	s24 =	sor.u32 s5, s24;
	v21 =	vld [tilespmem:s2+$0x8060];
	v15 =	vcvt.f32.s32 v15  }
0x105: {  	v12 =	vand.u32 $0x7F0, v11;
	v11 =	vand.u32 $0x7F0, v13;
	v23 =	vld [tilespmem:s24+$0x440];
	v7 =	vmin.u32 v16, $0x65F  }
0x106: {  	v13 =	vld [tilespmem:s24+$0x8440];
	v16 =	vmul.f32 $1.509913330e+02, v17;
	v7 =	vand.u32 $0x7F0, v7;
	v15 =	vmin.u32 v15, $0x65F  }
0x107: {  	s25 =	sadd.s32 $0x4, s25;
	v17 =	vld [tilespmem:s24+$0x0];
	v18 =	vmul.f32 $1.509913330e+02, v18;
	v15 =	vand.u32 $0x7F0, v15;
	v24 =	vadd.s32 v5, v7  }
0x108: {  	p0 =	slt.u32 s25, $0xFC;
	v7 =	vand.u32 $0x7F0, v6;
	v25 =	vld [tilespmem:s24+$0x8000];
	v19 =	vmul.f32 $1.509913330e+02, v19;
	v15 =	vadd.s32 v5, v15  }
0x109: {  	v16 =	vadd.f32 $7.113407590e+02, v16;
	v26 =	vld [tilespmem:s24+$0x40];
	v18 =	vadd.f32 $7.113407590e+02, v18;
	v21 =	vmul.f32 $1.509913330e+02, v21  }
0x10a: {  	v6 =	vand.u32 $0x7F0, v20;
	v27 =	vld [tilespmem:s24+$0x8040];
	v23 =	vmul.f32 $1.509913330e+02, v23;
	v19 =	vadd.f32 $7.113407590e+02, v19  }
0x10b: {  	v16 =	vtrunc.f32 v16;
	v20 =	vld [tilespmem:s24+$0x400];
	v13 =	vmul.f32 $1.509913330e+02, v13;
	v21 =	vadd.f32 $7.113407590e+02, v21  }
0x10c: {  	v18 =	vtrunc.f32 v18;
	v17 =	vmul.f32 $1.509913330e+02, v17;
	v23 =	vadd.f32 $7.113407590e+02, v23;
	[tilespmem:v24+s19+$0x0] =	vst.idx.add.f32.msk $0xffff, v2  }
0x10d: {  	v19 =	vtrunc.f32 v19;
	v24 =	vmul.f32 $1.509913330e+02, v25;
	v13 =	vadd.f32 $7.113407590e+02, v13;
	[tilespmem:v15+s20+$0x0] =	vst.idx.add.f32.msk $0xffff, v2  }
0x10e: {  	v15 =	vadd.f32 $7.113407590e+02, v17;
	v17 =	vmul.f32 $1.509913330e+02, v26;
	v25 =	vld [tilespmem:s24+$0x8400];
	v23 =	vtrunc.f32 v23  }
0x10f: {  	v24 =	vadd.f32 $7.113407590e+02, v24;
	v23 =	vcvt.f32.s32 v23;
	v13 =	vtrunc.f32 v13;
	v26 =	vld [tilespmem:s2+$0x420]  }
0x110: {  	v27 =	vmul.f32 $1.509913330e+02, v27;
	v17 =	vadd.f32 $7.113407590e+02, v17;
	v13 =	vcvt.f32.s32 v13;
	v28 =	vld [tilespmem:s2+$0x8420]  }
0x111: {  	v15 =	vtrunc.f32 v15;
	v20 =	vmul.f32 $1.509913330e+02, v20;
	v23 =	vmin.u32 v23, $0x65F;
	[tilespmem:v8+s20+$0x0] =	vst.idx.add.f32.msk $0xffff, v2  }
0x112: {  	v8 =	vadd.f32 $7.113407590e+02, v27;
	v13 =	vmin.u32 v13, $0x65F;
	v23 =	vand.u32 $0x7F0, v23;
	[tilespmem:v9+s19+$0x0] =	vst.idx.add.f32.msk $0xffff, v2  }
0x113: {  	v9 =	vmul.f32 $1.509913330e+02, v25;
	v23 =	vor.u32 v1, v23;
	v13 =	vand.u32 $0x7F0, v13;
	[tilespmem:v10+s20+$0x0] =	vst.idx.add.f32.msk $0xffff, v2  }
0x114: {  	v24 =	vtrunc.f32 v24;
	v10 =	vadd.f32 $7.113407590e+02, v20;
	v13 =	vor.u32 v1, v13  }
0x115: {  	v17 =	vtrunc.f32 v17;
	v8 =	vtrunc.f32 v8;
	v9 =	vadd.f32 $7.113407590e+02, v9  }
0x116: {  	v15 =	vcvt.f32.s32 v15;
	v20 =	vtrunc.f32 v10;
	v10 =	vand.u32 $0x7F0, v14  }
0x117: {  	v22 =	vadd.s32 v5, v22;
	v14 =	vcvt.f32.s32 v24;
	v9 =	vtrunc.f32 v9  }
0x118: {  	v15 =	vmin.u32 v15, $0x65F;
	v17 =	vcvt.f32.s32 v17;
	v8 =	vcvt.f32.s32 v8;
	[tilespmem:v23+s19+$0x0] =	vst.idx.add.f32.msk $0xffff, v2  }
0x119: {  	v20 =	vcvt.f32.s32 v20;
	v14 =	vmin.u32 v14, $0x65F;
	v9 =	vcvt.f32.s32 v9;
	[tilespmem:v13+s20+$0x0] =	vst.idx.add.f32.msk $0xffff, v2  }
0x11a: {  	v8 =	vmin.u32 v8, $0x65F;
	v13 =	vand.u32 $0x7F0, v15;
	v15 =	vmin.u32 v17, $0x65F;
	v17 =	vld [tilespmem:s24+$0x450]  }
0x11b: {  	v14 =	vand.u32 $0x7F0, v14;
	v20 =	vmin.u32 v20, $0x65F;
	v9 =	vmin.u32 v9, $0x65F;
	v23 =	vld [tilespmem:s24+$0x8450]  }
0x11c: {  	v8 =	vand.u32 $0x7F0, v8;
	v20 =	vand.u32 $0x7F0, v20;
	v15 =	vand.u32 $0x7F0, v15;
	[tilespmem:v22+s19+$0x0] =	vst.idx.add.f32.msk $0xffff, v2  }
0x11d: {  	v14 =	vor.u32 v1, v14;
	v13 =	vor.u32 v1, v13;
	v9 =	vand.u32 $0x7F0, v9  }
0x11e: {  	v20 =	vor.u32 v1, v20;
	v15 =	vor.u32 v1, v15;
	v22 =	vor.u32 v1, v8  }
0x11f: {  	v24 =	vor.u32 v1, v9;
	v9 =	vmul.f32 $1.509913330e+02, v17;
	v17 =	vmul.f32 $1.509913330e+02, v26  }
0x120: {  	v25 =	vmul.f32 $1.509913330e+02, v28;
	v8 =	vadd.s32 v5, v12;
	v23 =	vmul.f32 $1.509913330e+02, v23  }
0x121: {  	v12 =	vtrunc.f32 v21;
	v9 =	vadd.f32 $7.113407590e+02, v9;
	v17 =	vadd.f32 $7.113407590e+02, v17  }
0x122: {  	v16 =	vcvt.f32.s32 v16;
	v21 =	vadd.f32 $7.113407590e+02, v25;
	[tilespmem:v13+s19+$0x0] =	vst.idx.add.f32.msk $0xffff, v2;
	v13 =	vadd.f32 $7.113407590e+02, v23  }
0x123: {  	[tilespmem:v14+s20+$0x0] =	vst.idx.add.f32.msk $0xffff, v2;
	v14 =	vtrunc.f32 v9;
	v17 =	vtrunc.f32 v17;
	v9 =	vadd.s32 v5, v11  }
0x124: {  	[tilespmem:v15+s19+$0x0] =	vst.idx.add.f32.msk $0xffff, v2;
	v11 =	vcvt.f32.s32 v14;
	v13 =	vtrunc.f32 v13;
	v14 =	vmin.u32 v16, $0x65F  }
0x125: {  	v15 =	vtrunc.f32 v21;
	[tilespmem:v22+s20+$0x0] =	vst.idx.add.f32.msk $0xffff, v2;
	v13 =	vcvt.f32.s32 v13;
	v14 =	vand.u32 $0x7F0, v14  }
0x126: {  	v16 =	vcvt.f32.s32 v18;
	v18 =	vcvt.f32.s32 v19;
	[tilespmem:v20+s19+$0x0] =	vst.idx.add.f32.msk $0xffff, v2;
	v11 =	vmin.u32 v11, $0x65F  }
0x127: {  	v12 =	vcvt.f32.s32 v12;
	[tilespmem:v24+s20+$0x0] =	vst.idx.add.f32.msk $0xffff, v2;
	v11 =	vand.u32 $0x7F0, v11;
	v13 =	vmin.u32 v13, $0x65F  }
0x128: {  	v17 =	vcvt.f32.s32 v17;
	v19 =	vld [tilespmem:s24+$0x10];
	v13 =	vand.u32 $0x7F0, v13;
	v11 =	vadd.s32 v3, v11  }
0x129: {  	v15 =	vcvt.f32.s32 v15;
	v16 =	vmin.u32 v16, $0x65F;
	v20 =	vld [tilespmem:s24+$0x8010];
	v13 =	vadd.s32 v3, v13  }
0x12a: {  	v12 =	vmin.u32 v12, $0x65F;
	v18 =	vmin.u32 v18, $0x65F;
	v17 =	vmin.u32 v17, $0x65F;
	v21 =	vld [tilespmem:s24+$0x50]  }
0x12b: {  	v16 =	vand.u32 $0x7F0, v16;
	v18 =	vand.u32 $0x7F0, v18;
	v15 =	vmin.u32 v15, $0x65F;
	v22 =	vld [tilespmem:s24+$0x8050]  }
0x12c: {  	v12 =	vand.u32 $0x7F0, v12;
	v17 =	vand.u32 $0x7F0, v17;
	v15 =	vand.u32 $0x7F0, v15;
	v23 =	vld [tilespmem:s24+$0x410]  }
0x12d: {  	v19 =	vmul.f32 $1.509913330e+02, v19;
	[tilespmem:v11+s19+$0x0] =	vst.idx.add.f32.msk $0xffff, v2;
	v11 =	vadd.s32 v4, v14;
	v14 =	vadd.s32 v4, v16  }
0x12e: {  	v12 =	vadd.s32 v4, v12;
	v16 =	vmul.f32 $1.509913330e+02, v20;
	[tilespmem:v13+s20+$0x0] =	vst.idx.add.f32.msk $0xffff, v2;
	v13 =	vadd.s32 v4, v18  }
0x12f: {  	v17 =	vadd.s32 v4, v17;
	v18 =	vadd.f32 $7.113407590e+02, v19;
	v19 =	vmul.f32 $1.509913330e+02, v21;
	v20 =	vld [tilespmem:s24+$0x460]  }
0x130: {  	v15 =	vadd.s32 v4, v15;
	v16 =	vadd.f32 $7.113407590e+02, v16;
	v21 =	vmul.f32 $1.509913330e+02, v22;
	v22 =	vld [tilespmem:s24+$0x8460]  }
0x131: {  	v18 =	vtrunc.f32 v18;
	v19 =	vadd.f32 $7.113407590e+02, v19;
	v24 =	vld [tilespmem:s24+$0x8410];
	v23 =	vmul.f32 $1.509913330e+02, v23  }
0x132: {  	v18 =	vcvt.f32.s32 v18;
	v16 =	vtrunc.f32 v16;
	v21 =	vadd.f32 $7.113407590e+02, v21;
	[tilespmem:v11+s19+$0x0] =	vst.idx.add.f32.msk $0xffff, v2  }
0x133: {  	v11 =	vcvt.f32.s32 v16;
	v16 =	vtrunc.f32 v19;
	v19 =	vadd.f32 $7.113407590e+02, v23;
	[tilespmem:v14+s20+$0x0] =	vst.idx.add.f32.msk $0xffff, v2  }
0x134: {  	v14 =	vmin.u32 v18, $0x65F;
	v18 =	vtrunc.f32 v21;
	v20 =	vmul.f32 $1.509913330e+02, v20;
	[tilespmem:v13+s19+$0x0] =	vst.idx.add.f32.msk $0xffff, v2  }
0x135: {  	v11 =	vmin.u32 v11, $0x65F;
	v13 =	vtrunc.f32 v19;
	v19 =	vmul.f32 $1.509913330e+02, v22;
	[tilespmem:v12+s20+$0x0] =	vst.idx.add.f32.msk $0xffff, v2  }
0x136: {  	v12 =	vcvt.f32.s32 v16;
	v16 =	vmul.f32 $1.509913330e+02, v24;
	v20 =	vadd.f32 $7.113407590e+02, v20;
	[tilespmem:v17+s19+$0x0] =	vst.idx.add.f32.msk $0xffff, v2  }
0x137: {  	v17 =	vcvt.f32.s32 v18;
	v13 =	vcvt.f32.s32 v13;
	v18 =	vadd.f32 $7.113407590e+02, v19;
	[tilespmem:v15+s20+$0x0] =	vst.idx.add.f32.msk $0xffff, v2  }
0x138: {  	v12 =	vmin.u32 v12, $0x65F;
	v15 =	vadd.f32 $7.113407590e+02, v16;
	v16 =	vtrunc.f32 v20;
	v19 =	vld [tilespmem:s2+$0x30]  }
0x139: {  	v17 =	vmin.u32 v17, $0x65F;
	v16 =	vcvt.f32.s32 v16;
	v18 =	vtrunc.f32 v18;
	v20 =	vld [tilespmem:s2+$0x8030]  }
0x13a: {  	v13 =	vmin.u32 v13, $0x65F;
	v15 =	vtrunc.f32 v15;
	v18 =	vcvt.f32.s32 v18;
	v21 =	vld [tilespmem:s14+$0x0]  }
0x13b: {  	v14 =	vand.u32 $0x7F0, v14;
	v15 =	vcvt.f32.s32 v15;
	v16 =	vmin.u32 v16, $0x65F;
	v22 =	vld [tilespmem:s14+$0x8000]  }
0x13c: {  	v11 =	vand.u32 $0x7F0, v11;
	v16 =	vand.u32 $0x7F0, v16;
	v18 =	vmin.u32 v18, $0x65F;
	v23 =	vld [tilespmem:s2+$0x430]  }
0x13d: {  	v15 =	vmin.u32 v15, $0x65F;
	v18 =	vand.u32 $0x7F0, v18;
	v16 =	vadd.s32 v4, v16;
	v24 =	vld [tilespmem:s2+$0x8430];
	s2 =	smov.u32 s24  }
0x13e: {  	v12 =	vand.u32 $0x7F0, v12;
	v17 =	vand.u32 $0x7F0, v17;
	v18 =	vadd.s32 v4, v18;
	[tilespmem:v8+s20+$0x0] =	vst.idx.add.f32.msk $0xffff, v2  }
0x13f: {  	s0 =	sadd.s32 $0x1, s0;
	v14 =	vadd.s32 v3, v14;
	v8 =	vand.u32 $0x7F0, v13;
	v13 =	vand.u32 $0x7F0, v15;
	[tilespmem:v9+s19+$0x0] =	vst.idx.add.f32.msk $0xffff, v2  }
0x140: {  	s5 =	sand.u32 $0x7, s0;
	v9 =	vadd.s32 v3, v11;
	v11 =	vadd.s32 v3, v12;
	v12 =	vadd.s32 v3, v17  }
0x141: {  	s5 =	sshll.u32 s5, $0xB;
	v15 =	vadd.s32 v3, v8;
	v13 =	vadd.s32 v3, v13;
	v17 =	vmul.f32 $1.509913330e+02, v19  }
0x142: {  	s5 =	sadd.s32 s5, s23;
	v19 =	vmul.f32 $1.509913330e+02, v21;
	v8 =	vadd.s32 v5, v7;
	[tilespmem:v16+s19+$0x0] =	vst.idx.add.f32.msk $0xffff, v2;
	v16 =	vmul.f32 $1.509913330e+02, v20  }
0x143: {  	s14 =	sor.u32 $0x70, s5;
	s5 =	sor.u32 $0x470, s5;
	v7 =	vadd.f32 $7.113407590e+02, v17;
	v17 =	vmul.f32 $1.509913330e+02, v22;
	[tilespmem:v18+s20+$0x0] =	vst.idx.add.f32.msk $0xffff, v2;
	v18 =	vmul.f32 $1.509913330e+02, v23  }
0x144: {  	v19 =	vadd.f32 $7.113407590e+02, v19;
	v21 =	vmul.f32 $1.509913330e+02, v24;
	v20 =	vld [tilespmem:s5+$0x0];
	v16 =	vadd.f32 $7.113407590e+02, v16  }
0x145: {  	v7 =	vtrunc.f32 v7;
	v17 =	vadd.f32 $7.113407590e+02, v17;
	v22 =	vld [tilespmem:s5+$0x8000];
	v18 =	vadd.f32 $7.113407590e+02, v18  }
0x146: {  	[tilespmem:v14+s19+$0x0] =	vst.idx.add.f32.msk $0xffff, v2;
	v14 =	vtrunc.f32 v16;
	v16 =	vtrunc.f32 v19;
	v19 =	vadd.f32 $7.113407590e+02, v21  }
0x147: {  	v17 =	vtrunc.f32 v17;
	[tilespmem:v9+s20+$0x0] =	vst.idx.add.f32.msk $0xffff, v2;
	v18 =	vtrunc.f32 v18;
	v9 =	vadd.s32 v5, v6  }
0x148: {  	v10 =	vadd.s32 v5, v10;
	v6 =	vcvt.f32.s32 v7;
	[tilespmem:v11+s19+$0x0] =	vst.idx.add.f32.msk $0xffff, v2;
	v19 =	vtrunc.f32 v19  }
.Ltmp1:
0x149: {  	v14 =	vcvt.f32.s32 v14;
	[tilespmem:v12+s20+$0x0] =	vst.idx.add.f32.msk $0xffff, v2;
	v11 =	vmul.f32 $1.509913330e+02, v20;
	(pc) =	sbr.rel @p0 .LBB2_5-.Ltmp1, $4  }
0x14a: {  	v7 =	vmin.u32 v6, $0x65F;
	v6 =	vcvt.f32.s32 v16;
	[tilespmem:v15+s19+$0x0] =	vst.idx.add.f32.msk $0xffff, v2;
	v15 =	vmul.f32 $1.509913330e+02, v22  }
0x14b: {  	v20 =	vcvt.f32.s32 v17;
	v12 =	vcvt.f32.s32 v18;
	[tilespmem:v13+s20+$0x0] =	vst.idx.add.f32.msk $0xffff, v2;
	v13 =	vadd.f32 $7.113407590e+02, v11  }
0x14c: {  	v11 =	vmin.u32 v14, $0x65F;
	v14 =	vcvt.f32.s32 v19;
	v17 =	vld [tilespmem:s2+$0x20];
	v15 =	vadd.f32 $7.113407590e+02, v15  }
0x14d: {  	s28 =	sadd.s32 $0x800, s28;
	s23 =	sadd.s32 $0x10, s23;
	v18 =	vld [tilespmem:s2+$0x8020];
	v16 =	vtrunc.f32 v13;
	v13 =	vmin.u32 v6, $0x65F;
	v6 =	vmin.u32 v20, $0x65F  }
0x14e: {  	v19 =	vld [tilespmem:s2+$0x60]  }
0x14f: {  	v20 =	vld [tilespmem:s2+$0x8060]  }
0x150: {  	v21 =	vld [tilespmem:s2+$0x420]  }
0x151: {  	v22 =	vld [tilespmem:s2+$0x8420];
	_ =	sdelay $0x1  }
0x152: {  	v17 =	vmul.f32 $1.509913330e+02, v17  }
0x153: {  	v18 =	vmul.f32 $1.509913330e+02, v18  }
0x154: {  	v19 =	vmul.f32 $1.509913330e+02, v19;
	v17 =	vadd.f32 $7.113407590e+02, v17;
	v20 =	vmul.f32 $1.509913330e+02, v20  }
0x155: {  	v21 =	vmul.f32 $1.509913330e+02, v21;
	v22 =	vmul.f32 $1.509913330e+02, v22;
	v18 =	vadd.f32 $7.113407590e+02, v18  }
0x156: {  	v19 =	vadd.f32 $7.113407590e+02, v19;
	v17 =	vtrunc.f32 v17;
	v20 =	vadd.f32 $7.113407590e+02, v20  }
0x157: {  	v21 =	vadd.f32 $7.113407590e+02, v21;
	v18 =	vtrunc.f32 v18;
	v17 =	vcvt.f32.s32 v17  }
0x158: {  	v22 =	vadd.f32 $7.113407590e+02, v22;
	v19 =	vtrunc.f32 v19;
	v20 =	vtrunc.f32 v20  }
0x159: {  	v21 =	vtrunc.f32 v21;
	v18 =	vcvt.f32.s32 v18  }
0x15a: {  	v22 =	vtrunc.f32 v22;
	v17 =	vmin.u32 v17, $0x65F;
	v19 =	vcvt.f32.s32 v19  }
0x15b: {  	v21 =	vcvt.f32.s32 v21;
	v17 =	vand.u32 $0x7F0, v17;
	v18 =	vmin.u32 v18, $0x65F  }
0x15c: {  	v19 =	vmin.u32 v19, $0x65F;
	v18 =	vand.u32 $0x7F0, v18;
	v17 =	vadd.s32 v4, v17  }
0x15d: {  	v21 =	vmin.u32 v21, $0x65F;
	v19 =	vand.u32 $0x7F0, v19;
	v18 =	vadd.s32 v4, v18  }
0x15e: {  	v20 =	vcvt.f32.s32 v20;
	v21 =	vand.u32 $0x7F0, v21;
	v19 =	vadd.s32 v4, v19  }
0x15f: {  	v22 =	vcvt.f32.s32 v22;
	v21 =	vadd.s32 v4, v21  }
0x160: {  	v20 =	vmin.u32 v20, $0x65F  }
0x161: {  	v22 =	vmin.u32 v22, $0x65F;
	v20 =	vand.u32 $0x7F0, v20;
	[tilespmem:v17+s19+$0x0] =	vst.idx.add.f32.msk $0xffff, v2  }
0x162: {  	v22 =	vand.u32 $0x7F0, v22;
	v20 =	vadd.s32 v4, v20;
	[tilespmem:v18+s20+$0x0] =	vst.idx.add.f32.msk $0xffff, v2  }
0x163: {  	v22 =	vadd.s32 v4, v22;
	[tilespmem:v19+s19+$0x0] =	vst.idx.add.f32.msk $0xffff, v2  }
0x164: {  	[tilespmem:v21+s19+$0x0] =	vst.idx.add.f32.msk $0xffff, v2  }
0x165: {  	v17 =	vld [tilespmem:s2+$0x30]  }
0x166: {  	v18 =	vld [tilespmem:s2+$0x8030]  }
0x167: {  	v15 =	vtrunc.f32 v15;
	v16 =	vcvt.f32.s32 v16;
	[tilespmem:v20+s20+$0x0] =	vst.idx.add.f32.msk $0xffff, v2  }
0x168: {  	v12 =	vmin.u32 v12, $0x65F;
	v7 =	vand.u32 $0x7F0, v7;
	v14 =	vmin.u32 v14, $0x65F;
	[tilespmem:v22+s20+$0x0] =	vst.idx.add.f32.msk $0xffff, v2  }
0x169: {  	v11 =	vand.u32 $0x7F0, v11;
	v13 =	vand.u32 $0x7F0, v13;
	v6 =	vand.u32 $0x7F0, v6;
	v19 =	vld [tilespmem:s14+$0x0]  }
0x16a: {  	v15 =	vcvt.f32.s32 v15;
	v12 =	vand.u32 $0x7F0, v12;
	v14 =	vand.u32 $0x7F0, v14;
	v20 =	vld [tilespmem:s14+$0x8000]  }
0x16b: {  	v7 =	vadd.s32 v5, v7;
	v11 =	vadd.s32 v5, v11;
	v16 =	vmin.u32 v16, $0x65F;
	v21 =	vld [tilespmem:s2+$0x430]  }
0x16c: {  	v13 =	vadd.s32 v5, v13;
	v6 =	vadd.s32 v5, v6;
	v16 =	vand.u32 $0x7F0, v16;
	v22 =	vld [tilespmem:s2+$0x8430]  }
0x16d: {  	[tilespmem:v8+s20+$0x0] =	vst.idx.add.f32.msk $0xffff, v2;
	v8 =	vadd.s32 v5, v12;
	v15 =	vmin.u32 v15, $0x65F;
	v16 =	vadd.s32 v5, v16  }
0x16e: {  	v15 =	vand.u32 $0x7F0, v15;
	v17 =	vmul.f32 $1.509913330e+02, v17;
	v18 =	vmul.f32 $1.509913330e+02, v18  }
0x16f: {  	[tilespmem:v9+s19+$0x0] =	vst.idx.add.f32.msk $0xffff, v2;
	v9 =	vadd.s32 v5, v14;
	v15 =	vadd.s32 v5, v15;
	v19 =	vmul.f32 $1.509913330e+02, v19  }
0x170: {  	v17 =	vadd.f32 $7.113407590e+02, v17;
	v20 =	vmul.f32 $1.509913330e+02, v20;
	v18 =	vadd.f32 $7.113407590e+02, v18  }
0x171: {  	v21 =	vmul.f32 $1.509913330e+02, v21;
	v22 =	vmul.f32 $1.509913330e+02, v22;
	v19 =	vadd.f32 $7.113407590e+02, v19  }
0x172: {  	[tilespmem:v16+s19+$0x0] =	vst.idx.add.f32.msk $0xffff, v2;
	v17 =	vtrunc.f32 v17;
	v20 =	vadd.f32 $7.113407590e+02, v20;
	v16 =	vtrunc.f32 v18  }
0x173: {  	v21 =	vadd.f32 $7.113407590e+02, v21;
	v12 =	vcvt.f32.s32 v17;
	v14 =	vcvt.f32.s32 v16  }
0x174: {  	[tilespmem:v15+s20+$0x0] =	vst.idx.add.f32.msk $0xffff, v2;
	v18 =	vtrunc.f32 v19;
	v19 =	vadd.f32 $7.113407590e+02, v22;
	v15 =	vtrunc.f32 v20  }
0x175: {  	[tilespmem:v10+s20+$0x0] =	vst.idx.add.f32.msk $0xffff, v2;
	v20 =	vtrunc.f32 v21;
	v16 =	vcvt.f32.s32 v18;
	v10 =	vmin.u32 v12, $0x65F  }
0x176: {  	[tilespmem:v7+s19+$0x0] =	vst.idx.add.f32.msk $0xffff, v2;
	v12 =	vcvt.f32.s32 v15;
	v15 =	vcvt.f32.s32 v20;
	v7 =	vmin.u32 v14, $0x65F  }
0x177: {  	v17 =	vtrunc.f32 v19;
	v10 =	vand.u32 $0x7F0, v10;
	v7 =	vand.u32 $0x7F0, v7  }
0x178: {  	[tilespmem:v11+s20+$0x0] =	vst.idx.add.f32.msk $0xffff, v2;
	v14 =	vcvt.f32.s32 v17;
	v11 =	vmin.u32 v16, $0x65F;
	v10 =	vadd.s32 v5, v10  }
0x179: {  	[tilespmem:v13+s19+$0x0] =	vst.idx.add.f32.msk $0xffff, v2;
	v12 =	vmin.u32 v12, $0x65F;
	v7 =	vadd.s32 v5, v7;
	v11 =	vand.u32 $0x7F0, v11  }
0x17a: {  	[tilespmem:v6+s20+$0x0] =	vst.idx.add.f32.msk $0xffff, v2;
	v13 =	vmin.u32 v15, $0x65F;
	v12 =	vand.u32 $0x7F0, v12;
	v6 =	vadd.s32 v5, v11  }
0x17b: {  	[tilespmem:v8+s19+$0x0] =	vst.idx.add.f32.msk $0xffff, v2;
	v13 =	vand.u32 $0x7F0, v13;
	v11 =	vmin.u32 v14, $0x65F;
	v8 =	vadd.s32 v5, v12  }
0x17c: {  	[tilespmem:v9+s20+$0x0] =	vst.idx.add.f32.msk $0xffff, v2;
	v9 =	vand.u32 $0x7F0, v11;
	v11 =	vadd.s32 v5, v13  }
0x17d: {  	v9 =	vadd.s32 v5, v9;
	[tilespmem:v10+s19+$0x0] =	vst.idx.add.f32.msk $0xffff, v2  }
0x17e: {  	[tilespmem:v7+s20+$0x0] =	vst.idx.add.f32.msk $0xffff, v2  }
0x17f: {  	p0 =	seq.s32 s31, $0xF;
	[tilespmem:v6+s19+$0x0] =	vst.idx.add.f32.msk $0xffff, v2  }
0x180: {  	s0 =	sshll.u32 @!p0 s31, $0xC;
	[tilespmem:v8+s20+$0x0] =	vst.idx.add.f32.msk $0xffff, v2  }
0x181: {  	s0 =	sadd.s32 @!p0 s0, s9;
	[tilespmem:v11+s19+$0x0] =	vst.idx.add.f32.msk $0xffff, v2  }
0x182: {  	s5 =	simm.s32 @!p0 $0x0;
	s2 =	sadd.s32 @!p0 s1, s0;
	[tilespmem:v9+s20+$0x0] =	vst.idx.add.f32.msk $0xffff, v2  }
0x183: {  	[tilespmem:s5], [sflag:$0x1] =	stream.linear.gather @!p0 [hbm4b:s2+s5], $0x4000, $0x38;
	[tilespmem:$0x14000] =	vst v63  }
0x184: {  	s0 =	sadd.s32 @!p0 s3, s0;
	s2 =	simm.s32 @!p0 $0x8000  }
0x185: {  	[tilespmem:s2], [sflag:$0x3] =	stream.linear.gather @!p0 [hbm4b:s0+s5], $0x4000, $0x38;
	[tilespmem:$0x14000] =	vst v63  }
0x186: {  	_ =	swait.ge [sflag:s21], $0x4000  }
0x187: {  	[sflag:s21] =	ssyncset.done $0x0  }
0x188: {  	[sflag:s21] =	ssyncadd.s32 $0xFFFFC000  }
0x189: {  	s14 =	simm.s32 $0x0;
	_ =	swait.ge [sflag:s22], $0x4000  }
0x18a: {  	s23 =	sand.u32 $0x3800, s14;
	s24 =	sand.u32 $0x380, s14;
	[sflag:s22] =	ssyncset.done $0x0  }
0x18b: {  	s2 =	sor.u32 s24, s23;
	[sflag:s22] =	ssyncadd.s32 $0xFFFFC000  }
0x18c: {  	v6 =	vld [tilespmem:s2+$0x4440]  }
0x18d: {  	v7 =	vld [tilespmem:s2+$0xC440];
	_ =	sdelay $0x3  }
0x18e: {  	v6 =	vmul.f32 $1.509913330e+02, v6  }
0x18f: {  	v7 =	vmul.f32 $1.509913330e+02, v7  }
0x190: {  	v6 =	vadd.f32 $7.113407590e+02, v6  }
0x191: {  	v7 =	vadd.f32 $7.113407590e+02, v7  }
0x192: {  	v6 =	vtrunc.f32 v6  }
0x193: {  	v7 =	vtrunc.f32 v7;
	v6 =	vcvt.f32.s32 v6  }
0x194: {  	v7 =	vcvt.f32.s32 v7  }
0x195: {  	v6 =	vmin.u32 v6, $0x65F  }
0x196: {  	v8 =	vld [tilespmem:s2+$0x4000];
	v7 =	vmin.u32 v7, $0x65F;
	v6 =	vand.u32 $0x7F0, v6  }
0x197: {  	v9 =	vld [tilespmem:s2+$0xC000];
	v7 =	vand.u32 $0x7F0, v7;
	v6 =	vor.u32 v1, v6  }
0x198: {  	v10 =	vld [tilespmem:s2+$0x4040];
	v7 =	vor.u32 v1, v7  }
0x199: {  	v11 =	vld [tilespmem:s2+$0xC040];
	_ =	sdelay $0x1  }
0x19a: {  	v8 =	vmul.f32 $1.509913330e+02, v8  }
0x19b: {  	v9 =	vmul.f32 $1.509913330e+02, v9;
	[tilespmem:v6+s19+$0x0] =	vst.idx.add.f32.msk $0xffff, v2  }
0x19c: {  	v6 =	vmul.f32 $1.509913330e+02, v10;
	[tilespmem:v7+s20+$0x0] =	vst.idx.add.f32.msk $0xffff, v2;
	v7 =	vadd.f32 $7.113407590e+02, v8  }
0x19d: {  	v8 =	vadd.f32 $7.113407590e+02, v9;
	v9 =	vmul.f32 $1.509913330e+02, v11;
	v10 =	vld [tilespmem:s2+$0x4450]  }
0x19e: {  	v6 =	vadd.f32 $7.113407590e+02, v6;
	v11 =	vld [tilespmem:s2+$0xC450];
	v7 =	vtrunc.f32 v7  }
0x19f: {  	v9 =	vadd.f32 $7.113407590e+02, v9;
	v8 =	vtrunc.f32 v8;
	v7 =	vcvt.f32.s32 v7  }
0x1a0: {  	v6 =	vtrunc.f32 v6;
	v8 =	vcvt.f32.s32 v8  }
0x1a1: {  	v9 =	vtrunc.f32 v9;
	v6 =	vcvt.f32.s32 v6;
	v7 =	vmin.u32 v7, $0x65F  }
0x1a2: {  	v9 =	vcvt.f32.s32 v9;
	v8 =	vmin.u32 v8, $0x65F;
	v10 =	vmul.f32 $1.509913330e+02, v10  }
0x1a3: {  	v11 =	vmul.f32 $1.509913330e+02, v11;
	v7 =	vand.u32 $0x7F0, v7;
	v6 =	vmin.u32 v6, $0x65F  }
0x1a4: {  	v8 =	vand.u32 $0x7F0, v8;
	v7 =	vor.u32 v1, v7;
	v10 =	vadd.f32 $7.113407590e+02, v10  }
0x1a5: {  	v6 =	vand.u32 $0x7F0, v6;
	v8 =	vor.u32 v1, v8;
	v11 =	vadd.f32 $7.113407590e+02, v11  }
0x1a6: {  	v6 =	vor.u32 v1, v6;
	v10 =	vtrunc.f32 v10  }
0x1a7: {  	v12 =	vld [tilespmem:s2+$0x4400];
	v9 =	vmin.u32 v9, $0x65F;
	v11 =	vtrunc.f32 v11;
	v10 =	vcvt.f32.s32 v10  }
0x1a8: {  	v13 =	vld [tilespmem:s2+$0xC400];
	v9 =	vand.u32 $0x7F0, v9;
	v11 =	vcvt.f32.s32 v11  }
0x1a9: {  	v9 =	vor.u32 v1, v9;
	[tilespmem:v7+s19+$0x0] =	vst.idx.add.f32.msk $0xffff, v2;
	v10 =	vmin.u32 v10, $0x65F  }
0x1aa: {  	v11 =	vmin.u32 v11, $0x65F;
	[tilespmem:v8+s20+$0x0] =	vst.idx.add.f32.msk $0xffff, v2;
	v10 =	vand.u32 $0x7F0, v10  }
0x1ab: {  	[tilespmem:v6+s19+$0x0] =	vst.idx.add.f32.msk $0xffff, v2;
	v7 =	vand.u32 $0x7F0, v11;
	v10 =	vadd.s32 v3, v10  }
0x1ac: {  	v6 =	vld [tilespmem:s2+$0x4010];
	v7 =	vadd.s32 v3, v7;
	_ =	sdelay $0x1  }
0x1ad: {  	[tilespmem:v9+s20+$0x0] =	vst.idx.add.f32.msk $0xffff, v2  }
0x1ae: {  	v11 =	vld [tilespmem:s2+$0xC010]  }
0x1af: {  	v8 =	vmul.f32 $1.509913330e+02, v12;
	v9 =	vmul.f32 $1.509913330e+02, v13;
	[tilespmem:v10+s19+$0x0] =	vst.idx.add.f32.msk $0xffff, v2  }
0x1b0: {  	v6 =	vmul.f32 $1.509913330e+02, v6;
	[tilespmem:v7+s20+$0x0] =	vst.idx.add.f32.msk $0xffff, v2  }
0x1b1: {  	v7 =	vadd.f32 $7.113407590e+02, v8;
	v8 =	vadd.f32 $7.113407590e+02, v9;
	v9 =	vld [tilespmem:s2+$0x4460]  }
0x1b2: {  	v6 =	vadd.f32 $7.113407590e+02, v6;
	v10 =	vld [tilespmem:s2+$0xC460]  }
0x1b3: {  	v7 =	vtrunc.f32 v7  }
0x1b4: {  	v8 =	vtrunc.f32 v8;
	v6 =	vtrunc.f32 v6  }
0x1b5: {  	v7 =	vcvt.f32.s32 v7;
	v8 =	vcvt.f32.s32 v8  }
0x1b6: {  	v6 =	vcvt.f32.s32 v6;
	v9 =	vmul.f32 $1.509913330e+02, v9  }
0x1b7: {  	v12 =	vld [tilespmem:s2+$0x4050];
	v11 =	vmul.f32 $1.509913330e+02, v11;
	v7 =	vmin.u32 v7, $0x65F;
	v10 =	vmul.f32 $1.509913330e+02, v10  }
0x1b8: {  	v13 =	vld [tilespmem:s2+$0xC050];
	v8 =	vmin.u32 v8, $0x65F;
	v6 =	vmin.u32 v6, $0x65F;
	v9 =	vadd.f32 $7.113407590e+02, v9  }
0x1b9: {  	v7 =	vand.u32 $0x7F0, v7;
	v8 =	vand.u32 $0x7F0, v8;
	v10 =	vadd.f32 $7.113407590e+02, v10  }
0x1ba: {  	v6 =	vand.u32 $0x7F0, v6;
	v7 =	vor.u32 v1, v7;
	v9 =	vtrunc.f32 v9  }
0x1bb: {  	v6 =	vadd.s32 v3, v6;
	v10 =	vtrunc.f32 v10;
	v9 =	vcvt.f32.s32 v9  }
0x1bc: {  	v11 =	vadd.f32 $7.113407590e+02, v11;
	v8 =	vor.u32 v1, v8;
	v10 =	vcvt.f32.s32 v10  }
0x1bd: {  	v12 =	vmul.f32 $1.509913330e+02, v12;
	v13 =	vmul.f32 $1.509913330e+02, v13;
	v9 =	vmin.u32 v9, $0x65F  }
0x1be: {  	v11 =	vtrunc.f32 v11;
	v10 =	vmin.u32 v10, $0x65F;
	v9 =	vand.u32 $0x7F0, v9  }
0x1bf: {  	[tilespmem:v7+s19+$0x0] =	vst.idx.add.f32.msk $0xffff, v2;
	v7 =	vcvt.f32.s32 v11;
	v10 =	vand.u32 $0x7F0, v10;
	v9 =	vadd.s32 v4, v9  }
0x1c0: {  	v12 =	vadd.f32 $7.113407590e+02, v12;
	[tilespmem:v6+s19+$0x0] =	vst.idx.add.f32.msk $0xffff, v2;
	v10 =	vadd.s32 v4, v10  }
0x1c1: {  	v13 =	vadd.f32 $7.113407590e+02, v13;
	[tilespmem:v8+s20+$0x0] =	vst.idx.add.f32.msk $0xffff, v2;
	v7 =	vmin.u32 v7, $0x65F  }
0x1c2: {  	s0 =	sand.u32 $0x7, s14;
	v11 =	vtrunc.f32 v12;
	v12 =	vld [tilespmem:s2+$0x4410];
	v7 =	vand.u32 $0x7F0, v7  }
0x1c3: {  	s0 =	sshll.u32 s0, $0xB;
	v8 =	vtrunc.f32 v13;
	v11 =	vcvt.f32.s32 v11;
	v13 =	vld [tilespmem:s2+$0xC410];
	v7 =	vadd.s32 v3, v7  }
0x1c4: {  	s25 =	sadd.s32 $0x0, s0;
	[tilespmem:v9+s19+$0x0] =	vst.idx.add.f32.msk $0xffff, v2  }
0x1c5: {  	s0 =	sor.u32 $0x470, s25;
	v11 =	vmin.u32 v11, $0x65F;
	[tilespmem:v10+s20+$0x0] =	vst.idx.add.f32.msk $0xffff, v2  }
0x1c6: {  	s5 =	simm.s32 $0x800;
	s23 =	simm.s32 $0x10;
	v11 =	vand.u32 $0x7F0, v11;
	v10 =	vld [tilespmem:s0+$0x4000]  }
0x1c7: {  	v9 =	vadd.s32 v3, v11;
	v11 =	vld [tilespmem:s0+$0xC000];
	s0 =	sand.u32 $0x3800, s5;
	s5 =	sand.u32 $0x380, s23  }
0x1c8: {  	[tilespmem:v7+s20+$0x0] =	vst.idx.add.f32.msk $0xffff, v2;
	s0 =	sor.u32 s5, s0  }
0x1c9: {  	v6 =	vmul.f32 $1.509913330e+02, v13;
	v13 =	vld [tilespmem:s0+$0x4440]  }
0x1ca: {  	v8 =	vcvt.f32.s32 v8;
	v14 =	vld [tilespmem:s0+$0xC440]  }
0x1cb: {  	v12 =	vmul.f32 $1.509913330e+02, v12;
	v16 =	vld [tilespmem:s0+$0x4000]  }
0x1cc: {  	v8 =	vmin.u32 v8, $0x65F;
	v17 =	vld [tilespmem:s0+$0xC000]  }
0x1cd: {  	v8 =	vand.u32 $0x7F0, v8;
	v7 =	vadd.f32 $7.113407590e+02, v12;
	v18 =	vld [tilespmem:s0+$0x4040]  }
0x1ce: {  	v8 =	vadd.s32 v3, v8;
	v6 =	vadd.f32 $7.113407590e+02, v6;
	v19 =	vld [tilespmem:s0+$0xC040]  }
0x1cf: {  	v7 =	vtrunc.f32 v7;
	v20 =	vld [tilespmem:s0+$0x4400]  }
0x1d0: {  	v6 =	vtrunc.f32 v6;
	v7 =	vcvt.f32.s32 v7;
	v57 =	vld [tilespmem:s0+$0xC400]  }
0x1d1: {  	v6 =	vcvt.f32.s32 v6;
	[tilespmem:v9+s19+$0x0] =	vst.idx.add.f32.msk $0xffff, v2  }
0x1d2: {  	v9 =	vld [tilespmem:s2+$0x4020];
	v7 =	vmin.u32 v7, $0x65F  }
0x1d3: {  	[tilespmem:v8+s20+$0x0] =	vst.idx.add.f32.msk $0xffff, v2;
	v6 =	vmin.u32 v6, $0x65F;
	v8 =	vmul.f32 $1.509913330e+02, v10;
	v11 =	vmul.f32 $1.509913330e+02, v11  }
0x1d4: {  	v7 =	vand.u32 $0x7F0, v7;
	v6 =	vand.u32 $0x7F0, v6;
	v13 =	vmul.f32 $1.509913330e+02, v13  }
0x1d5: {  	v10 =	vld [tilespmem:s2+$0xC020];
	v7 =	vadd.s32 v3, v7;
	v14 =	vmul.f32 $1.509913330e+02, v14;
	v16 =	vmul.f32 $1.509913330e+02, v16  }
0x1d6: {  	v12 =	vld [tilespmem:s2+$0x4060];
	v8 =	vadd.f32 $7.113407590e+02, v8;
	v17 =	vmul.f32 $1.509913330e+02, v17;
	v18 =	vmul.f32 $1.509913330e+02, v18  }
0x1d7: {  	v15 =	vld [tilespmem:s2+$0xC060];
	v11 =	vadd.f32 $7.113407590e+02, v11;
	v19 =	vmul.f32 $1.509913330e+02, v19;
	v20 =	vmul.f32 $1.509913330e+02, v20  }
0x1d8: {  	v6 =	vadd.s32 v3, v6;
	v21 =	vmul.f32 $1.509913330e+02, v57;
	v9 =	vmul.f32 $1.509913330e+02, v9  }
0x1d9: {  	v8 =	vtrunc.f32 v8;
	v11 =	vtrunc.f32 v11;
	v13 =	vadd.f32 $7.113407590e+02, v13  }
0x1da: {  	v14 =	vadd.f32 $7.113407590e+02, v14;
	v16 =	vadd.f32 $7.113407590e+02, v16;
	v8 =	vcvt.f32.s32 v8  }
0x1db: {  	v17 =	vadd.f32 $7.113407590e+02, v17;
	v11 =	vcvt.f32.s32 v11;
	v10 =	vmul.f32 $1.509913330e+02, v10  }
0x1dc: {  	v18 =	vadd.f32 $7.113407590e+02, v18;
	v12 =	vmul.f32 $1.509913330e+02, v12;
	v15 =	vmul.f32 $1.509913330e+02, v15  }
0x1dd: {  	v9 =	vadd.f32 $7.113407590e+02, v9;
	v13 =	vtrunc.f32 v13;
	v14 =	vtrunc.f32 v14  }
0x1de: {  	v16 =	vtrunc.f32 v16;
	[tilespmem:v7+s19+$0x0] =	vst.idx.add.f32.msk $0xffff, v2;
	v7 =	vadd.f32 $7.113407590e+02, v19;
	v17 =	vtrunc.f32 v17  }
0x1df: {  	v19 =	vadd.f32 $7.113407590e+02, v20;
	v8 =	vmin.u32 v8, $0x65F;
	v10 =	vadd.f32 $7.113407590e+02, v10  }
0x1e0: {  	v9 =	vtrunc.f32 v9;
	v12 =	vadd.f32 $7.113407590e+02, v12;
	v13 =	vcvt.f32.s32 v13  }
0x1e1: {  	v14 =	vcvt.f32.s32 v14;
	[tilespmem:v6+s20+$0x0] =	vst.idx.add.f32.msk $0xffff, v2;
	v6 =	vtrunc.f32 v18;
	v18 =	vadd.f32 $7.113407590e+02, v21  }
0x1e2: {  	v16 =	vcvt.f32.s32 v16;
	v15 =	vadd.f32 $7.113407590e+02, v15;
	v13 =	vmin.u32 v13, $0x65F  }
0x1e3: {  	v17 =	vcvt.f32.s32 v17;
	v14 =	vmin.u32 v14, $0x65F;
	v13 =	vand.u32 $0x7F0, v13  }
0x1e4: {  	v7 =	vtrunc.f32 v7;
	v14 =	vand.u32 $0x7F0, v14;
	v13 =	vor.u32 v1, v13  }
0x1e5: {  	v6 =	vcvt.f32.s32 v6;
	v9 =	vcvt.f32.s32 v9;
	v14 =	vor.u32 v1, v14  }
0x1e6: {  	v8 =	vand.u32 $0x7F0, v8;
	v10 =	vtrunc.f32 v10;
	v12 =	vtrunc.f32 v12  }
0x1e7: {  	v18 =	vtrunc.f32 v18;
	v16 =	vmin.u32 v16, $0x65F;
	v7 =	vcvt.f32.s32 v7  }
0x1e8: {  	v20 =	vld [tilespmem:s2+$0x4420];
	v16 =	vand.u32 $0x7F0, v16;
	v6 =	vmin.u32 v6, $0x65F;
	v9 =	vmin.u32 v9, $0x65F  }
0x1e9: {  	v12 =	vcvt.f32.s32 v12;
	v16 =	vor.u32 v1, v16;
	v6 =	vand.u32 $0x7F0, v6;
	[tilespmem:v13+s19+$0x0] =	vst.idx.add.f32.msk $0xffff, v2  }
0x1ea: {  	v9 =	vand.u32 $0x7F0, v9;
	v59 =	vor.u32 v1, v6;
	v13 =	vtrunc.f32 v19;
	[tilespmem:v14+s20+$0x0] =	vst.idx.add.f32.msk $0xffff, v2  }
0x1eb: {  	v12 =	vmin.u32 v12, $0x65F;
	v14 =	vmin.u32 v17, $0x65F;
	v13 =	vcvt.f32.s32 v13;
	v17 =	vld [tilespmem:s0+$0x4450]  }
0x1ec: {  	v18 =	vcvt.f32.s32 v18;
	v9 =	vadd.s32 v4, v9;
	v12 =	vand.u32 $0x7F0, v12;
	v19 =	vld [tilespmem:s0+$0xC450]  }
0x1ed: {  	v58 =	vld [tilespmem:s2+$0xC420];
	v12 =	vadd.s32 v4, v12;
	v14 =	vand.u32 $0x7F0, v14;
	v13 =	vmin.u32 v13, $0x65F  }
0x1ee: {  	v7 =	vmin.u32 v7, $0x65F;
	v14 =	vor.u32 v1, v14;
	v13 =	vand.u32 $0x7F0, v13  }
0x1ef: {  	v18 =	vmin.u32 v18, $0x65F;
	v7 =	vand.u32 $0x7F0, v7;
	[tilespmem:v16+s19+$0x0] =	vst.idx.add.f32.msk $0xffff, v2;
	v13 =	vor.u32 v1, v13  }
0x1f0: {  	[tilespmem:v59+s19+$0x0] =	vst.idx.add.f32.msk $0xffff, v2;
	v6 =	vmul.f32 $1.509913330e+02, v17;
	v17 =	vand.u32 $0x7F0, v18;
	v18 =	vor.u32 v1, v7  }
0x1f1: {  	v10 =	vcvt.f32.s32 v10;
	[tilespmem:v9+s19+$0x0] =	vst.idx.add.f32.msk $0xffff, v2;
	v7 =	vmul.f32 $1.509913330e+02, v19;
	v17 =	vor.u32 v1, v17  }
0x1f2: {  	v20 =	vmul.f32 $1.509913330e+02, v20;
	v21 =	vmul.f32 $1.509913330e+02, v58;
	[tilespmem:v12+s19+$0x0] =	vst.idx.add.f32.msk $0xffff, v2;
	v19 =	vadd.f32 $7.113407590e+02, v6  }
0x1f3: {  	[tilespmem:v14+s20+$0x0] =	vst.idx.add.f32.msk $0xffff, v2;
	v7 =	vadd.f32 $7.113407590e+02, v7;
	v6 =	vadd.s32 v5, v8;
	v8 =	vtrunc.f32 v15  }
0x1f4: {  	v11 =	vmin.u32 v11, $0x65F;
	[tilespmem:v13+s19+$0x0] =	vst.idx.add.f32.msk $0xffff, v2;
	v8 =	vcvt.f32.s32 v8;
	v14 =	vtrunc.f32 v19  }
0x1f5: {  	v11 =	vand.u32 $0x7F0, v11;
	v16 =	vtrunc.f32 v7;
	v14 =	vcvt.f32.s32 v14;
	[tilespmem:v18+s20+$0x0] =	vst.idx.add.f32.msk $0xffff, v2  }
0x1f6: {  	v7 =	vadd.s32 v5, v11;
	v11 =	vcvt.f32.s32 v16;
	v8 =	vmin.u32 v8, $0x65F;
	[tilespmem:v17+s20+$0x0] =	vst.idx.add.f32.msk $0xffff, v2  }
0x1f7: {  	v15 =	vadd.f32 $7.113407590e+02, v20;
	v18 =	vld [tilespmem:s0+$0x4050];
	v8 =	vand.u32 $0x7F0, v8;
	v13 =	vmin.u32 v14, $0x65F  }
0x1f8: {  	v19 =	vld [tilespmem:s0+$0xC050];
	v11 =	vmin.u32 v11, $0x65F;
	v8 =	vadd.s32 v4, v8;
	v13 =	vand.u32 $0x7F0, v13  }
0x1f9: {  	v16 =	vadd.f32 $7.113407590e+02, v21;
	v17 =	vld [tilespmem:s0+$0xC010];
	v11 =	vand.u32 $0x7F0, v11;
	v13 =	vadd.s32 v3, v13  }
0x1fa: {  	v10 =	vmin.u32 v10, $0x65F;
	v15 =	vtrunc.f32 v15;
	v60 =	vld [tilespmem:s0+$0xC410];
	v11 =	vadd.s32 v3, v11  }
0x1fb: {  	v10 =	vand.u32 $0x7F0, v10;
	v15 =	vcvt.f32.s32 v15;
	v14 =	vtrunc.f32 v16;
	v16 =	vld [tilespmem:s0+$0x4010]  }
0x1fc: {  	v10 =	vadd.s32 v4, v10;
	v20 =	vld [tilespmem:s0+$0x4410];
	v14 =	vcvt.f32.s32 v14;
	v18 =	vmul.f32 $1.509913330e+02, v18  }
0x1fd: {  	v19 =	vmul.f32 $1.509913330e+02, v19;
	[tilespmem:v8+s20+$0x0] =	vst.idx.add.f32.msk $0xffff, v2  }
0x1fe: {  	v15 =	vmin.u32 v15, $0x65F;
	v14 =	vmin.u32 v14, $0x65F;
	v18 =	vadd.f32 $7.113407590e+02, v18;
	[tilespmem:v13+s19+$0x0] =	vst.idx.add.f32.msk $0xffff, v2  }
0x1ff: {  	v14 =	vand.u32 $0x7F0, v14;
	v8 =	vmul.f32 $1.509913330e+02, v60;
	v19 =	vadd.f32 $7.113407590e+02, v19;
	[tilespmem:v11+s20+$0x0] =	vst.idx.add.f32.msk $0xffff, v2  }
0x200: {  	v13 =	vand.u32 $0x7F0, v15;
	v15 =	vmul.f32 $1.509913330e+02, v16;
	v18 =	vtrunc.f32 v18;
	v16 =	vld [tilespmem:s0+$0x4460]  }
0x201: {  	[tilespmem:v10+s20+$0x0] =	vst.idx.add.f32.msk $0xffff, v2;
	v14 =	vadd.s32 v4, v14;
	v10 =	vtrunc.f32 v19;
	v12 =	vcvt.f32.s32 v18  }
0x202: {  	v11 =	vmul.f32 $1.509913330e+02, v17;
	v13 =	vadd.s32 v4, v13;
	v17 =	vld [tilespmem:s0+$0xC460];
	v10 =	vcvt.f32.s32 v10  }
0x203: {  	v20 =	vmul.f32 $1.509913330e+02, v20;
	v8 =	vadd.f32 $7.113407590e+02, v8;
	v12 =	vmin.u32 v12, $0x65F  }
0x204: {  	v11 =	vadd.f32 $7.113407590e+02, v11;
	v10 =	vmin.u32 v10, $0x65F;
	v12 =	vand.u32 $0x7F0, v12  }
0x205: {  	s24 =	sor.u32 $0x70, s25;
	v10 =	vand.u32 $0x7F0, v10;
	v12 =	vadd.s32 v3, v12;
	v16 =	vmul.f32 $1.509913330e+02, v16  }
0x206: {  	v15 =	vadd.f32 $7.113407590e+02, v15;
	v8 =	vtrunc.f32 v8;
	v18 =	vld [tilespmem:s24+$0x4000];
	v10 =	vadd.s32 v3, v10  }
0x207: {  	v11 =	vtrunc.f32 v11;
	[tilespmem:v13+s19+$0x0] =	vst.idx.add.f32.msk $0xffff, v2;
	v17 =	vmul.f32 $1.509913330e+02, v17;
	v16 =	vadd.f32 $7.113407590e+02, v16  }
0x208: {  	v15 =	vtrunc.f32 v15;
	v9 =	vcvt.f32.s32 v11;
	[tilespmem:v14+s20+$0x0] =	vst.idx.add.f32.msk $0xffff, v2  }
0x209: {  	v11 =	vadd.f32 $7.113407590e+02, v20;
	v20 =	vld [tilespmem:s2+$0x4430];
	v17 =	vadd.f32 $7.113407590e+02, v17;
	v16 =	vtrunc.f32 v16  }
0x20a: {  	v15 =	vcvt.f32.s32 v15;
	[tilespmem:v12+s19+$0x0] =	vst.idx.add.f32.msk $0xffff, v2;
	v13 =	vcvt.f32.s32 v16  }
0x20b: {  	v8 =	vcvt.f32.s32 v8;
	v16 =	vtrunc.f32 v17;
	[tilespmem:v10+s20+$0x0] =	vst.idx.add.f32.msk $0xffff, v2  }
0x20c: {  	v15 =	vmin.u32 v15, $0x65F;
	v14 =	vcvt.f32.s32 v16;
	v16 =	vld [tilespmem:s2+$0x4030];
	v13 =	vmin.u32 v13, $0x65F  }
0x20d: {  	v11 =	vtrunc.f32 v11;
	v9 =	vmin.u32 v9, $0x65F;
	v31 =	vld [tilespmem:s0+$0xC060];
	v13 =	vand.u32 $0x7F0, v13  }
0x20e: {  	v15 =	vand.u32 $0x7F0, v15;
	v17 =	vld [tilespmem:s2+$0xC030];
	v14 =	vmin.u32 v14, $0x65F;
	v13 =	vadd.s32 v4, v13  }
0x20f: {  	v61 =	vld [tilespmem:s2+$0xC430];
	v11 =	vcvt.f32.s32 v11;
	v15 =	vadd.s32 v3, v15;
	v14 =	vand.u32 $0x7F0, v14  }
0x210: {  	v19 =	vld [tilespmem:s24+$0xC000];
	v8 =	vmin.u32 v8, $0x65F;
	v9 =	vand.u32 $0x7F0, v9;
	v14 =	vadd.s32 v4, v14  }
0x211: {  	v9 =	vadd.s32 v3, v9;
	v11 =	vmin.u32 v11, $0x65F;
	v16 =	vmul.f32 $1.509913330e+02, v16  }
0x212: {  	s25 =	simm.s32 $0x1;
	v8 =	vand.u32 $0x7F0, v8;
	v11 =	vand.u32 $0x7F0, v11;
	v21 =	vmul.f32 $1.509913330e+02, v31  }
0x213: {  	s14 =	sand.u32 $0x7, s25;
	v16 =	vadd.f32 $7.113407590e+02, v16;
	[tilespmem:v13+s19+$0x0] =	vst.idx.add.f32.msk $0xffff, v2;
	v13 =	vmul.f32 $1.509913330e+02, v17;
	v17 =	vmul.f32 $1.509913330e+02, v18  }
0x214: {  	s2 =	sshll.u32 s14, $0xB;
	[tilespmem:v15+s19+$0x0] =	vst.idx.add.f32.msk $0xffff, v2;
	v21 =	vadd.f32 $7.113407590e+02, v21;
	v18 =	vmul.f32 $1.509913330e+02, v20;
	v20 =	vmul.f32 $1.509913330e+02, v61  }
0x215: {  	v63 =	vadd.s32 v3, v11;
	s23 =	sadd.s32 $0x10, s2;
	[tilespmem:v14+s20+$0x0] =	vst.idx.add.f32.msk $0xffff, v2;
	v14 =	vmul.f32 $1.509913330e+02, v19;
	v16 =	vtrunc.f32 v16  }
0x216: {  	s2 =	sor.u32 $0x470, s23;
	[tilespmem:v9+s20+$0x0] =	vst.idx.add.f32.msk $0xffff, v2;
	v21 =	vtrunc.f32 v21;
	v13 =	vadd.f32 $7.113407590e+02, v13;
	v17 =	vadd.f32 $7.113407590e+02, v17  }
0x217: {  	s25 =	simm.s32 $0x20;
	s24 =	simm.s32 $0x1000;
	v19 =	vld [tilespmem:s2+$0x4000];
	v18 =	vadd.f32 $7.113407590e+02, v18;
	v20 =	vadd.f32 $7.113407590e+02, v20;
	v15 =	vcvt.f32.s32 v16  }
0x218: {  	s5 =	sand.u32 $0x380, s25;
	v62 =	vld [tilespmem:s2+$0xC000];
	s2 =	sand.u32 $0x3800, s24;
	v14 =	vadd.f32 $7.113407590e+02, v14;
	v13 =	vtrunc.f32 v13;
	v17 =	vtrunc.f32 v17  }
0x219: {  	v16 =	vadd.s32 v3, v8;
	s2 =	sor.u32 s5, s2;
	v11 =	vtrunc.f32 v18;
	v8 =	vtrunc.f32 v20;
	v18 =	vld [tilespmem:s0+$0xC020]  }
0x21a: {  	v23 =	vld [tilespmem:s2+$0x4440];
	v14 =	vtrunc.f32 v14;
	v12 =	vcvt.f32.s32 v13  }
0x21b: {  	v26 =	vld [tilespmem:s2+$0xC000];
	v10 =	vcvt.f32.s32 v17;
	v11 =	vcvt.f32.s32 v11  }
0x21c: {  	v28 =	vld [tilespmem:s2+$0xC040];
	v8 =	vcvt.f32.s32 v8;
	v14 =	vcvt.f32.s32 v14  }
0x21d: {  	v15 =	vmin.u32 v15, $0x65F;
	v29 =	vld [tilespmem:s2+$0xC400];
	v9 =	vmul.f32 $1.509913330e+02, v19;
	v13 =	vmul.f32 $1.509913330e+02, v62  }
0x21e: {  	v12 =	vmin.u32 v12, $0x65F;
	v10 =	vmin.u32 v10, $0x65F;
	v20 =	vmin.u32 v11, $0x65F  }
0x21f: {  	v14 =	vmin.u32 v14, $0x65F;
	v12 =	vand.u32 $0x7F0, v12;
	v24 =	vand.u32 $0x7F0, v10  }
0x220: {  	v19 =	vld [tilespmem:s0+$0x4060];
	v9 =	vadd.f32 $7.113407590e+02, v9;
	v18 =	vmul.f32 $1.509913330e+02, v18;
	v23 =	vmul.f32 $1.509913330e+02, v23  }
0x221: {  	v10 =	vld [tilespmem:s2+$0xC440];
	v13 =	vadd.f32 $7.113407590e+02, v13;
	v26 =	vmul.f32 $1.509913330e+02, v26;
	v28 =	vmul.f32 $1.509913330e+02, v28  }
0x222: {  	[tilespmem:v63+s19+$0x0] =	vst.idx.add.f32.msk $0xffff, v2;
	v29 =	vmul.f32 $1.509913330e+02, v29;
	v12 =	vadd.s32 v5, v12;
	v9 =	vtrunc.f32 v9  }
0x223: {  	v17 =	vld [tilespmem:s0+$0x4020];
	v13 =	vtrunc.f32 v13;
	v18 =	vadd.f32 $7.113407590e+02, v18;
	v23 =	vadd.f32 $7.113407590e+02, v23  }
0x224: {  	[tilespmem:v16+s20+$0x0] =	vst.idx.add.f32.msk $0xffff, v2;
	v26 =	vadd.f32 $7.113407590e+02, v26;
	v28 =	vadd.f32 $7.113407590e+02, v28;
	v9 =	vcvt.f32.s32 v9  }
0x225: {  	v37 =	vld [tilespmem:s0+$0x4420];
	v36 =	vadd.f32 $7.113407590e+02, v29;
	v11 =	vcvt.f32.s32 v13;
	v19 =	vmul.f32 $1.509913330e+02, v19  }
0x226: {  	v13 =	vand.u32 $0x7F0, v15;
	v10 =	vmul.f32 $1.509913330e+02, v10;
	v18 =	vtrunc.f32 v18  }
0x227: {  	v15 =	vmin.u32 v8, $0x65F;
	v23 =	vtrunc.f32 v23;
	v33 =	vtrunc.f32 v26  }
0x228: {  	v32 =	vld [tilespmem:s2+$0x4400];
	v16 =	vtrunc.f32 v28;
	v38 =	vtrunc.f32 v36;
	v13 =	vadd.s32 v5, v13  }
0x229: {  	v8 =	vmin.u32 v9, $0x65F;
	v9 =	vmul.f32 $1.509913330e+02, v17;
	v10 =	vadd.f32 $7.113407590e+02, v10  }
0x22a: {  	v30 =	vld [tilespmem:s0+$0xC420];
	v42 =	vmul.f32 $1.509913330e+02, v37;
	v23 =	vcvt.f32.s32 v23;
	v8 =	vand.u32 $0x7F0, v8  }
0x22b: {  	v17 =	vld [tilespmem:s2+$0x4000];
	v25 =	vadd.s32 v5, v8;
	v27 =	vadd.f32 $7.113407590e+02, v9;
	v10 =	vtrunc.f32 v10  }
0x22c: {  	v8 =	vand.u32 $0x7F0, v14;
	v9 =	vand.u32 $0x7F0, v20;
	v10 =	vcvt.f32.s32 v10  }
0x22d: {  	v14 =	vld [tilespmem:s2+$0x4040];
	v23 =	vmin.u32 v23, $0x65F;
	v20 =	vtrunc.f32 v27;
	v27 =	vmul.f32 $1.509913330e+02, v32  }
0x22e: {  	v22 =	vcvt.f32.s32 v38;
	v23 =	vand.u32 $0x7F0, v23;
	v10 =	vmin.u32 v10, $0x65F  }
0x22f: {  	v23 =	vor.u32 v1, v23;
	v34 =	vadd.f32 $7.113407590e+02, v27;
	v10 =	vand.u32 $0x7F0, v10  }
0x230: {  	v44 =	vmul.f32 $1.509913330e+02, v30;
	v17 =	vmul.f32 $1.509913330e+02, v17;
	v35 =	vor.u32 v1, v10  }
0x231: {  	v11 =	vmin.u32 v11, $0x65F;
	v22 =	vmin.u32 v22, $0x65F;
	v26 =	vtrunc.f32 v34  }
0x232: {  	[tilespmem:v6+s19+$0x0] =	vst.idx.add.f32.msk $0xffff, v2;
	v17 =	vadd.f32 $7.113407590e+02, v17;
	v14 =	vmul.f32 $1.509913330e+02, v14;
	v39 =	vcvt.f32.s32 v26  }
0x233: {  	[tilespmem:v7+s20+$0x0] =	vst.idx.add.f32.msk $0xffff, v2;
	v19 =	vadd.f32 $7.113407590e+02, v19;
	v16 =	vcvt.f32.s32 v16;
	v22 =	vand.u32 $0x7F0, v22  }
0x234: {  	v14 =	vadd.f32 $7.113407590e+02, v14;
	v17 =	vtrunc.f32 v17;
	[tilespmem:v23+s19+$0x0] =	vst.idx.add.f32.msk $0xffff, v2;
	v23 =	vmin.u32 v39, $0x65F  }
0x235: {  	v10 =	vand.u32 $0x7F0, v15;
	v17 =	vcvt.f32.s32 v17;
	v23 =	vand.u32 $0x7F0, v23;
	[tilespmem:v35+s20+$0x0] =	vst.idx.add.f32.msk $0xffff, v2  }
0x236: {  	v15 =	vcvt.f32.s32 v33;
	v14 =	vtrunc.f32 v14;
	v6 =	vor.u32 v1, v23;
	v40 =	vld [tilespmem:s2+$0x4450]  }
0x237: {  	v7 =	vor.u32 v1, v22;
	v17 =	vmin.u32 v17, $0x65F;
	v14 =	vcvt.f32.s32 v14;
	v27 =	vld [tilespmem:s2+$0xC450]  }
0x238: {  	v11 =	vand.u32 $0x7F0, v11;
	v15 =	vmin.u32 v15, $0x65F;
	v17 =	vand.u32 $0x7F0, v17  }
0x239: {  	v15 =	vand.u32 $0x7F0, v15;
	v14 =	vmin.u32 v14, $0x65F;
	v17 =	vor.u32 v1, v17  }
0x23a: {  	v16 =	vmin.u32 v16, $0x65F;
	[tilespmem:v25+s19+$0x0] =	vst.idx.add.f32.msk $0xffff, v2;
	v15 =	vor.u32 v1, v15;
	v14 =	vand.u32 $0x7F0, v14  }
0x23b: {  	v16 =	vand.u32 $0x7F0, v16;
	v14 =	vor.u32 v1, v14;
	[tilespmem:v6+s19+$0x0] =	vst.idx.add.f32.msk $0xffff, v2;
	v41 =	vmul.f32 $1.509913330e+02, v40  }
0x23c: {  	v45 =	vadd.f32 $7.113407590e+02, v42;
	v16 =	vor.u32 v1, v16;
	v43 =	vmul.f32 $1.509913330e+02, v27;
	[tilespmem:v7+s20+$0x0] =	vst.idx.add.f32.msk $0xffff, v2  }
0x23d: {  	v46 =	vadd.f32 $7.113407590e+02, v44;
	v19 =	vtrunc.f32 v19;
	v52 =	vld [tilespmem:s2+$0x4410];
	v23 =	vadd.f32 $7.113407590e+02, v41  }
0x23e: {  	v47 =	vtrunc.f32 v45;
	v20 =	vcvt.f32.s32 v20;
	[tilespmem:v17+s19+$0x0] =	vst.idx.add.f32.msk $0xffff, v2;
	v17 =	vadd.f32 $7.113407590e+02, v43  }
0x23f: {  	v11 =	vadd.s32 v5, v11;
	v48 =	vcvt.f32.s32 v47;
	[tilespmem:v15+s20+$0x0] =	vst.idx.add.f32.msk $0xffff, v2;
	v15 =	vtrunc.f32 v23  }
0x240: {  	[tilespmem:v14+s19+$0x0] =	vst.idx.add.f32.msk $0xffff, v2;
	v14 =	vcvt.f32.s32 v15;
	v15 =	vtrunc.f32 v17;
	v17 =	vmin.u32 v20, $0x65F  }
0x241: {  	[tilespmem:v16+s20+$0x0] =	vst.idx.add.f32.msk $0xffff, v2;
	v20 =	vadd.s32 v5, v24;
	v15 =	vcvt.f32.s32 v15;
	v16 =	vand.u32 $0x7F0, v17  }
0x242: {  	v51 =	vld [tilespmem:s2+$0xC050];
	v17 =	vtrunc.f32 v46;
	v25 =	vmul.f32 $1.509913330e+02, v52;
	v6 =	vmin.u32 v14, $0x65F  }
0x243: {  	v14 =	vcvt.f32.s32 v18;
	v6 =	vand.u32 $0x7F0, v6;
	v7 =	vmin.u32 v15, $0x65F  }
0x244: {  	v49 =	vld [tilespmem:s2+$0xC010];
	v18 =	vcvt.f32.s32 v19;
	v7 =	vand.u32 $0x7F0, v7;
	v6 =	vadd.s32 v3, v6  }
0x245: {  	v19 =	vld [tilespmem:s2+$0x4010];
	v17 =	vcvt.f32.s32 v17;
	v15 =	vcvt.f32.s32 v21;
	v7 =	vadd.s32 v3, v7  }
0x246: {  	[tilespmem:v13+s19+$0x0] =	vst.idx.add.f32.msk $0xffff, v2;
	v21 =	vmin.u32 v48, $0x65F;
	v14 =	vmin.u32 v14, $0x65F;
	v18 =	vmin.u32 v18, $0x65F  }
0x247: {  	v50 =	vld [tilespmem:s2+$0x4050];
	v17 =	vmin.u32 v17, $0x65F;
	v21 =	vand.u32 $0x7F0, v21;
	v54 =	vmul.f32 $1.509913330e+02, v51  }
0x248: {  	[tilespmem:v12+s20+$0x0] =	vst.idx.add.f32.msk $0xffff, v2;
	v15 =	vmin.u32 v15, $0x65F;
	v14 =	vand.u32 $0x7F0, v14;
	v18 =	vand.u32 $0x7F0, v18  }
0x249: {  	v17 =	vand.u32 $0x7F0, v17;
	v15 =	vand.u32 $0x7F0, v15;
	v13 =	vadd.f32 $7.113407590e+02, v54;
	[tilespmem:v6+s19+$0x0] =	vst.idx.add.f32.msk $0xffff, v2  }
0x24a: {  	v19 =	vmul.f32 $1.509913330e+02, v19;
	v6 =	vadd.s32 v4, v16;
	v16 =	vmul.f32 $1.509913330e+02, v49;
	[tilespmem:v7+s20+$0x0] =	vst.idx.add.f32.msk $0xffff, v2  }
0x24b: {  	v14 =	vadd.s32 v4, v14;
	v13 =	vtrunc.f32 v13;
	v7 =	vadd.s32 v4, v18;
	v53 =	vld [tilespmem:s2+$0x4460]  }
0x24c: {  	v18 =	vadd.f32 $7.113407590e+02, v19;
	v19 =	vmul.f32 $1.509913330e+02, v50;
	v16 =	vadd.f32 $7.113407590e+02, v16;
	v55 =	vld [tilespmem:s2+$0xC460]  }
0x24d: {  	[tilespmem:v11+s20+$0x0] =	vst.idx.add.f32.msk $0xffff, v2;
	v21 =	vadd.s32 v4, v21;
	v15 =	vadd.s32 v4, v15;
	v13 =	vcvt.f32.s32 v13  }
0x24e: {  	v56 =	vld [tilespmem:s2+$0xC410];
	v18 =	vtrunc.f32 v18;
	v19 =	vadd.f32 $7.113407590e+02, v19;
	v16 =	vtrunc.f32 v16  }
0x24f: {  	[tilespmem:v20+s19+$0x0] =	vst.idx.add.f32.msk $0xffff, v2;
	v11 =	vadd.s32 v4, v17;
	v17 =	vcvt.f32.s32 v18;
	v16 =	vcvt.f32.s32 v16  }
0x250: {  	v18 =	vtrunc.f32 v19;
	[tilespmem:v6+s19+$0x0] =	vst.idx.add.f32.msk $0xffff, v2;
	v19 =	vmul.f32 $1.509913330e+02, v53  }
0x251: {  	v13 =	vmin.u32 v13, $0x65F;
	[tilespmem:v14+s20+$0x0] =	vst.idx.add.f32.msk $0xffff, v2;
	v14 =	vmin.u32 v16, $0x65F;
	v16 =	vmul.f32 $1.509913330e+02, v55  }
0x252: {  	v8 =	vadd.s32 v5, v8;
	v13 =	vand.u32 $0x7F0, v13;
	[tilespmem:v7+s19+$0x0] =	vst.idx.add.f32.msk $0xffff, v2;
	v19 =	vadd.f32 $7.113407590e+02, v19  }
0x253: {  	v6 =	vadd.f32 $7.113407590e+02, v25;
	[tilespmem:v15+s20+$0x0] =	vst.idx.add.f32.msk $0xffff, v2;
	v15 =	vcvt.f32.s32 v18;
	v16 =	vadd.f32 $7.113407590e+02, v16  }
0x254: {  	[tilespmem:v21+s19+$0x0] =	vst.idx.add.f32.msk $0xffff, v2;
	v17 =	vmin.u32 v17, $0x65F;
	v7 =	vmul.f32 $1.509913330e+02, v56;
	v18 =	vtrunc.f32 v19  }
0x255: {  	[tilespmem:v11+s20+$0x0] =	vst.idx.add.f32.msk $0xffff, v2;
	v11 =	vmin.u32 v15, $0x65F;
	v16 =	vtrunc.f32 v16;
	v15 =	vcvt.f32.s32 v18  }
0x256: {  	v59 =	vld [tilespmem:s0+$0x4430];
	v17 =	vand.u32 $0x7F0, v17;
	v7 =	vadd.f32 $7.113407590e+02, v7;
	v16 =	vcvt.f32.s32 v16  }
0x257: {  	v17 =	vadd.s32 v3, v17;
	v11 =	vand.u32 $0x7F0, v11;
	v18 =	vld [tilespmem:s0+$0x4030];
	v15 =	vmin.u32 v15, $0x65F  }
0x258: {  	s23 =	sor.u32 $0x70, s23;
	v60 =	vld [tilespmem:s0+$0xC430];
	v11 =	vadd.s32 v3, v11;
	v16 =	vmin.u32 v16, $0x65F;
	v15 =	vand.u32 $0x7F0, v15  }
0x259: {  	v6 =	vtrunc.f32 v6;
	v57 =	vld [tilespmem:s23+$0x4000];
	v16 =	vand.u32 $0x7F0, v16;
	v15 =	vadd.s32 v4, v15  }
0x25a: {  	v6 =	vcvt.f32.s32 v6;
	v7 =	vtrunc.f32 v7;
	v19 =	vld [tilespmem:s0+$0xC030];
	v16 =	vadd.s32 v4, v16  }
0x25b: {  	v13 =	vadd.s32 v3, v13;
	v58 =	vld [tilespmem:s23+$0xC000];
	v14 =	vand.u32 $0x7F0, v14;
	v7 =	vcvt.f32.s32 v7;
	s0 =	simm.s32 $0x2  }
0x25c: {  	v12 =	vadd.s32 v3, v14;
	v6 =	vmin.u32 v6, $0x65F;
	s24 =	sand.u32 $0x7, s0;
	[tilespmem:v17+s19+$0x0] =	vst.idx.add.f32.msk $0xffff, v2;
	v14 =	vmul.f32 $1.509913330e+02, v18  }
0x25d: {  	v61 =	vmul.f32 $1.509913330e+02, v60;
	v6 =	vand.u32 $0x7F0, v6;
	v7 =	vmin.u32 v7, $0x65F;
	s5 =	sshll.u32 s24, $0xB;
	[tilespmem:v11+s19+$0x0] =	vst.idx.add.f32.msk $0xffff, v2  }
0x25e: {  	v6 =	vadd.s32 v3, v6;
	v7 =	vand.u32 $0x7F0, v7;
	s5 =	sadd.s32 $0x20, s5;
	v14 =	vadd.f32 $7.113407590e+02, v14;
	[tilespmem:v15+s19+$0x0] =	vst.idx.add.f32.msk $0xffff, v2  }
0x25f: {  	s25 =	sor.u32 $0x470, s5;
	v18 =	vadd.s32 v3, v7;
	v7 =	vmul.f32 $1.509913330e+02, v19;
	v15 =	vmul.f32 $1.509913330e+02, v57;
	[tilespmem:v16+s20+$0x0] =	vst.idx.add.f32.msk $0xffff, v2  }
0x260: {  	v17 =	vadd.f32 $7.113407590e+02, v61;
	v14 =	vtrunc.f32 v14;
	v16 =	vmul.f32 $1.509913330e+02, v58;
	v20 =	vld [tilespmem:s25+$0x4000]  }
0x261: {  	v19 =	vmul.f32 $1.509913330e+02, v59;
	v7 =	vadd.f32 $7.113407590e+02, v7;
	v11 =	vcvt.f32.s32 v14;
	v62 =	vld [tilespmem:s25+$0xC000]  }
0x262: {  	v14 =	vtrunc.f32 v17;
	v15 =	vadd.f32 $7.113407590e+02, v15;
	v16 =	vadd.f32 $7.113407590e+02, v16  }
0x263: {  	v19 =	vadd.f32 $7.113407590e+02, v19;
	v7 =	vtrunc.f32 v7;
	v14 =	vcvt.f32.s32 v14  }
0x264: {  	v9 =	vadd.s32 v5, v9;
	[tilespmem:v12+s20+$0x0] =	vst.idx.add.f32.msk $0xffff, v2;
	v15 =	vtrunc.f32 v15;
	v12 =	vtrunc.f32 v16  }
0x265: {  	v10 =	vadd.s32 v5, v10;
	[tilespmem:v13+s20+$0x0] =	vst.idx.add.f32.msk $0xffff, v2;
	v16 =	vtrunc.f32 v19;
	v13 =	vmul.f32 $1.509913330e+02, v20  }
0x266: {  	[tilespmem:v6+s19+$0x0] =	vst.idx.add.f32.msk $0xffff, v2;
	v19 =	vcvt.f32.s32 v7;
	v7 =	vmin.u32 v11, $0x65F;
	v6 =	vmul.f32 $1.509913330e+02, v62  }
0x267: {  	[tilespmem:v18+s20+$0x0] =	vst.idx.add.f32.msk $0xffff, v2;
	v63 =	vcvt.f32.s32 v12;
	v20 =	vcvt.f32.s32 v15;
	v13 =	vadd.f32 $7.113407590e+02, v13  }
0x268: {  	s28 =	simm.s32 $0x1800;
	v17 =	vld [tilespmem:s2+$0x4020];
	v12 =	vcvt.f32.s32 v16;
	v11 =	vmin.u32 v19, $0x65F;
	v15 =	vadd.f32 $7.113407590e+02, v6  }
0x269: {  	s23 =	simm.s32 $0x30;
	s14 =	sor.u32 $0x70, s5;
	v18 =	vld [tilespmem:s2+$0xC020];
	s25 =	simm.s32 $0x8;
	v6 =	vmin.u32 v63, $0x65F;
	v16 =	vtrunc.f32 v13;
	v13 =	vmin.u32 v20, $0x65F  }
.LBB2_7:
0x26a: {  	s5 =	sand.u32 $0x3800, s28;
	s24 =	sand.u32 $0x380, s23;
	v19 =	vld [tilespmem:s2+$0x4060];
	v16 =	vcvt.f32.s32 v16;
	v15 =	vtrunc.f32 v15;
	v20 =	vmin.u32 v12, $0x65F  }
0x26b: {  	v22 =	vand.u32 $0x7F0, v7;
	v14 =	vmin.u32 v14, $0x65F;
	s24 =	sor.u32 s24, s5;
	v21 =	vld [tilespmem:s2+$0xC060];
	v15 =	vcvt.f32.s32 v15  }
0x26c: {  	v12 =	vand.u32 $0x7F0, v11;
	v11 =	vand.u32 $0x7F0, v13;
	v23 =	vld [tilespmem:s24+$0x4440];
	v7 =	vmin.u32 v16, $0x65F  }
0x26d: {  	v13 =	vld [tilespmem:s24+$0xC440];
	v16 =	vmul.f32 $1.509913330e+02, v17;
	v7 =	vand.u32 $0x7F0, v7;
	v15 =	vmin.u32 v15, $0x65F  }
0x26e: {  	s25 =	sadd.s32 $0x4, s25;
	v17 =	vld [tilespmem:s24+$0x4000];
	v18 =	vmul.f32 $1.509913330e+02, v18;
	v15 =	vand.u32 $0x7F0, v15;
	v24 =	vadd.s32 v5, v7  }
0x26f: {  	p1 =	slt.u32 s25, $0xFC;
	v7 =	vand.u32 $0x7F0, v6;
	v25 =	vld [tilespmem:s24+$0xC000];
	v19 =	vmul.f32 $1.509913330e+02, v19;
	v15 =	vadd.s32 v5, v15  }
0x270: {  	v16 =	vadd.f32 $7.113407590e+02, v16;
	v26 =	vld [tilespmem:s24+$0x4040];
	v18 =	vadd.f32 $7.113407590e+02, v18;
	v21 =	vmul.f32 $1.509913330e+02, v21  }
0x271: {  	v6 =	vand.u32 $0x7F0, v20;
	v27 =	vld [tilespmem:s24+$0xC040];
	v23 =	vmul.f32 $1.509913330e+02, v23;
	v19 =	vadd.f32 $7.113407590e+02, v19  }
0x272: {  	v16 =	vtrunc.f32 v16;
	v20 =	vld [tilespmem:s24+$0x4400];
	v13 =	vmul.f32 $1.509913330e+02, v13;
	v21 =	vadd.f32 $7.113407590e+02, v21  }
0x273: {  	v18 =	vtrunc.f32 v18;
	v17 =	vmul.f32 $1.509913330e+02, v17;
	v23 =	vadd.f32 $7.113407590e+02, v23;
	[tilespmem:v24+s19+$0x0] =	vst.idx.add.f32.msk $0xffff, v2  }
0x274: {  	v19 =	vtrunc.f32 v19;
	v24 =	vmul.f32 $1.509913330e+02, v25;
	v13 =	vadd.f32 $7.113407590e+02, v13;
	[tilespmem:v15+s20+$0x0] =	vst.idx.add.f32.msk $0xffff, v2  }
0x275: {  	v15 =	vadd.f32 $7.113407590e+02, v17;
	v17 =	vmul.f32 $1.509913330e+02, v26;
	v25 =	vld [tilespmem:s24+$0xC400];
	v23 =	vtrunc.f32 v23  }
0x276: {  	v24 =	vadd.f32 $7.113407590e+02, v24;
	v23 =	vcvt.f32.s32 v23;
	v13 =	vtrunc.f32 v13;
	v26 =	vld [tilespmem:s2+$0x4420]  }
0x277: {  	v27 =	vmul.f32 $1.509913330e+02, v27;
	v17 =	vadd.f32 $7.113407590e+02, v17;
	v13 =	vcvt.f32.s32 v13;
	v28 =	vld [tilespmem:s2+$0xC420]  }
0x278: {  	v15 =	vtrunc.f32 v15;
	v20 =	vmul.f32 $1.509913330e+02, v20;
	v23 =	vmin.u32 v23, $0x65F;
	[tilespmem:v8+s20+$0x0] =	vst.idx.add.f32.msk $0xffff, v2  }
0x279: {  	v8 =	vadd.f32 $7.113407590e+02, v27;
	v13 =	vmin.u32 v13, $0x65F;
	v23 =	vand.u32 $0x7F0, v23;
	[tilespmem:v9+s19+$0x0] =	vst.idx.add.f32.msk $0xffff, v2  }
0x27a: {  	v9 =	vmul.f32 $1.509913330e+02, v25;
	v23 =	vor.u32 v1, v23;
	v13 =	vand.u32 $0x7F0, v13;
	[tilespmem:v10+s20+$0x0] =	vst.idx.add.f32.msk $0xffff, v2  }
0x27b: {  	v24 =	vtrunc.f32 v24;
	v10 =	vadd.f32 $7.113407590e+02, v20;
	v13 =	vor.u32 v1, v13  }
0x27c: {  	v17 =	vtrunc.f32 v17;
	v8 =	vtrunc.f32 v8;
	v9 =	vadd.f32 $7.113407590e+02, v9  }
0x27d: {  	v15 =	vcvt.f32.s32 v15;
	v20 =	vtrunc.f32 v10;
	v10 =	vand.u32 $0x7F0, v14  }
0x27e: {  	v22 =	vadd.s32 v5, v22;
	v14 =	vcvt.f32.s32 v24;
	v9 =	vtrunc.f32 v9  }
0x27f: {  	v15 =	vmin.u32 v15, $0x65F;
	v17 =	vcvt.f32.s32 v17;
	v8 =	vcvt.f32.s32 v8;
	[tilespmem:v23+s19+$0x0] =	vst.idx.add.f32.msk $0xffff, v2  }
0x280: {  	v20 =	vcvt.f32.s32 v20;
	v14 =	vmin.u32 v14, $0x65F;
	v9 =	vcvt.f32.s32 v9;
	[tilespmem:v13+s20+$0x0] =	vst.idx.add.f32.msk $0xffff, v2  }
0x281: {  	v8 =	vmin.u32 v8, $0x65F;
	v13 =	vand.u32 $0x7F0, v15;
	v15 =	vmin.u32 v17, $0x65F;
	v17 =	vld [tilespmem:s24+$0x4450]  }
0x282: {  	v14 =	vand.u32 $0x7F0, v14;
	v20 =	vmin.u32 v20, $0x65F;
	v9 =	vmin.u32 v9, $0x65F;
	v23 =	vld [tilespmem:s24+$0xC450]  }
0x283: {  	v8 =	vand.u32 $0x7F0, v8;
	v20 =	vand.u32 $0x7F0, v20;
	v15 =	vand.u32 $0x7F0, v15;
	[tilespmem:v22+s19+$0x0] =	vst.idx.add.f32.msk $0xffff, v2  }
0x284: {  	v14 =	vor.u32 v1, v14;
	v13 =	vor.u32 v1, v13;
	v9 =	vand.u32 $0x7F0, v9  }
0x285: {  	v20 =	vor.u32 v1, v20;
	v15 =	vor.u32 v1, v15;
	v22 =	vor.u32 v1, v8  }
0x286: {  	v24 =	vor.u32 v1, v9;
	v9 =	vmul.f32 $1.509913330e+02, v17;
	v17 =	vmul.f32 $1.509913330e+02, v26  }
0x287: {  	v25 =	vmul.f32 $1.509913330e+02, v28;
	v8 =	vadd.s32 v5, v12;
	v23 =	vmul.f32 $1.509913330e+02, v23  }
0x288: {  	v12 =	vtrunc.f32 v21;
	v9 =	vadd.f32 $7.113407590e+02, v9;
	v17 =	vadd.f32 $7.113407590e+02, v17  }
0x289: {  	v16 =	vcvt.f32.s32 v16;
	v21 =	vadd.f32 $7.113407590e+02, v25;
	[tilespmem:v13+s19+$0x0] =	vst.idx.add.f32.msk $0xffff, v2;
	v13 =	vadd.f32 $7.113407590e+02, v23  }
0x28a: {  	[tilespmem:v14+s20+$0x0] =	vst.idx.add.f32.msk $0xffff, v2;
	v14 =	vtrunc.f32 v9;
	v17 =	vtrunc.f32 v17;
	v9 =	vadd.s32 v5, v11  }
0x28b: {  	[tilespmem:v15+s19+$0x0] =	vst.idx.add.f32.msk $0xffff, v2;
	v11 =	vcvt.f32.s32 v14;
	v13 =	vtrunc.f32 v13;
	v14 =	vmin.u32 v16, $0x65F  }
0x28c: {  	v15 =	vtrunc.f32 v21;
	[tilespmem:v22+s20+$0x0] =	vst.idx.add.f32.msk $0xffff, v2;
	v13 =	vcvt.f32.s32 v13;
	v14 =	vand.u32 $0x7F0, v14  }
0x28d: {  	v16 =	vcvt.f32.s32 v18;
	v18 =	vcvt.f32.s32 v19;
	[tilespmem:v20+s19+$0x0] =	vst.idx.add.f32.msk $0xffff, v2;
	v11 =	vmin.u32 v11, $0x65F  }
0x28e: {  	v12 =	vcvt.f32.s32 v12;
	[tilespmem:v24+s20+$0x0] =	vst.idx.add.f32.msk $0xffff, v2;
	v11 =	vand.u32 $0x7F0, v11;
	v13 =	vmin.u32 v13, $0x65F  }
0x28f: {  	v17 =	vcvt.f32.s32 v17;
	v19 =	vld [tilespmem:s24+$0x4010];
	v13 =	vand.u32 $0x7F0, v13;
	v11 =	vadd.s32 v3, v11  }
0x290: {  	v15 =	vcvt.f32.s32 v15;
	v16 =	vmin.u32 v16, $0x65F;
	v20 =	vld [tilespmem:s24+$0xC010];
	v13 =	vadd.s32 v3, v13  }
0x291: {  	v12 =	vmin.u32 v12, $0x65F;
	v18 =	vmin.u32 v18, $0x65F;
	v17 =	vmin.u32 v17, $0x65F;
	v21 =	vld [tilespmem:s24+$0x4050]  }
0x292: {  	v16 =	vand.u32 $0x7F0, v16;
	v18 =	vand.u32 $0x7F0, v18;
	v15 =	vmin.u32 v15, $0x65F;
	v22 =	vld [tilespmem:s24+$0xC050]  }
0x293: {  	v12 =	vand.u32 $0x7F0, v12;
	v17 =	vand.u32 $0x7F0, v17;
	v15 =	vand.u32 $0x7F0, v15;
	v23 =	vld [tilespmem:s24+$0x4410]  }
0x294: {  	v19 =	vmul.f32 $1.509913330e+02, v19;
	[tilespmem:v11+s19+$0x0] =	vst.idx.add.f32.msk $0xffff, v2;
	v11 =	vadd.s32 v4, v14;
	v14 =	vadd.s32 v4, v16  }
0x295: {  	v12 =	vadd.s32 v4, v12;
	v16 =	vmul.f32 $1.509913330e+02, v20;
	[tilespmem:v13+s20+$0x0] =	vst.idx.add.f32.msk $0xffff, v2;
	v13 =	vadd.s32 v4, v18  }
0x296: {  	v17 =	vadd.s32 v4, v17;
	v18 =	vadd.f32 $7.113407590e+02, v19;
	v19 =	vmul.f32 $1.509913330e+02, v21;
	v20 =	vld [tilespmem:s24+$0x4460]  }
0x297: {  	v15 =	vadd.s32 v4, v15;
	v16 =	vadd.f32 $7.113407590e+02, v16;
	v21 =	vmul.f32 $1.509913330e+02, v22;
	v22 =	vld [tilespmem:s24+$0xC460]  }
0x298: {  	v18 =	vtrunc.f32 v18;
	v19 =	vadd.f32 $7.113407590e+02, v19;
	v24 =	vld [tilespmem:s24+$0xC410];
	v23 =	vmul.f32 $1.509913330e+02, v23  }
0x299: {  	v18 =	vcvt.f32.s32 v18;
	v16 =	vtrunc.f32 v16;
	v21 =	vadd.f32 $7.113407590e+02, v21;
	[tilespmem:v11+s19+$0x0] =	vst.idx.add.f32.msk $0xffff, v2  }
0x29a: {  	v11 =	vcvt.f32.s32 v16;
	v16 =	vtrunc.f32 v19;
	v19 =	vadd.f32 $7.113407590e+02, v23;
	[tilespmem:v14+s20+$0x0] =	vst.idx.add.f32.msk $0xffff, v2  }
0x29b: {  	v14 =	vmin.u32 v18, $0x65F;
	v18 =	vtrunc.f32 v21;
	v20 =	vmul.f32 $1.509913330e+02, v20;
	[tilespmem:v13+s19+$0x0] =	vst.idx.add.f32.msk $0xffff, v2  }
0x29c: {  	v11 =	vmin.u32 v11, $0x65F;
	v13 =	vtrunc.f32 v19;
	v19 =	vmul.f32 $1.509913330e+02, v22;
	[tilespmem:v12+s20+$0x0] =	vst.idx.add.f32.msk $0xffff, v2  }
0x29d: {  	v12 =	vcvt.f32.s32 v16;
	v16 =	vmul.f32 $1.509913330e+02, v24;
	v20 =	vadd.f32 $7.113407590e+02, v20;
	[tilespmem:v17+s19+$0x0] =	vst.idx.add.f32.msk $0xffff, v2  }
0x29e: {  	v17 =	vcvt.f32.s32 v18;
	v13 =	vcvt.f32.s32 v13;
	v18 =	vadd.f32 $7.113407590e+02, v19;
	[tilespmem:v15+s20+$0x0] =	vst.idx.add.f32.msk $0xffff, v2  }
0x29f: {  	v12 =	vmin.u32 v12, $0x65F;
	v15 =	vadd.f32 $7.113407590e+02, v16;
	v16 =	vtrunc.f32 v20;
	v19 =	vld [tilespmem:s2+$0x4030]  }
0x2a0: {  	v17 =	vmin.u32 v17, $0x65F;
	v16 =	vcvt.f32.s32 v16;
	v18 =	vtrunc.f32 v18;
	v20 =	vld [tilespmem:s2+$0xC030]  }
0x2a1: {  	v13 =	vmin.u32 v13, $0x65F;
	v15 =	vtrunc.f32 v15;
	v18 =	vcvt.f32.s32 v18;
	v21 =	vld [tilespmem:s14+$0x4000]  }
0x2a2: {  	v14 =	vand.u32 $0x7F0, v14;
	v15 =	vcvt.f32.s32 v15;
	v16 =	vmin.u32 v16, $0x65F;
	v22 =	vld [tilespmem:s14+$0xC000]  }
0x2a3: {  	v11 =	vand.u32 $0x7F0, v11;
	v16 =	vand.u32 $0x7F0, v16;
	v18 =	vmin.u32 v18, $0x65F;
	v23 =	vld [tilespmem:s2+$0x4430]  }
0x2a4: {  	v15 =	vmin.u32 v15, $0x65F;
	v18 =	vand.u32 $0x7F0, v18;
	v16 =	vadd.s32 v4, v16;
	v24 =	vld [tilespmem:s2+$0xC430];
	s2 =	smov.u32 s24  }
0x2a5: {  	v12 =	vand.u32 $0x7F0, v12;
	v17 =	vand.u32 $0x7F0, v17;
	v18 =	vadd.s32 v4, v18;
	[tilespmem:v8+s20+$0x0] =	vst.idx.add.f32.msk $0xffff, v2  }
0x2a6: {  	s0 =	sadd.s32 $0x1, s0;
	v14 =	vadd.s32 v3, v14;
	v8 =	vand.u32 $0x7F0, v13;
	v13 =	vand.u32 $0x7F0, v15;
	[tilespmem:v9+s19+$0x0] =	vst.idx.add.f32.msk $0xffff, v2  }
0x2a7: {  	s5 =	sand.u32 $0x7, s0;
	v9 =	vadd.s32 v3, v11;
	v11 =	vadd.s32 v3, v12;
	v12 =	vadd.s32 v3, v17  }
0x2a8: {  	s5 =	sshll.u32 s5, $0xB;
	v15 =	vadd.s32 v3, v8;
	v13 =	vadd.s32 v3, v13;
	v17 =	vmul.f32 $1.509913330e+02, v19  }
0x2a9: {  	s5 =	sadd.s32 s5, s23;
	v19 =	vmul.f32 $1.509913330e+02, v21;
	v8 =	vadd.s32 v5, v7;
	[tilespmem:v16+s19+$0x0] =	vst.idx.add.f32.msk $0xffff, v2;
	v16 =	vmul.f32 $1.509913330e+02, v20  }
0x2aa: {  	s14 =	sor.u32 $0x70, s5;
	s5 =	sor.u32 $0x470, s5;
	v7 =	vadd.f32 $7.113407590e+02, v17;
	v17 =	vmul.f32 $1.509913330e+02, v22;
	[tilespmem:v18+s20+$0x0] =	vst.idx.add.f32.msk $0xffff, v2;
	v18 =	vmul.f32 $1.509913330e+02, v23  }
0x2ab: {  	v19 =	vadd.f32 $7.113407590e+02, v19;
	v21 =	vmul.f32 $1.509913330e+02, v24;
	v20 =	vld [tilespmem:s5+$0x4000];
	v16 =	vadd.f32 $7.113407590e+02, v16  }
0x2ac: {  	v7 =	vtrunc.f32 v7;
	v17 =	vadd.f32 $7.113407590e+02, v17;
	v22 =	vld [tilespmem:s5+$0xC000];
	v18 =	vadd.f32 $7.113407590e+02, v18  }
0x2ad: {  	[tilespmem:v14+s19+$0x0] =	vst.idx.add.f32.msk $0xffff, v2;
	v14 =	vtrunc.f32 v16;
	v16 =	vtrunc.f32 v19;
	v19 =	vadd.f32 $7.113407590e+02, v21  }
0x2ae: {  	v17 =	vtrunc.f32 v17;
	[tilespmem:v9+s20+$0x0] =	vst.idx.add.f32.msk $0xffff, v2;
	v18 =	vtrunc.f32 v18;
	v9 =	vadd.s32 v5, v6  }
0x2af: {  	v10 =	vadd.s32 v5, v10;
	v6 =	vcvt.f32.s32 v7;
	[tilespmem:v11+s19+$0x0] =	vst.idx.add.f32.msk $0xffff, v2;
	v19 =	vtrunc.f32 v19  }
.Ltmp2:
0x2b0: {  	v14 =	vcvt.f32.s32 v14;
	[tilespmem:v12+s20+$0x0] =	vst.idx.add.f32.msk $0xffff, v2;
	v11 =	vmul.f32 $1.509913330e+02, v20;
	(pc) =	sbr.rel @p1 .LBB2_7-.Ltmp2, $4  }
0x2b1: {  	v7 =	vmin.u32 v6, $0x65F;
	v6 =	vcvt.f32.s32 v16;
	[tilespmem:v15+s19+$0x0] =	vst.idx.add.f32.msk $0xffff, v2;
	v15 =	vmul.f32 $1.509913330e+02, v22  }
0x2b2: {  	v20 =	vcvt.f32.s32 v17;
	v12 =	vcvt.f32.s32 v18;
	[tilespmem:v13+s20+$0x0] =	vst.idx.add.f32.msk $0xffff, v2;
	v13 =	vadd.f32 $7.113407590e+02, v11  }
0x2b3: {  	v11 =	vmin.u32 v14, $0x65F;
	v14 =	vcvt.f32.s32 v19;
	v17 =	vld [tilespmem:s2+$0x4020];
	v15 =	vadd.f32 $7.113407590e+02, v15  }
0x2b4: {  	s28 =	sadd.s32 $0x800, s28;
	s23 =	sadd.s32 $0x10, s23;
	v18 =	vld [tilespmem:s2+$0xC020];
	v16 =	vtrunc.f32 v13;
	v13 =	vmin.u32 v6, $0x65F;
	v6 =	vmin.u32 v20, $0x65F  }
0x2b5: {  	v19 =	vld [tilespmem:s2+$0x4060]  }
0x2b6: {  	v20 =	vld [tilespmem:s2+$0xC060]  }
0x2b7: {  	v21 =	vld [tilespmem:s2+$0x4420]  }
0x2b8: {  	v22 =	vld [tilespmem:s2+$0xC420];
	_ =	sdelay $0x1  }
0x2b9: {  	v17 =	vmul.f32 $1.509913330e+02, v17  }
0x2ba: {  	v18 =	vmul.f32 $1.509913330e+02, v18  }
0x2bb: {  	v19 =	vmul.f32 $1.509913330e+02, v19;
	v17 =	vadd.f32 $7.113407590e+02, v17;
	v20 =	vmul.f32 $1.509913330e+02, v20  }
0x2bc: {  	v21 =	vmul.f32 $1.509913330e+02, v21;
	v22 =	vmul.f32 $1.509913330e+02, v22;
	v18 =	vadd.f32 $7.113407590e+02, v18  }
0x2bd: {  	v19 =	vadd.f32 $7.113407590e+02, v19;
	v17 =	vtrunc.f32 v17;
	v20 =	vadd.f32 $7.113407590e+02, v20  }
0x2be: {  	v21 =	vadd.f32 $7.113407590e+02, v21;
	v18 =	vtrunc.f32 v18;
	v17 =	vcvt.f32.s32 v17  }
0x2bf: {  	v22 =	vadd.f32 $7.113407590e+02, v22;
	v19 =	vtrunc.f32 v19;
	v20 =	vtrunc.f32 v20  }
0x2c0: {  	v21 =	vtrunc.f32 v21;
	v18 =	vcvt.f32.s32 v18  }
0x2c1: {  	v22 =	vtrunc.f32 v22;
	v17 =	vmin.u32 v17, $0x65F;
	v19 =	vcvt.f32.s32 v19  }
0x2c2: {  	v21 =	vcvt.f32.s32 v21;
	v17 =	vand.u32 $0x7F0, v17;
	v18 =	vmin.u32 v18, $0x65F  }
0x2c3: {  	v19 =	vmin.u32 v19, $0x65F;
	v18 =	vand.u32 $0x7F0, v18;
	v17 =	vadd.s32 v4, v17  }
0x2c4: {  	v21 =	vmin.u32 v21, $0x65F;
	v19 =	vand.u32 $0x7F0, v19;
	v18 =	vadd.s32 v4, v18  }
0x2c5: {  	v20 =	vcvt.f32.s32 v20;
	v21 =	vand.u32 $0x7F0, v21;
	v19 =	vadd.s32 v4, v19  }
0x2c6: {  	v22 =	vcvt.f32.s32 v22;
	v21 =	vadd.s32 v4, v21  }
0x2c7: {  	v20 =	vmin.u32 v20, $0x65F  }
0x2c8: {  	v22 =	vmin.u32 v22, $0x65F;
	v20 =	vand.u32 $0x7F0, v20;
	[tilespmem:v17+s19+$0x0] =	vst.idx.add.f32.msk $0xffff, v2  }
0x2c9: {  	v22 =	vand.u32 $0x7F0, v22;
	v20 =	vadd.s32 v4, v20;
	[tilespmem:v18+s20+$0x0] =	vst.idx.add.f32.msk $0xffff, v2  }
0x2ca: {  	v22 =	vadd.s32 v4, v22;
	[tilespmem:v19+s19+$0x0] =	vst.idx.add.f32.msk $0xffff, v2  }
0x2cb: {  	[tilespmem:v21+s19+$0x0] =	vst.idx.add.f32.msk $0xffff, v2  }
0x2cc: {  	v17 =	vld [tilespmem:s2+$0x4030]  }
0x2cd: {  	v18 =	vld [tilespmem:s2+$0xC030]  }
0x2ce: {  	[tilespmem:v20+s20+$0x0] =	vst.idx.add.f32.msk $0xffff, v2  }
0x2cf: {  	v15 =	vtrunc.f32 v15;
	v16 =	vcvt.f32.s32 v16;
	[tilespmem:v22+s20+$0x0] =	vst.idx.add.f32.msk $0xffff, v2  }
0x2d0: {  	v12 =	vmin.u32 v12, $0x65F;
	v7 =	vand.u32 $0x7F0, v7;
	v14 =	vmin.u32 v14, $0x65F;
	v19 =	vld [tilespmem:s14+$0x4000]  }
0x2d1: {  	v11 =	vand.u32 $0x7F0, v11;
	v13 =	vand.u32 $0x7F0, v13;
	v6 =	vand.u32 $0x7F0, v6;
	v20 =	vld [tilespmem:s14+$0xC000]  }
0x2d2: {  	v15 =	vcvt.f32.s32 v15;
	v12 =	vand.u32 $0x7F0, v12;
	v14 =	vand.u32 $0x7F0, v14;
	v21 =	vld [tilespmem:s2+$0x4430]  }
0x2d3: {  	v7 =	vadd.s32 v5, v7;
	v11 =	vadd.s32 v5, v11;
	v13 =	vadd.s32 v5, v13;
	v22 =	vld [tilespmem:s2+$0xC430]  }
0x2d4: {  	v6 =	vadd.s32 v5, v6;
	v16 =	vmin.u32 v16, $0x65F;
	v48 =	vadd.s32 v5, v12  }
0x2d5: {  	v51 =	vadd.s32 v5, v14;
	v15 =	vmin.u32 v15, $0x65F;
	v17 =	vmul.f32 $1.509913330e+02, v17  }
0x2d6: {  	v16 =	vand.u32 $0x7F0, v16;
	v15 =	vand.u32 $0x7F0, v15;
	v18 =	vmul.f32 $1.509913330e+02, v18  }
0x2d7: {  	v19 =	vmul.f32 $1.509913330e+02, v19;
	v17 =	vadd.f32 $7.113407590e+02, v17;
	v20 =	vmul.f32 $1.509913330e+02, v20  }
0x2d8: {  	v21 =	vmul.f32 $1.509913330e+02, v21;
	v18 =	vadd.f32 $7.113407590e+02, v18;
	v22 =	vmul.f32 $1.509913330e+02, v22  }
0x2d9: {  	v19 =	vadd.f32 $7.113407590e+02, v19;
	v17 =	vtrunc.f32 v17;
	v20 =	vadd.f32 $7.113407590e+02, v20  }
0x2da: {  	[tilespmem:v8+s20+$0x0] =	vst.idx.add.f32.msk $0xffff, v2;
	v21 =	vadd.f32 $7.113407590e+02, v21;
	v43 =	vtrunc.f32 v18;
	v49 =	vcvt.f32.s32 v17  }
0x2db: {  	[tilespmem:v9+s19+$0x0] =	vst.idx.add.f32.msk $0xffff, v2;
	v45 =	vadd.f32 $7.113407590e+02, v22;
	v52 =	vcvt.f32.s32 v43;
	v44 =	vtrunc.f32 v19  }
0x2dc: {  	[tilespmem:v10+s20+$0x0] =	vst.idx.add.f32.msk $0xffff, v2;
	v16 =	vadd.s32 v5, v16;
	v46 =	vtrunc.f32 v20;
	v47 =	vtrunc.f32 v21  }
0x2dd: {  	v15 =	vadd.s32 v5, v15;
	[tilespmem:v7+s19+$0x0] =	vst.idx.add.f32.msk $0xffff, v2;
	v50 =	vtrunc.f32 v45;
	v53 =	vcvt.f32.s32 v44  }
0x2de: {  	[tilespmem:v13+s19+$0x0] =	vst.idx.add.f32.msk $0xffff, v2;
	v54 =	vmin.u32 v49, $0x65F;
	v55 =	vcvt.f32.s32 v46;
	v56 =	vcvt.f32.s32 v47  }
0x2df: {  	[tilespmem:v11+s20+$0x0] =	vst.idx.add.f32.msk $0xffff, v2;
	v7 =	vmin.u32 v52, $0x65F;
	v57 =	vcvt.f32.s32 v50;
	v10 =	vand.u32 $0x7F0, v54  }
0x2e0: {  	[tilespmem:v6+s20+$0x0] =	vst.idx.add.f32.msk $0xffff, v2;
	v7 =	vand.u32 $0x7F0, v7;
	v58 =	vmin.u32 v53, $0x65F;
	v10 =	vadd.s32 v5, v10  }
0x2e1: {  	[tilespmem:v48+s19+$0x0] =	vst.idx.add.f32.msk $0xffff, v2;
	v7 =	vadd.s32 v5, v7;
	v59 =	vmin.u32 v56, $0x65F;
	v11 =	vand.u32 $0x7F0, v58  }
0x2e2: {  	[tilespmem:v51+s20+$0x0] =	vst.idx.add.f32.msk $0xffff, v2;
	v12 =	vmin.u32 v55, $0x65F;
	v13 =	vand.u32 $0x7F0, v59;
	v6 =	vadd.s32 v5, v11  }
0x2e3: {  	[tilespmem:v16+s19+$0x0] =	vst.idx.add.f32.msk $0xffff, v2;
	v60 =	vmin.u32 v57, $0x65F;
	v12 =	vand.u32 $0x7F0, v12;
	v63 =	vadd.s32 v5, v13  }
0x2e4: {  	[tilespmem:v15+s20+$0x0] =	vst.idx.add.f32.msk $0xffff, v2;
	v62 =	vand.u32 $0x7F0, v60;
	v61 =	vadd.s32 v5, v12  }
0x2e5: {  	v9 =	vadd.s32 v5, v62;
	[tilespmem:v10+s19+$0x0] =	vst.idx.add.f32.msk $0xffff, v2  }
.Ltmp3:
0x2e6: {  	[tilespmem:v7+s20+$0x0] =	vst.idx.add.f32.msk $0xffff, v2;
	(pc) =	sbr.rel @p0 .LBB2_10-.Ltmp3, $4  }
0x2e7: {  	[tilespmem:v6+s19+$0x0] =	vst.idx.add.f32.msk $0xffff, v2  }
0x2e8: {  	[tilespmem:v63+s19+$0x0] =	vst.idx.add.f32.msk $0xffff, v2  }
0x2e9: {  	[tilespmem:v61+s20+$0x0] =	vst.idx.add.f32.msk $0xffff, v2  }
0x2ea: {  	[tilespmem:v9+s20+$0x0] =	vst.idx.add.f32.msk $0xffff, v2  }
0x2eb: {  	s0 =	sshll.u32 s31, $0xC  }
.Ltmp4:
0x2ec: {  	s0 =	sadd.s32 s0, s10;
	(pc) =	sbr.rel .LBB2_4-.Ltmp4, $4  }
0x2ed: {  	s2 =	sadd.s32 s1, s0  }
0x2ee: {  	[tilespmem:s15], [sflag:$0x2] =	stream.linear.gather [hbm4b:s2+s4], $0x4000, $0x38;
	[tilespmem:$0x14000] =	vst v63  }
0x2ef: {  	s31 =	sadd.s32 $0x1, s31;
	s0 =	sadd.s32 s3, s0  }
0x2f0: {  	[tilespmem:s16], [sflag:$0x4] =	stream.linear.gather [hbm4b:s0+s4], $0x4000, $0x38;
	[tilespmem:$0x14000] =	vst v63  }
.LBB2_10:
0x2f1: {  	s0 =	simm.s32 $0x0  }
0x2f2: {  	v7 =	vld [tilespmem:s0+$0x11980]  }
0x2f3: {  	v9 =	vld [tilespmem:s0+$0x11FE0]  }
0x2f4: {  	v6 =	vld [tilespmem:s0+$0x10000]  }
0x2f5: {  	v12 =	vld [tilespmem:s0+$0x12640]  }
0x2f6: {  	v8 =	vld [tilespmem:s0+$0x10660]  }
0x2f7: {  	v11 =	vld [tilespmem:s0+$0x12CA0]  }
0x2f8: {  	s2 =	simm.s32 $0x10;
	v13 =	vadd.f32 v9, v7;
	v9 =	vld [tilespmem:s0+$0x10CC0]  }
0x2f9: {  	v10 =	vld [tilespmem:s2+$0x11980]  }
0x2fa: {  	s14 =	simm.s32 $0x80;
	v7 =	vld [tilespmem:s0+$0x11320];
	v12 =	vadd.f32 v12, v13  }
.LBB2_11:
0x2fb: {  	p0 =	sne.s32 s14, $0x1940;
	v13 =	vld [tilespmem:s2+$0x11FE0];
	v8 =	vadd.f32 v8, v6  }
0x2fc: {  	v6 =	vld [tilespmem:s2+$0x10000];
	v11 =	vadd.f32 v11, v12  }
0x2fd: {  	v12 =	vld [tilespmem:s2+$0x12640];
	v9 =	vadd.f32 v9, v8  }
.Ltmp5:
0x2fe: {  	v8 =	vld [tilespmem:s2+$0x10660];
	[tilespmem:s0+$0x13980] =	vst v11;
	(pc) =	sbr.rel @p0 .LBB2_11-.Ltmp5, $4  }
0x2ff: {  	v11 =	vld [tilespmem:s2+$0x12CA0];
	v14 =	vadd.f32 v7, v9  }
0x300: {  	v13 =	vadd.f32 v13, v10;
	v9 =	vld [tilespmem:s2+$0x10CC0]  }
0x301: {  	v7 =	vld [tilespmem:s2+$0x11320];
	[tilespmem:s0+$0x13300] =	vst v14;
	s0 =	smov.u32 s2;
	s2 =	sshra.s32 s14, $0x2  }
0x302: {  	s14 =	sadd.s32 $0x40, s14;
	v10 =	vld [tilespmem:s2+$0x11980];
	v12 =	vadd.f32 v12, v13  }
0x303: {  	v13 =	vld [tilespmem:s2+$0x11FE0]  }
0x304: {  	v14 =	vld [tilespmem:s2+$0x10000];
	v11 =	vadd.f32 v11, v12  }
0x305: {  	v15 =	vld [tilespmem:s2+$0x10660]  }
0x306: {  	v60 =	vld [tilespmem:s2+$0x12640];
	[tilespmem:s0+$0x13980] =	vst v11  }
0x307: {  	v11 =	vld [tilespmem:s2+$0x10CC0]  }
0x308: {  	v6 =	vadd.f32 v8, v6;
	v61 =	vld [tilespmem:s2+$0x12CA0]  }
0x309: {  	v62 =	vld [tilespmem:s2+$0x11320];
	v10 =	vadd.f32 v13, v10  }
0x30a: {  	v6 =	vadd.f32 v9, v6;
	v63 =	vadd.f32 v15, v14  }
0x30b: {  	v10 =	vadd.f32 v60, v10  }
0x30c: {  	v6 =	vadd.f32 v7, v6;
	v7 =	vadd.f32 v11, v63  }
0x30d: {  	v8 =	vadd.f32 v61, v10  }
0x30e: {  	[tilespmem:s0+$0x13300] =	vst v6;
	v6 =	vadd.f32 v62, v7  }
0x30f: {  	[tilespmem:s2+$0x13980] =	vst v8  }
0x310: {  	s25 =	simm.s32 $0x80;
	s28 =	simm.s32 $0x400;
	s5 =	simm.s32 $0x13300;
	[tilespmem:s2+$0x13300] =	vst v6  }
0x311: {  	[hbm4b:s11+s25] =	stream.strided.scatter [tilespmem:s5], [sflag:$0x5], $0x680, s28, s25, $0x38;
	[tilespmem:$0x14000] =	vst v63  }
0x312: {  	s29 =	sadd.s32 $0x1, s29;
	_ =	swait.ge [sflag:s26], $0x680  }
0x313: {  	p0 =	sne.s32 s29, s13;
	[sflag:s26] =	ssyncset.done $0x0  }
.Ltmp6:
0x314: {  	s31 =	simm.s32 $0x13980;
	[sflag:s26] =	ssyncadd.s32 $0xFFFFF980;
	(pc) =	sbr.rel @p0 .LBB2_1-.Ltmp6, $4  }
0x315: {  	[hbm4b:s12+s25] =	stream.strided.scatter [tilespmem:s31], [sflag:$0x5], $0x680, s28, s25, $0x38;
	[tilespmem:$0x14000] =	vst v63  }
0x316: {  	_ =	swait.ge [sflag:s26], $0x680  }
0x317: {  	[sflag:s26] =	ssyncset.done $0x0  }
0x318: {  	[sflag:s26] =	ssyncadd.s32 $0xFFFFF980  }
0x319: {  	_ =	sfence.sel $0x180000  }
0x31a: {  	[bflag:$0x0] =	sbarrier.arrive $0xFFFF  }
0x31b: {  	_ =	strace $0x90000047  }
0x31c: {  	s0 =	stileid.u32;
	[bflag:$0x2] =	sbarrier.arrive $0xFFFF  }
0x31d: {  	p0 =	sne.s32 s0, $0x0;
	s0 =	rddreg [dreg:$0x3]  }
0x31e: {  	s0 =	sadd.s32 @!p0 $0x100000, s0  }
0x31f: {  	[sflag:s0] =	ssyncadd.tile.s32 @!p0 $0x1;
	_ =	shalt  }
.Lfunc_end2:
_tile_overlayer_lowered:
.L_overlay_start_2:
0x320: {  	(tag) =	ssettag $0x2  }
0x321: {  	s0 =	rddreg [dreg:$0x0];
	s2 =	stileid.u32  }
0x322: {  	s1 =	rddreg [dreg:$0x1];
	p0 =	sne.s32 s2, $0x0  }
0x323: {  	s3 =	rddreg [dreg:$0x2];
	[bflag:$0x3] =	sbarrier.arrive $0xFFFF;
	s2 =	simm.s32 @!p0 $0x1C05  }
0x324: {  	[timem:s3], [sflag:s2] =	dma.local @!p0 [hbm:s0], s1  }
0x325: {  	s0 =	simm.s32 @!p0 $0x5  }
0x326: {  	_ =	swait.ge @!p0 [sflag:s0], s1  }
0x327: {  	s1 =	ssub.s32 @!p0 $0x0, s1;
	[sflag:s0] =	ssyncset.done @!p0 $0x0  }
0x328: {  	[sflag:s0] =	ssyncadd.s32 @!p0 s1  }
0x329: {  	[bflag:$0x3] =	sbarrier.arrive $0xFFFF  }
0x32a: {  	_ =	shalt  }

</sc_bundles>
